<compile_context>
chip_gen: v7x
topology: tpu7x:2x2x1
jax: 0.10.2.dev20260603
libtpu: 0.0.44.dev20260713+nightly
codegen_flags: <defaults>
</compile_context>

<pallas_src>
import functools

import jax
import jax.numpy as jnp
from jax import lax
from jax.experimental import pallas as pl
from jax.experimental.pallas import tpu as pltpu
from jax.experimental.pallas import tpu_sc as plsc

NC, NS, L = 2, 16, 16
NW = NC * NS

_N = 10000
_E = 320000
_D = 128
_NPAD = 10240
_ACCR = 10112
_TRASH = 10048
_G = 48
_NBUF = 3
_EPW = _E // NW
_NCHUNK = 210
_EPAD = _NCHUNK * _G
_EPS = _E // NS

_mesh = plsc.VectorSubcoreMesh(
    core_axis_name="c", subcore_axis_name="s", num_cores=NC, num_subcores=NS
)
_sc_params = pltpu.CompilerParams(
    needs_layout_passes=False, use_tc_tiling_on_sc=False
)


def _fast_rsqrt(m):
    half = m * 0.5
    i = plsc.bitcast(m, jnp.int32)
    i = jnp.int32(0x5F3759DF) - lax.shift_right_arithmetic(i, 1)
    y = plsc.bitcast(i, jnp.float32)
    y = y * (1.5 - half * y * y)
    y = y * (1.5 - half * y * y)
    y = y * (1.5 - half * y * y)
    return y


@functools.partial(
    pl.kernel,
    out_type=jax.ShapeDtypeStruct((_E,), jnp.float32),
    mesh=_mesh,
    compiler_params=_sc_params,
    scratch_types=[
        pltpu.VMEM((_EPS,), jnp.int32),
        pltpu.VMEM((_EPS,), jnp.float32),
        pltpu.VMEM((_NPAD,), jnp.float32),
        pltpu.VMEM((NS * (_NPAD // NS),), jnp.float32),
        pltpu.VMEM((_NPAD // NS,), jnp.float32),
        pltpu.VMEM((_NPAD,), jnp.float32),
        pltpu.VMEM_SHARED((NS * _NPAD,), jnp.float32),
        pltpu.VMEM_SHARED((_NPAD,), jnp.float32),
    ],
)
def _sc_norm(src_hbm, dst_hbm, attr_hbm, norm_hbm, idx_v, attr_v, deg_v,
             sbuf_v, dchunk_v, dinv_v, slab_sh, dinv_sh):
    c = lax.axis_index("c")
    s = lax.axis_index("s")
    wid = c * NS + s
    nb = _NPAD // NS

    zero16 = jnp.zeros((L,), jnp.float32)

    def zbody(i, carry):
        deg_v[pl.ds(i * L, L)] = zero16
        return carry

    lax.fori_loop(0, _NPAD // L, zbody, 0)

    dbase = s * _EPS
    pltpu.sync_copy(dst_hbm.at[pl.ds(dbase, _EPS)], idx_v)
    pltpu.sync_copy(attr_hbm.at[pl.ds(dbase, _EPS)], attr_v)

    def ebody(i, carry):
        dv = idx_v[pl.ds(i * L, L)]
        av = attr_v[pl.ds(i * L, L)]
        plsc.addupdate_scatter(deg_v, [dv], av)
        return carry

    lax.fori_loop(0, _EPS // L, ebody, 0)

    pltpu.sync_copy(deg_v, slab_sh.at[pl.ds(s * _NPAD, _NPAD)])
    plsc.subcore_barrier()

    for r in range(NS):
        pltpu.sync_copy(
            slab_sh.at[pl.ds(r * _NPAD + s * nb, nb)],
            sbuf_v.at[pl.ds(r * nb, nb)],
        )

    def rbody(v, carry):
        acc = sbuf_v[pl.ds(v * L, L)]
        for r in range(1, NS):
            acc = acc + sbuf_v[pl.ds(r * nb + v * L, L)]
        y = _fast_rsqrt(jnp.maximum(acc, 1e-12))
        dchunk_v[pl.ds(v * L, L)] = jnp.where(acc > 0.0, y, 0.0)
        return carry

    lax.fori_loop(0, nb // L, rbody, 0)
    pltpu.sync_copy(dchunk_v, dinv_sh.at[pl.ds(s * nb, nb)])
    plsc.subcore_barrier()

    pltpu.sync_copy(dinv_sh, dinv_v)
    ebase = wid * _EPW
    pltpu.sync_copy(src_hbm.at[pl.ds(ebase, _EPW)], idx_v.at[pl.ds(0, _EPW)])
    pltpu.sync_copy(dst_hbm.at[pl.ds(ebase, _EPW)],
                    idx_v.at[pl.ds(_EPW, _EPW)])
    pltpu.sync_copy(attr_hbm.at[pl.ds(ebase, _EPW)],
                    attr_v.at[pl.ds(0, _EPW)])

    def nbody(i, carry):
        sv = idx_v[pl.ds(i * L, L)]
        dv = idx_v[pl.ds(_EPW + i * L, L)]
        av = attr_v[pl.ds(i * L, L)]
        nv = plsc.load_gather(dinv_v, [sv]) * plsc.load_gather(dinv_v, [dv])
        attr_v[pl.ds(i * L, L)] = nv * av
        return carry

    lax.fori_loop(0, _EPW // L, nbody, 0)
    pltpu.sync_copy(attr_v.at[pl.ds(0, _EPW)],
                    norm_hbm.at[pl.ds(ebase, _EPW)])


@functools.partial(
    pl.kernel,
    out_type=jax.ShapeDtypeStruct((NC, _ACCR, _D), jnp.float32),
    mesh=_mesh,
    compiler_params=_sc_params,
    scratch_types=[
        pltpu.VMEM((_EPAD,), jnp.int32),
        pltpu.VMEM((_EPAD,), jnp.int32),
        pltpu.VMEM((_EPAD,), jnp.float32),
        pltpu.VMEM((_G, _D), jnp.float32),
        pltpu.VMEM((_G, _D), jnp.float32),
        pltpu.VMEM((_G, _D), jnp.float32),
        pltpu.SemaphoreType.DMA,
        pltpu.SemaphoreType.DMA,
        pltpu.SemaphoreType.DMA,
        pltpu.SemaphoreType.DMA,
        pltpu.SemaphoreType.DMA,
        pltpu.SemaphoreType.DMA,
        pltpu.VMEM_SHARED((_ACCR, _D), jnp.float32),
    ],
)
def _sc_agg(h_hbm, src_hbm, dst_hbm, norm_hbm, part_hbm,
            src_v, dst_v, norm_v, rows0, rows1, rows2,
            gsem0, gsem1, gsem2, ssem0, ssem1, ssem2, acc_sh):
    c = lax.axis_index("c")
    s = lax.axis_index("s")
    wid = c * NS + s
    rpt = _ACCR // NS

    rows = (rows0, rows1, rows2)
    gsem = (gsem0, gsem1, gsem2)
    ssem = (ssem0, ssem1, ssem2)

    zero16 = jnp.zeros((L,), jnp.float32)

    def zb(i, carry):
        for q in range(_D // L):
            rows0[i, pl.ds(q * L, L)] = zero16
        return carry

    lax.fori_loop(0, _G, zb, 0)

    def zacc(j, carry):
        pltpu.sync_copy(rows0, acc_sh.at[pl.ds(s * rpt + j * _G, _G)])
        return carry

    lax.fori_loop(0, rpt // _G, zacc, 0)
    pltpu.sync_copy(rows0, acc_sh.at[pl.ds(s * rpt + rpt - _G, _G)])

    base = wid * _EPW
    pltpu.sync_copy(src_hbm.at[pl.ds(base, _EPW)], src_v.at[pl.ds(0, _EPW)])
    pltpu.sync_copy(dst_hbm.at[pl.ds(base, _EPW)], dst_v.at[pl.ds(0, _EPW)])
    pltpu.sync_copy(norm_hbm.at[pl.ds(base, _EPW)], norm_v.at[pl.ds(0, _EPW)])
    for t in range((_EPAD - _EPW) // L):
        src_v[pl.ds(_EPW + t * L, L)] = jnp.zeros((L,), jnp.int32)
        dst_v[pl.ds(_EPW + t * L, L)] = jnp.zeros((L,), jnp.int32) + _TRASH
        norm_v[pl.ds(_EPW + t * L, L)] = zero16

    plsc.subcore_barrier()

    def _gather(j, b):
        return pltpu.async_copy(
            h_hbm.at[src_v.at[pl.ds(j * _G, _G)]], rows[b], gsem[b]
        )

    def _scatter(j, b):
        return pltpu.async_copy(
            rows[b], acc_sh.at[dst_v.at[pl.ds(j * _G, _G)]], ssem[b], add=True
        )

    _gather(0, 0)

    def mbody(jo, carry):
        for b in range(_NBUF):
            j = jo * _NBUF + b
            bn = (b + 1) % _NBUF

            @pl.when(j >= 2)
            def _drain():
                pltpu.make_async_copy(
                    rows[bn], acc_sh.at[dst_v.at[pl.ds((j - 2) * _G, _G)]],
                    ssem[bn],
                ).wait()

            @pl.when(j + 1 < _NCHUNK)
            def _prefetch():
                _gather(j + 1, bn)

            pltpu.make_async_copy(
                h_hbm.at[src_v.at[pl.ds(j * _G, _G)]], rows[b], gsem[b]
            ).wait()

            def sbody(e, c2):
                idx = jnp.zeros((L,), jnp.int32) + (j * _G + e)
                nsc = plsc.load_gather(norm_v, [idx])
                for q in range(_D // L):
                    rows[b][e, pl.ds(q * L, L)] = (
                        rows[b][e, pl.ds(q * L, L)] * nsc
                    )
                return c2

            lax.fori_loop(0, _G, sbody, 0)
            _scatter(j, b)
        return carry

    lax.fori_loop(0, _NCHUNK // _NBUF, mbody, 0)

    for j in (_NCHUNK - 2, _NCHUNK - 1):
        b = j % _NBUF
        pltpu.make_async_copy(
            rows[b], acc_sh.at[dst_v.at[pl.ds(j * _G, _G)]], ssem[b]
        ).wait()

    plsc.subcore_barrier()
    pltpu.sync_copy(
        acc_sh.at[pl.ds(s * rpt, rpt)],
        part_hbm.at[c, pl.ds(s * rpt, rpt)],
    )


def _mm_body(x_ref, w_ref, o_ref):
    o_ref[...] = jnp.dot(
        x_ref[...], w_ref[...],
        preferred_element_type=jnp.float32,
        precision=lax.Precision.HIGHEST,
    )


def _comb_body(p0_ref, p1_ref, b_ref, o_ref):
    o_ref[...] = p0_ref[...] + p1_ref[...] + b_ref[...]


def kernel(x, edge_index, edge_attr, W, b):
    src = edge_index[0]
    dst = edge_index[1]

    h = pl.pallas_call(
        _mm_body,
        grid=(10,),
        in_specs=[
            pl.BlockSpec((_N // 10, _D), lambda i: (i, 0)),
            pl.BlockSpec((_D, _D), lambda i: (0, 0)),
        ],
        out_specs=pl.BlockSpec((_N // 10, _D), lambda i: (i, 0)),
        out_shape=jax.ShapeDtypeStruct((_N, _D), jnp.float32),
    )(x, W)

    norm = _sc_norm(src, dst, edge_attr)
    part = _sc_agg(h, src, dst, norm)

    out = pl.pallas_call(
        _comb_body,
        grid=(10,),
        in_specs=[
            pl.BlockSpec((_N // 10, _D), lambda i: (i, 0)),
            pl.BlockSpec((_N // 10, _D), lambda i: (i, 0)),
            pl.BlockSpec((1, _D), lambda i: (0, 0)),
        ],
        out_specs=pl.BlockSpec((_N // 10, _D), lambda i: (i, 0)),
        out_shape=jax.ShapeDtypeStruct((_N, _D), jnp.float32),
    )(part[0, :_N], part[1, :_N], b.reshape(1, _D))
    return out

# --- scband reference (transcript-rebuilt; emitter-appended) ---
"""Pipeline reference for scband-qgcn-22239340659480 (READ-ONLY COPY).

The authoritative reference and input builder live on the scoring server;
editing this copy changes nothing except your own understanding.
"""

import jax, jax.numpy as jnp
import numpy as np

N = 10000
E = 320000
D_IN = 128
D_OUT = 128


def setup_inputs(seed: int = 0) -> dict:
    key = jax.random.key(seed)
    k1, k2, k3, k4 = jax.random.split(key, 4)
    x = jax.random.normal(k1, (N, D_IN), dtype=jnp.float32)
    edge_index = jax.random.randint(k2, (2, E), 0, N, dtype=jnp.int32)
    edge_attr = jax.random.uniform(k3, (E,), dtype=jnp.float32)
    # learned parameters of the single QGraphConvolution layer (full-precision forward path)
    W = jax.random.normal(k4, (D_IN, D_OUT), dtype=jnp.float32) * (1.0 / np.sqrt(D_IN))
    b = jnp.zeros((D_OUT,), dtype=jnp.float32)
    return {"x": x, "edge_index": edge_index, "edge_attr": edge_attr, "W": W, "b": b}


def reference(x, edge_index, edge_attr, W, b):
    # full_precision_forward: single GCN-style graph convolution with scalar edge weights.
    src = edge_index[0]
    dst = edge_index[1]
    # weighted in-degree for symmetric normalization
    deg = jax.ops.segment_sum(edge_attr, dst, num_segments=N)
    dinv = jnp.where(deg > 0.0, jax.lax.rsqrt(jnp.maximum(deg, 1e-12)), 0.0)
    norm = dinv[src] * dinv[dst] * edge_attr
    # linear transform then gather-message-scatter aggregation
    h = x @ W
    msg = h[src] * norm[:, None]
    out = jax.ops.segment_sum(msg, dst, num_segments=N) + b
    return out

if __name__ == "__main__":
    import jax
    _d = setup_inputs()
    print(jax.jit(kernel)(*tuple(_d.values())))

</pallas_src>

<mosaic_0001>
#map = affine_map<(d0, d1) -> (0, 0)>
#map1 = affine_map<(d0, d1) -> (0)>
#map2 = affine_map<(d0, d1) -> (0, 0, 0)>
module attributes {stable_mosaic.version = 14 : i64} {
  func.func @_sc_agg(%arg0: i32, %arg1: i32, %arg2: memref<10000x128xf32, #tpu.memory_space<hbm>>, %arg3: memref<320000xi32, #tpu.memory_space<hbm>>, %arg4: memref<320000xi32, #tpu.memory_space<hbm>>, %arg5: memref<320000xf32, #tpu.memory_space<hbm>>, %arg6: memref<2x10112x128xf32, #tpu.memory_space<hbm>>, %arg7: memref<10080xi32, #tpu.memory_space<vmem>>, %arg8: memref<10080xi32, #tpu.memory_space<vmem>>, %arg9: memref<10080xf32, #tpu.memory_space<vmem>>, %arg10: memref<48x128xf32, #tpu.memory_space<vmem>>, %arg11: memref<48x128xf32, #tpu.memory_space<vmem>>, %arg12: memref<48x128xf32, #tpu.memory_space<vmem>>, %arg13: memref<!tpu.dma_semaphore, #tpu.memory_space<semaphore_mem>>, %arg14: memref<!tpu.dma_semaphore, #tpu.memory_space<semaphore_mem>>, %arg15: memref<!tpu.dma_semaphore, #tpu.memory_space<semaphore_mem>>, %arg16: memref<!tpu.dma_semaphore, #tpu.memory_space<semaphore_mem>>, %arg17: memref<!tpu.dma_semaphore, #tpu.memory_space<semaphore_mem>>, %arg18: memref<!tpu.dma_semaphore, #tpu.memory_space<semaphore_mem>>, %arg19: memref<10112x128xf32, #tpu.memory_space<vmem_shared>>) attributes {dimension_semantics = [#tpu.dimension_semantics<core_parallel>, #tpu.dimension_semantics<subcore_parallel>], iteration_bounds = array<i64: 2, 16>, scalar_prefetch = 0 : i64, scratch_operands = 13 : i64, tpu.core_type = #tpu.core_type<sc_vector_subcore>, window_params = [{transform_indices = #map}, {transform_indices = #map1}, {transform_indices = #map1}, {transform_indices = #map1}, {transform_indices = #map2}]} {
    %mul3A = arith.constant 16 : i32
    %mul3A_0 = arith.muli %arg0, %mul3A : i32
    %add3A = arith.addi %mul3A_0, %arg1 : i32
    %broadcast_in_dim3A = arith.constant 0.000000e+00 : f32
    %broadcast_in_dim3A_1 = vector.broadcast %broadcast_in_dim3A : f32 to vector<16xf32>
    %scan3A = arith.constant 0 : i32
    %scan3A_2 = arith.constant 0 : i32
    %scan3A_3 = arith.constant 48 : i32
    %scan3A_4 = arith.addi %scan3A_2, %scan3A_3 : i32
    %scan3A_5 = arith.constant 1 : i32
    scf.for %scan3A_108 = %scan3A_2 to %scan3A_4 step %scan3A_5  : i32 {
      %swap3A_109 = arith.index_cast %scan3A_108 : i32 to index
      %swap3A_110 = arith.constant 0 : index
      %swap3A_111 = tpu.vector_load %arg10[%swap3A_109, %swap3A_110] {strides = array<i32>} : memref<48x128xf32, #tpu.memory_space<vmem>>, vector<16xf32>,
      tpu.vector_store %arg10[%swap3A_109, %swap3A_110], %broadcast_in_dim3A_1 {strides = array<i32>} : memref<48x128xf32, #tpu.memory_space<vmem>>, vector<16xf32>,
      %swap3A_112 = arith.index_cast %scan3A_108 : i32 to index
      %swap3A_113 = arith.constant 16 : index
      %swap3A_114 = tpu.vector_load %arg10[%swap3A_112, %swap3A_113] {strides = array<i32>} : memref<48x128xf32, #tpu.memory_space<vmem>>, vector<16xf32>,
      tpu.vector_store %arg10[%swap3A_112, %swap3A_113], %broadcast_in_dim3A_1 {strides = array<i32>} : memref<48x128xf32, #tpu.memory_space<vmem>>, vector<16xf32>,
      %swap3A_115 = arith.index_cast %scan3A_108 : i32 to index
      %swap3A_116 = arith.constant 32 : index
      %swap3A_117 = tpu.vector_load %arg10[%swap3A_115, %swap3A_116] {strides = array<i32>} : memref<48x128xf32, #tpu.memory_space<vmem>>, vector<16xf32>,
      tpu.vector_store %arg10[%swap3A_115, %swap3A_116], %broadcast_in_dim3A_1 {strides = array<i32>} : memref<48x128xf32, #tpu.memory_space<vmem>>, vector<16xf32>,
      %swap3A_118 = arith.index_cast %scan3A_108 : i32 to index
      %swap3A_119 = arith.constant 48 : index
      %swap3A_120 = tpu.vector_load %arg10[%swap3A_118, %swap3A_119] {strides = array<i32>} : memref<48x128xf32, #tpu.memory_space<vmem>>, vector<16xf32>,
      tpu.vector_store %arg10[%swap3A_118, %swap3A_119], %broadcast_in_dim3A_1 {strides = array<i32>} : memref<48x128xf32, #tpu.memory_space<vmem>>, vector<16xf32>,
      %swap3A_121 = arith.index_cast %scan3A_108 : i32 to index
      %swap3A_122 = arith.constant 64 : index
      %swap3A_123 = tpu.vector_load %arg10[%swap3A_121, %swap3A_122] {strides = array<i32>} : memref<48x128xf32, #tpu.memory_space<vmem>>, vector<16xf32>,
      tpu.vector_store %arg10[%swap3A_121, %swap3A_122], %broadcast_in_dim3A_1 {strides = array<i32>} : memref<48x128xf32, #tpu.memory_space<vmem>>, vector<16xf32>,
      %swap3A_124 = arith.index_cast %scan3A_108 : i32 to index
      %swap3A_125 = arith.constant 80 : index
      %swap3A_126 = tpu.vector_load %arg10[%swap3A_124, %swap3A_125] {strides = array<i32>} : memref<48x128xf32, #tpu.memory_space<vmem>>, vector<16xf32>,
      tpu.vector_store %arg10[%swap3A_124, %swap3A_125], %broadcast_in_dim3A_1 {strides = array<i32>} : memref<48x128xf32, #tpu.memory_space<vmem>>, vector<16xf32>,
      %swap3A_127 = arith.index_cast %scan3A_108 : i32 to index
      %swap3A_128 = arith.constant 96 : index
      %swap3A_129 = tpu.vector_load %arg10[%swap3A_127, %swap3A_128] {strides = array<i32>} : memref<48x128xf32, #tpu.memory_space<vmem>>, vector<16xf32>,
      tpu.vector_store %arg10[%swap3A_127, %swap3A_128], %broadcast_in_dim3A_1 {strides = array<i32>} : memref<48x128xf32, #tpu.memory_space<vmem>>, vector<16xf32>,
      %swap3A_130 = arith.index_cast %scan3A_108 : i32 to index
      %swap3A_131 = arith.constant 112 : index
      %swap3A_132 = tpu.vector_load %arg10[%swap3A_130, %swap3A_131] {strides = array<i32>} : memref<48x128xf32, #tpu.memory_space<vmem>>, vector<16xf32>,
      tpu.vector_store %arg10[%swap3A_130, %swap3A_131], %broadcast_in_dim3A_1 {strides = array<i32>} : memref<48x128xf32, #tpu.memory_space<vmem>>, vector<16xf32>,
    }
    %scan3A_6 = arith.constant 48 : i32
    %scan3A_7 = arith.constant 0 : i32
    %scan3A_8 = arith.constant 0 : i32
    %scan3A_9 = arith.constant 13 : i32
    %scan3A_10 = arith.addi %scan3A_8, %scan3A_9 : i32
    %scan3A_11 = arith.constant 1 : i32
    scf.for %scan3A_108 = %scan3A_8 to %scan3A_10 step %scan3A_11  : i32 {
      %mul3A_109 = arith.constant 632 : i32
      %mul3A_110 = arith.muli %arg1, %mul3A_109 : i32
      %mul3A_111 = arith.constant 48 : i32
      %mul3A_112 = arith.muli %scan3A_108, %mul3A_111 : i32
      %add3A_113 = arith.addi %mul3A_110, %mul3A_112 : i32
      "tpu.region"() ({
        %run_scoped3A = tpu.sem_alloc : memref<!tpu.dma_semaphore, #tpu.memory_space<semaphore_mem>>
        %dma_start3A_114 = arith.constant 0 : i32
        %dma_start3A_115 = tpu.memref_slice %arg19[%add3A_113, %dma_start3A_114] : memref<10112x128xf32, #tpu.memory_space<vmem_shared>> -> memref<48x128xf32, #tpu.memory_space<vmem_shared>>
        %dma_start3A_116 = arith.constant 0 : i32
        %dma_start3A_117 = tpu.memref_slice %arg19[%add3A_113, %dma_start3A_116] : memref<10112x128xf32, #tpu.memory_space<vmem_shared>> -> memref<48x128xf32, #tpu.memory_space<vmem_shared>>
        tpu.enqueue_dma source(%arg10 : memref<48x128xf32, #tpu.memory_space<vmem>>) target(%dma_start3A_117 : memref<48x128xf32, #tpu.memory_space<vmem_shared>>) target_semaphore(%run_scoped3A : memref<!tpu.dma_semaphore, #tpu.memory_space<semaphore_mem>>)
        %dma_wait3A_118 = arith.constant 0 : i32
        %dma_wait3A_119 = tpu.memref_slice %arg19[%add3A_113, %dma_wait3A_118] : memref<10112x128xf32, #tpu.memory_space<vmem_shared>> -> memref<48x128xf32, #tpu.memory_space<vmem_shared>>
        %dma_wait3A_120 = arith.constant 0 : i32
        %dma_wait3A_121 = tpu.memref_slice %arg19[%add3A_113, %dma_wait3A_120] : memref<10112x128xf32, #tpu.memory_space<vmem_shared>> -> memref<48x128xf32, #tpu.memory_space<vmem_shared>>
        tpu.wait_dma2 semaphore(%run_scoped3A : memref<!tpu.dma_semaphore, #tpu.memory_space<semaphore_mem>>) src(%arg10 : memref<48x128xf32, #tpu.memory_space<vmem>>) dst(%dma_wait3A_121 : memref<48x128xf32, #tpu.memory_space<vmem_shared>>)
        tpu.yield
      }) : () -> ()
    }
    %scan3A_12 = arith.constant 13 : i32
    %mul3A_13 = arith.constant 632 : i32
    %mul3A_14 = arith.muli %arg1, %mul3A_13 : i32
    %add3A_15 = arith.constant 632 : i32
    %add3A_16 = arith.addi %mul3A_14, %add3A_15 : i32
    %sub3A = arith.constant 48 : i32
    %sub3A_17 = arith.subi %add3A_16, %sub3A : i32
    "tpu.region"() ({
      %run_scoped3A = tpu.sem_alloc : memref<!tpu.dma_semaphore, #tpu.memory_space<semaphore_mem>>
      %dma_start3A_108 = arith.constant 0 : i32
      %dma_start3A_109 = tpu.memref_slice %arg19[%sub3A_17, %dma_start3A_108] : memref<10112x128xf32, #tpu.memory_space<vmem_shared>> -> memref<48x128xf32, #tpu.memory_space<vmem_shared>>
      %dma_start3A_110 = arith.constant 0 : i32
      %dma_start3A_111 = tpu.memref_slice %arg19[%sub3A_17, %dma_start3A_110] : memref<10112x128xf32, #tpu.memory_space<vmem_shared>> -> memref<48x128xf32, #tpu.memory_space<vmem_shared>>
      tpu.enqueue_dma source(%arg10 : memref<48x128xf32, #tpu.memory_space<vmem>>) target(%dma_start3A_111 : memref<48x128xf32, #tpu.memory_space<vmem_shared>>) target_semaphore(%run_scoped3A : memref<!tpu.dma_semaphore, #tpu.memory_space<semaphore_mem>>)
      %dma_wait3A_112 = arith.constant 0 : i32
      %dma_wait3A_113 = tpu.memref_slice %arg19[%sub3A_17, %dma_wait3A_112] : memref<10112x128xf32, #tpu.memory_space<vmem_shared>> -> memref<48x128xf32, #tpu.memory_space<vmem_shared>>
      %dma_wait3A_114 = arith.constant 0 : i32
      %dma_wait3A_115 = tpu.memref_slice %arg19[%sub3A_17, %dma_wait3A_114] : memref<10112x128xf32, #tpu.memory_space<vmem_shared>> -> memref<48x128xf32, #tpu.memory_space<vmem_shared>>
      tpu.wait_dma2 semaphore(%run_scoped3A : memref<!tpu.dma_semaphore, #tpu.memory_space<semaphore_mem>>) src(%arg10 : memref<48x128xf32, #tpu.memory_space<vmem>>) dst(%dma_wait3A_115 : memref<48x128xf32, #tpu.memory_space<vmem_shared>>)
      tpu.yield
    }) : () -> ()
    %mul3A_18 = arith.constant 10000 : i32
    %mul3A_19 = arith.muli %add3A, %mul3A_18 : i32
    "tpu.region"() ({
      %run_scoped3A = tpu.sem_alloc : memref<!tpu.dma_semaphore, #tpu.memory_space<semaphore_mem>>
      %dma_start3A_108 = arith.constant 0 : i32
      %dma_start3A_109 = tpu.memref_slice %arg7[%dma_start3A_108] : memref<10080xi32, #tpu.memory_space<vmem>> -> memref<10000xi32, #tpu.memory_space<vmem>>
      %dma_start3A_110 = tpu.memref_slice %arg3[%mul3A_19] : memref<320000xi32, #tpu.memory_space<hbm>> -> memref<10000xi32, #tpu.memory_space<hbm>>
      %dma_start3A_111 = arith.constant 0 : i32
      %dma_start3A_112 = tpu.memref_slice %arg7[%dma_start3A_111] : memref<10080xi32, #tpu.memory_space<vmem>> -> memref<10000xi32, #tpu.memory_space<vmem>>
      %dma_start3A_113 = tpu.memref_slice %arg3[%mul3A_19] : memref<320000xi32, #tpu.memory_space<hbm>> -> memref<10000xi32, #tpu.memory_space<hbm>>
      tpu.enqueue_dma source(%dma_start3A_113 : memref<10000xi32, #tpu.memory_space<hbm>>) target(%dma_start3A_112 : memref<10000xi32, #tpu.memory_space<vmem>>) target_semaphore(%run_scoped3A : memref<!tpu.dma_semaphore, #tpu.memory_space<semaphore_mem>>)
      %dma_wait3A_114 = arith.constant 0 : i32
      %dma_wait3A_115 = tpu.memref_slice %arg7[%dma_wait3A_114] : memref<10080xi32, #tpu.memory_space<vmem>> -> memref<10000xi32, #tpu.memory_space<vmem>>
      %dma_wait3A_116 = tpu.memref_slice %arg3[%mul3A_19] : memref<320000xi32, #tpu.memory_space<hbm>> -> memref<10000xi32, #tpu.memory_space<hbm>>
      %dma_wait3A_117 = arith.constant 0 : i32
      %dma_wait3A_118 = tpu.memref_slice %arg7[%dma_wait3A_117] : memref<10080xi32, #tpu.memory_space<vmem>> -> memref<10000xi32, #tpu.memory_space<vmem>>
      %dma_wait3A_119 = tpu.memref_slice %arg3[%mul3A_19] : memref<320000xi32, #tpu.memory_space<hbm>> -> memref<10000xi32, #tpu.memory_space<hbm>>
      tpu.wait_dma2 semaphore(%run_scoped3A : memref<!tpu.dma_semaphore, #tpu.memory_space<semaphore_mem>>) src(%dma_wait3A_119 : memref<10000xi32, #tpu.memory_space<hbm>>) dst(%dma_wait3A_118 : memref<10000xi32, #tpu.memory_space<vmem>>)
      tpu.yield
    }) : () -> ()
    "tpu.region"() ({
      %run_scoped3A = tpu.sem_alloc : memref<!tpu.dma_semaphore, #tpu.memory_space<semaphore_mem>>
      %dma_start3A_108 = arith.constant 0 : i32
      %dma_start3A_109 = tpu.memref_slice %arg8[%dma_start3A_108] : memref<10080xi32, #tpu.memory_space<vmem>> -> memref<10000xi32, #tpu.memory_space<vmem>>
      %dma_start3A_110 = tpu.memref_slice %arg4[%mul3A_19] : memref<320000xi32, #tpu.memory_space<hbm>> -> memref<10000xi32, #tpu.memory_space<hbm>>
      %dma_start3A_111 = arith.constant 0 : i32
      %dma_start3A_112 = tpu.memref_slice %arg8[%dma_start3A_111] : memref<10080xi32, #tpu.memory_space<vmem>> -> memref<10000xi32, #tpu.memory_space<vmem>>
      %dma_start3A_113 = tpu.memref_slice %arg4[%mul3A_19] : memref<320000xi32, #tpu.memory_space<hbm>> -> memref<10000xi32, #tpu.memory_space<hbm>>
      tpu.enqueue_dma source(%dma_start3A_113 : memref<10000xi32, #tpu.memory_space<hbm>>) target(%dma_start3A_112 : memref<10000xi32, #tpu.memory_space<vmem>>) target_semaphore(%run_scoped3A : memref<!tpu.dma_semaphore, #tpu.memory_space<semaphore_mem>>)
      %dma_wait3A_114 = arith.constant 0 : i32
      %dma_wait3A_115 = tpu.memref_slice %arg8[%dma_wait3A_114] : memref<10080xi32, #tpu.memory_space<vmem>> -> memref<10000xi32, #tpu.memory_space<vmem>>
      %dma_wait3A_116 = tpu.memref_slice %arg4[%mul3A_19] : memref<320000xi32, #tpu.memory_space<hbm>> -> memref<10000xi32, #tpu.memory_space<hbm>>
      %dma_wait3A_117 = arith.constant 0 : i32
      %dma_wait3A_118 = tpu.memref_slice %arg8[%dma_wait3A_117] : memref<10080xi32, #tpu.memory_space<vmem>> -> memref<10000xi32, #tpu.memory_space<vmem>>
      %dma_wait3A_119 = tpu.memref_slice %arg4[%mul3A_19] : memref<320000xi32, #tpu.memory_space<hbm>> -> memref<10000xi32, #tpu.memory_space<hbm>>
      tpu.wait_dma2 semaphore(%run_scoped3A : memref<!tpu.dma_semaphore, #tpu.memory_space<semaphore_mem>>) src(%dma_wait3A_119 : memref<10000xi32, #tpu.memory_space<hbm>>) dst(%dma_wait3A_118 : memref<10000xi32, #tpu.memory_space<vmem>>)
      tpu.yield
    }) : () -> ()
    "tpu.region"() ({
      %run_scoped3A = tpu.sem_alloc : memref<!tpu.dma_semaphore, #tpu.memory_space<semaphore_mem>>
      %dma_start3A_108 = arith.constant 0 : i32
      %dma_start3A_109 = tpu.memref_slice %arg9[%dma_start3A_108] : memref<10080xf32, #tpu.memory_space<vmem>> -> memref<10000xf32, #tpu.memory_space<vmem>>
      %dma_start3A_110 = tpu.memref_slice %arg5[%mul3A_19] : memref<320000xf32, #tpu.memory_space<hbm>> -> memref<10000xf32, #tpu.memory_space<hbm>>
      %dma_start3A_111 = arith.constant 0 : i32
      %dma_start3A_112 = tpu.memref_slice %arg9[%dma_start3A_111] : memref<10080xf32, #tpu.memory_space<vmem>> -> memref<10000xf32, #tpu.memory_space<vmem>>
      %dma_start3A_113 = tpu.memref_slice %arg5[%mul3A_19] : memref<320000xf32, #tpu.memory_space<hbm>> -> memref<10000xf32, #tpu.memory_space<hbm>>
      tpu.enqueue_dma source(%dma_start3A_113 : memref<10000xf32, #tpu.memory_space<hbm>>) target(%dma_start3A_112 : memref<10000xf32, #tpu.memory_space<vmem>>) target_semaphore(%run_scoped3A : memref<!tpu.dma_semaphore, #tpu.memory_space<semaphore_mem>>)
      %dma_wait3A_114 = arith.constant 0 : i32
      %dma_wait3A_115 = tpu.memref_slice %arg9[%dma_wait3A_114] : memref<10080xf32, #tpu.memory_space<vmem>> -> memref<10000xf32, #tpu.memory_space<vmem>>
      %dma_wait3A_116 = tpu.memref_slice %arg5[%mul3A_19] : memref<320000xf32, #tpu.memory_space<hbm>> -> memref<10000xf32, #tpu.memory_space<hbm>>
      %dma_wait3A_117 = arith.constant 0 : i32
      %dma_wait3A_118 = tpu.memref_slice %arg9[%dma_wait3A_117] : memref<10080xf32, #tpu.memory_space<vmem>> -> memref<10000xf32, #tpu.memory_space<vmem>>
      %dma_wait3A_119 = tpu.memref_slice %arg5[%mul3A_19] : memref<320000xf32, #tpu.memory_space<hbm>> -> memref<10000xf32, #tpu.memory_space<hbm>>
      tpu.wait_dma2 semaphore(%run_scoped3A : memref<!tpu.dma_semaphore, #tpu.memory_space<semaphore_mem>>) src(%dma_wait3A_119 : memref<10000xf32, #tpu.memory_space<hbm>>) dst(%dma_wait3A_118 : memref<10000xf32, #tpu.memory_space<vmem>>)
      tpu.yield
    }) : () -> ()
    %broadcast_in_dim3A_20 = arith.constant 0 : i32
    %broadcast_in_dim3A_21 = vector.broadcast %broadcast_in_dim3A_20 : i32 to vector<16xi32>
    %swap3A = arith.constant 10000 : index
    %swap3A_22 = tpu.vector_load %arg7[%swap3A] {strides = array<i32>} : memref<10080xi32, #tpu.memory_space<vmem>>, vector<16xi32>,
    tpu.vector_store %arg7[%swap3A], %broadcast_in_dim3A_21 {strides = array<i32>} : memref<10080xi32, #tpu.memory_space<vmem>>, vector<16xi32>,
    %broadcast_in_dim3A_23 = arith.constant 0 : i32
    %broadcast_in_dim3A_24 = vector.broadcast %broadcast_in_dim3A_23 : i32 to vector<16xi32>
    %add3A_25 = arith.constant 10048 : i32
    %add3A_26 = vector.broadcast %add3A_25 : i32 to vector<16xi32>
    %add3A_27 = arith.addi %broadcast_in_dim3A_24, %add3A_26 : vector<16xi32>
    %swap3A_28 = arith.constant 10000 : index
    %swap3A_29 = tpu.vector_load %arg8[%swap3A_28] {strides = array<i32>} : memref<10080xi32, #tpu.memory_space<vmem>>, vector<16xi32>,
    tpu.vector_store %arg8[%swap3A_28], %add3A_27 {strides = array<i32>} : memref<10080xi32, #tpu.memory_space<vmem>>, vector<16xi32>,
    %swap3A_30 = arith.constant 10000 : index
    %swap3A_31 = tpu.vector_load %arg9[%swap3A_30] {strides = array<i32>} : memref<10080xf32, #tpu.memory_space<vmem>>, vector<16xf32>,
    tpu.vector_store %arg9[%swap3A_30], %broadcast_in_dim3A_1 {strides = array<i32>} : memref<10080xf32, #tpu.memory_space<vmem>>, vector<16xf32>,
    %broadcast_in_dim3A_32 = arith.constant 0 : i32
    %broadcast_in_dim3A_33 = vector.broadcast %broadcast_in_dim3A_32 : i32 to vector<16xi32>
    %swap3A_34 = arith.constant 10016 : index
    %swap3A_35 = tpu.vector_load %arg7[%swap3A_34] {strides = array<i32>} : memref<10080xi32, #tpu.memory_space<vmem>>, vector<16xi32>,
    tpu.vector_store %arg7[%swap3A_34], %broadcast_in_dim3A_33 {strides = array<i32>} : memref<10080xi32, #tpu.memory_space<vmem>>, vector<16xi32>,
    %broadcast_in_dim3A_36 = arith.constant 0 : i32
    %broadcast_in_dim3A_37 = vector.broadcast %broadcast_in_dim3A_36 : i32 to vector<16xi32>
    %add3A_38 = arith.constant 10048 : i32
    %add3A_39 = vector.broadcast %add3A_38 : i32 to vector<16xi32>
    %add3A_40 = arith.addi %broadcast_in_dim3A_37, %add3A_39 : vector<16xi32>
    %swap3A_41 = arith.constant 10016 : index
    %swap3A_42 = tpu.vector_load %arg8[%swap3A_41] {strides = array<i32>} : memref<10080xi32, #tpu.memory_space<vmem>>, vector<16xi32>,
    tpu.vector_store %arg8[%swap3A_41], %add3A_40 {strides = array<i32>} : memref<10080xi32, #tpu.memory_space<vmem>>, vector<16xi32>,
    %swap3A_43 = arith.constant 10016 : index
    %swap3A_44 = tpu.vector_load %arg9[%swap3A_43] {strides = array<i32>} : memref<10080xf32, #tpu.memory_space<vmem>>, vector<16xf32>,
    tpu.vector_store %arg9[%swap3A_43], %broadcast_in_dim3A_1 {strides = array<i32>} : memref<10080xf32, #tpu.memory_space<vmem>>, vector<16xf32>,
    %broadcast_in_dim3A_45 = arith.constant 0 : i32
    %broadcast_in_dim3A_46 = vector.broadcast %broadcast_in_dim3A_45 : i32 to vector<16xi32>
    %swap3A_47 = arith.constant 10032 : index
    %swap3A_48 = tpu.vector_load %arg7[%swap3A_47] {strides = array<i32>} : memref<10080xi32, #tpu.memory_space<vmem>>, vector<16xi32>,
    tpu.vector_store %arg7[%swap3A_47], %broadcast_in_dim3A_46 {strides = array<i32>} : memref<10080xi32, #tpu.memory_space<vmem>>, vector<16xi32>,
    %broadcast_in_dim3A_49 = arith.constant 0 : i32
    %broadcast_in_dim3A_50 = vector.broadcast %broadcast_in_dim3A_49 : i32 to vector<16xi32>
    %add3A_51 = arith.constant 10048 : i32
    %add3A_52 = vector.broadcast %add3A_51 : i32 to vector<16xi32>
    %add3A_53 = arith.addi %broadcast_in_dim3A_50, %add3A_52 : vector<16xi32>
    %swap3A_54 = arith.constant 10032 : index
    %swap3A_55 = tpu.vector_load %arg8[%swap3A_54] {strides = array<i32>} : memref<10080xi32, #tpu.memory_space<vmem>>, vector<16xi32>,
    tpu.vector_store %arg8[%swap3A_54], %add3A_53 {strides = array<i32>} : memref<10080xi32, #tpu.memory_space<vmem>>, vector<16xi32>,
    %swap3A_56 = arith.constant 10032 : index
    %swap3A_57 = tpu.vector_load %arg9[%swap3A_56] {strides = array<i32>} : memref<10080xf32, #tpu.memory_space<vmem>>, vector<16xf32>,
    tpu.vector_store %arg9[%swap3A_56], %broadcast_in_dim3A_1 {strides = array<i32>} : memref<10080xf32, #tpu.memory_space<vmem>>, vector<16xf32>,
    %broadcast_in_dim3A_58 = arith.constant 0 : i32
    %broadcast_in_dim3A_59 = vector.broadcast %broadcast_in_dim3A_58 : i32 to vector<16xi32>
    %swap3A_60 = arith.constant 10048 : index
    %swap3A_61 = tpu.vector_load %arg7[%swap3A_60] {strides = array<i32>} : memref<10080xi32, #tpu.memory_space<vmem>>, vector<16xi32>,
    tpu.vector_store %arg7[%swap3A_60], %broadcast_in_dim3A_59 {strides = array<i32>} : memref<10080xi32, #tpu.memory_space<vmem>>, vector<16xi32>,
    %broadcast_in_dim3A_62 = arith.constant 0 : i32
    %broadcast_in_dim3A_63 = vector.broadcast %broadcast_in_dim3A_62 : i32 to vector<16xi32>
    %add3A_64 = arith.constant 10048 : i32
    %add3A_65 = vector.broadcast %add3A_64 : i32 to vector<16xi32>
    %add3A_66 = arith.addi %broadcast_in_dim3A_63, %add3A_65 : vector<16xi32>
    %swap3A_67 = arith.constant 10048 : index
    %swap3A_68 = tpu.vector_load %arg8[%swap3A_67] {strides = array<i32>} : memref<10080xi32, #tpu.memory_space<vmem>>, vector<16xi32>,
    tpu.vector_store %arg8[%swap3A_67], %add3A_66 {strides = array<i32>} : memref<10080xi32, #tpu.memory_space<vmem>>, vector<16xi32>,
    %swap3A_69 = arith.constant 10048 : index
    %swap3A_70 = tpu.vector_load %arg9[%swap3A_69] {strides = array<i32>} : memref<10080xf32, #tpu.memory_space<vmem>>, vector<16xf32>,
    tpu.vector_store %arg9[%swap3A_69], %broadcast_in_dim3A_1 {strides = array<i32>} : memref<10080xf32, #tpu.memory_space<vmem>>, vector<16xf32>,
    %broadcast_in_dim3A_71 = arith.constant 0 : i32
    %broadcast_in_dim3A_72 = vector.broadcast %broadcast_in_dim3A_71 : i32 to vector<16xi32>
    %swap3A_73 = arith.constant 10064 : index
    %swap3A_74 = tpu.vector_load %arg7[%swap3A_73] {strides = array<i32>} : memref<10080xi32, #tpu.memory_space<vmem>>, vector<16xi32>,
    tpu.vector_store %arg7[%swap3A_73], %broadcast_in_dim3A_72 {strides = array<i32>} : memref<10080xi32, #tpu.memory_space<vmem>>, vector<16xi32>,
    %broadcast_in_dim3A_75 = arith.constant 0 : i32
    %broadcast_in_dim3A_76 = vector.broadcast %broadcast_in_dim3A_75 : i32 to vector<16xi32>
    %add3A_77 = arith.constant 10048 : i32
    %add3A_78 = vector.broadcast %add3A_77 : i32 to vector<16xi32>
    %add3A_79 = arith.addi %broadcast_in_dim3A_76, %add3A_78 : vector<16xi32>
    %swap3A_80 = arith.constant 10064 : index
    %swap3A_81 = tpu.vector_load %arg8[%swap3A_80] {strides = array<i32>} : memref<10080xi32, #tpu.memory_space<vmem>>, vector<16xi32>,
    tpu.vector_store %arg8[%swap3A_80], %add3A_79 {strides = array<i32>} : memref<10080xi32, #tpu.memory_space<vmem>>, vector<16xi32>,
    %swap3A_82 = arith.constant 10064 : index
    %swap3A_83 = tpu.vector_load %arg9[%swap3A_82] {strides = array<i32>} : memref<10080xf32, #tpu.memory_space<vmem>>, vector<16xf32>,
    tpu.vector_store %arg9[%swap3A_82], %broadcast_in_dim3A_1 {strides = array<i32>} : memref<10080xf32, #tpu.memory_space<vmem>>, vector<16xf32>,
    %barrier3A = arith.constant 0 : index
    tpu.barrier barrier_id(%barrier3A)
    %dma_start3A = arith.constant 0 : i32
    %dma_start3A_84 = tpu.memref_slice %arg7[%dma_start3A] : memref<10080xi32, #tpu.memory_space<vmem>> -> memref<48xi32, #tpu.memory_space<vmem>>
    %dma_start3A_85 = arith.constant 0 : i32
    %dma_start3A_86 = arith.constant 0 : i32
    %dma_start3A_87 = tpu.memref_slice %arg2[%dma_start3A_85, %dma_start3A_86] : memref<10000x128xf32, #tpu.memory_space<hbm>> -> memref<10000x128xf32, #tpu.memory_space<hbm>>
    tpu.enqueue_indirect_dma source(%dma_start3A_87 : memref<10000x128xf32, #tpu.memory_space<hbm>>) target(%arg10 : memref<48x128xf32, #tpu.memory_space<vmem>>) offsets(%dma_start3A_84 : memref<48xi32, #tpu.memory_space<vmem>>) semaphore(%arg13 : memref<!tpu.dma_semaphore, #tpu.memory_space<semaphore_mem>>)
    %scan3A_88 = arith.constant 0 : i32
    %scan3A_89 = arith.constant 0 : i32
    %scan3A_90 = arith.constant 70 : i32
    %scan3A_91 = arith.addi %scan3A_89, %scan3A_90 : i32
    %scan3A_92 = arith.constant 1 : i32
    scf.for %scan3A_108 = %scan3A_89 to %scan3A_91 step %scan3A_92  : i32 {
      %mul3A_109 = arith.constant 3 : i32
      %mul3A_110 = arith.muli %scan3A_108, %mul3A_109 : i32
      %add3A_111 = arith.constant 0 : i32
      %add3A_112 = arith.addi %mul3A_110, %add3A_111 : i32
      %ge3A = arith.constant 2 : i32
      %ge3A_113 = arith.cmpi sge, %add3A_112, %ge3A : i32
      %convert_element_type3A = arith.extui %ge3A_113 : i1 to i32
      %cond3A = arith.constant 0 : i32
      %cond3A_114 = arith.cmpi ne, %convert_element_type3A, %cond3A : i32
      scf.if %cond3A_114 {
        %sub3A_207 = arith.constant 2 : i32
        %sub3A_208 = arith.subi %add3A_112, %sub3A_207 : i32
        %mul3A_209 = arith.constant 48 : i32
        %mul3A_210 = arith.muli %sub3A_208, %mul3A_209 : i32
        %dma_wait3A_211 = tpu.memref_slice %arg8[%mul3A_210] : memref<10080xi32, #tpu.memory_space<vmem>> -> memref<48xi32, #tpu.memory_space<vmem>>
        %dma_wait3A_212 = arith.constant 0 : i32
        %dma_wait3A_213 = arith.constant 0 : i32
        %dma_wait3A_214 = tpu.memref_slice %arg19[%dma_wait3A_212, %dma_wait3A_213] : memref<10112x128xf32, #tpu.memory_space<vmem_shared>> -> memref<10112x128xf32, #tpu.memory_space<vmem_shared>>
        tpu.wait_indirect_dma semaphore(%arg17 : memref<!tpu.dma_semaphore, #tpu.memory_space<semaphore_mem>>) src(%arg11 : memref<48x128xf32, #tpu.memory_space<vmem>>) dst(%dma_wait3A_214 : memref<10112x128xf32, #tpu.memory_space<vmem_shared>>)
      } else {
      }
      %add3A_115 = arith.constant 1 : i32
      %add3A_116 = arith.addi %add3A_112, %add3A_115 : i32
      %lt3A = arith.constant 210 : i32
      %lt3A_117 = arith.cmpi slt, %add3A_116, %lt3A : i32
      %convert_element_type3A_118 = arith.extui %lt3A_117 : i1 to i32
      %cond3A_119 = arith.constant 0 : i32
      %cond3A_120 = arith.cmpi ne, %convert_element_type3A_118, %cond3A_119 : i32
      scf.if %cond3A_120 {
        %add3A_207 = arith.constant 1 : i32
        %add3A_208 = arith.addi %add3A_112, %add3A_207 : i32
        %mul3A_209 = arith.constant 48 : i32
        %mul3A_210 = arith.muli %add3A_208, %mul3A_209 : i32
        %dma_start3A_211 = tpu.memref_slice %arg7[%mul3A_210] : memref<10080xi32, #tpu.memory_space<vmem>> -> memref<48xi32, #tpu.memory_space<vmem>>
        %dma_start3A_212 = arith.constant 0 : i32
        %dma_start3A_213 = arith.constant 0 : i32
        %dma_start3A_214 = tpu.memref_slice %arg2[%dma_start3A_212, %dma_start3A_213] : memref<10000x128xf32, #tpu.memory_space<hbm>> -> memref<10000x128xf32, #tpu.memory_space<hbm>>
        tpu.enqueue_indirect_dma source(%dma_start3A_214 : memref<10000x128xf32, #tpu.memory_space<hbm>>) target(%arg11 : memref<48x128xf32, #tpu.memory_space<vmem>>) offsets(%dma_start3A_211 : memref<48xi32, #tpu.memory_space<vmem>>) semaphore(%arg14 : memref<!tpu.dma_semaphore, #tpu.memory_space<semaphore_mem>>)
      } else {
      }
      %mul3A_121 = arith.constant 48 : i32
      %mul3A_122 = arith.muli %add3A_112, %mul3A_121 : i32
      %dma_wait3A_123 = tpu.memref_slice %arg7[%mul3A_122] : memref<10080xi32, #tpu.memory_space<vmem>> -> memref<48xi32, #tpu.memory_space<vmem>>
      %dma_wait3A_124 = arith.constant 0 : i32
      %dma_wait3A_125 = arith.constant 0 : i32
      %dma_wait3A_126 = tpu.memref_slice %arg2[%dma_wait3A_124, %dma_wait3A_125] : memref<10000x128xf32, #tpu.memory_space<hbm>> -> memref<10000x128xf32, #tpu.memory_space<hbm>>
      tpu.wait_indirect_dma semaphore(%arg13 : memref<!tpu.dma_semaphore, #tpu.memory_space<semaphore_mem>>) src(%dma_wait3A_126 : memref<10000x128xf32, #tpu.memory_space<hbm>>) dst(%arg10 : memref<48x128xf32, #tpu.memory_space<vmem>>)
      %scan3A_127 = arith.constant 0 : i32
      %scan3A_128 = arith.constant 0 : i32
      %scan3A_129 = arith.constant 48 : i32
      %scan3A_130 = arith.addi %scan3A_128, %scan3A_129 : i32
      %scan3A_131 = arith.constant 1 : i32
      scf.for %scan3A_207 = %scan3A_128 to %scan3A_130 step %scan3A_131  : i32 {
        %broadcast_in_dim3A_208 = arith.constant 0 : i32
        %broadcast_in_dim3A_209 = vector.broadcast %broadcast_in_dim3A_208 : i32 to vector<16xi32>
        %mul3A_210 = arith.constant 48 : i32
        %mul3A_211 = arith.muli %add3A_112, %mul3A_210 : i32
        %add3A_212 = arith.addi %mul3A_211, %scan3A_207 : i32
        %add3A_213 = vector.broadcast %add3A_212 : i32 to vector<16xi32>
        %add3A_214 = arith.addi %broadcast_in_dim3A_209, %add3A_213 : vector<16xi32>
        %gather3A = tpu.vector_load_idx %arg9[%add3A_214] : memref<10080xf32, #tpu.memory_space<vmem>>[vector<16xi32>], vector<16xf32>,
        %get3A = arith.index_cast %scan3A_207 : i32 to index
        %get3A_215 = arith.constant 0 : index
        %get3A_216 = tpu.vector_load %arg10[%get3A, %get3A_215] {strides = array<i32>} : memref<48x128xf32, #tpu.memory_space<vmem>>, vector<16xf32>,
        %mul3A_217 = arith.mulf %get3A_216, %gather3A : vector<16xf32>
        %swap3A_218 = arith.index_cast %scan3A_207 : i32 to index
        %swap3A_219 = arith.constant 0 : index
        %swap3A_220 = tpu.vector_load %arg10[%swap3A_218, %swap3A_219] {strides = array<i32>} : memref<48x128xf32, #tpu.memory_space<vmem>>, vector<16xf32>,
        tpu.vector_store %arg10[%swap3A_218, %swap3A_219], %mul3A_217 {strides = array<i32>} : memref<48x128xf32, #tpu.memory_space<vmem>>, vector<16xf32>,
        %get3A_221 = arith.index_cast %scan3A_207 : i32 to index
        %get3A_222 = arith.constant 16 : index
        %get3A_223 = tpu.vector_load %arg10[%get3A_221, %get3A_222] {strides = array<i32>} : memref<48x128xf32, #tpu.memory_space<vmem>>, vector<16xf32>,
        %mul3A_224 = arith.mulf %get3A_223, %gather3A : vector<16xf32>
        %swap3A_225 = arith.index_cast %scan3A_207 : i32 to index
        %swap3A_226 = arith.constant 16 : index
        %swap3A_227 = tpu.vector_load %arg10[%swap3A_225, %swap3A_226] {strides = array<i32>} : memref<48x128xf32, #tpu.memory_space<vmem>>, vector<16xf32>,
        tpu.vector_store %arg10[%swap3A_225, %swap3A_226], %mul3A_224 {strides = array<i32>} : memref<48x128xf32, #tpu.memory_space<vmem>>, vector<16xf32>,
        %get3A_228 = arith.index_cast %scan3A_207 : i32 to index
        %get3A_229 = arith.constant 32 : index
        %get3A_230 = tpu.vector_load %arg10[%get3A_228, %get3A_229] {strides = array<i32>} : memref<48x128xf32, #tpu.memory_space<vmem>>, vector<16xf32>,
        %mul3A_231 = arith.mulf %get3A_230, %gather3A : vector<16xf32>
        %swap3A_232 = arith.index_cast %scan3A_207 : i32 to index
        %swap3A_233 = arith.constant 32 : index
        %swap3A_234 = tpu.vector_load %arg10[%swap3A_232, %swap3A_233] {strides = array<i32>} : memref<48x128xf32, #tpu.memory_space<vmem>>, vector<16xf32>,
        tpu.vector_store %arg10[%swap3A_232, %swap3A_233], %mul3A_231 {strides = array<i32>} : memref<48x128xf32, #tpu.memory_space<vmem>>, vector<16xf32>,
        %get3A_235 = arith.index_cast %scan3A_207 : i32 to index
        %get3A_236 = arith.constant 48 : index
        %get3A_237 = tpu.vector_load %arg10[%get3A_235, %get3A_236] {strides = array<i32>} : memref<48x128xf32, #tpu.memory_space<vmem>>, vector<16xf32>,
        %mul3A_238 = arith.mulf %get3A_237, %gather3A : vector<16xf32>
        %swap3A_239 = arith.index_cast %scan3A_207 : i32 to index
        %swap3A_240 = arith.constant 48 : index
        %swap3A_241 = tpu.vector_load %arg10[%swap3A_239, %swap3A_240] {strides = array<i32>} : memref<48x128xf32, #tpu.memory_space<vmem>>, vector<16xf32>,
        tpu.vector_store %arg10[%swap3A_239, %swap3A_240], %mul3A_238 {strides = array<i32>} : memref<48x128xf32, #tpu.memory_space<vmem>>, vector<16xf32>,
        %get3A_242 = arith.index_cast %scan3A_207 : i32 to index
        %get3A_243 = arith.constant 64 : index
        %get3A_244 = tpu.vector_load %arg10[%get3A_242, %get3A_243] {strides = array<i32>} : memref<48x128xf32, #tpu.memory_space<vmem>>, vector<16xf32>,
        %mul3A_245 = arith.mulf %get3A_244, %gather3A : vector<16xf32>
        %swap3A_246 = arith.index_cast %scan3A_207 : i32 to index
        %swap3A_247 = arith.constant 64 : index
        %swap3A_248 = tpu.vector_load %arg10[%swap3A_246, %swap3A_247] {strides = array<i32>} : memref<48x128xf32, #tpu.memory_space<vmem>>, vector<16xf32>,
        tpu.vector_store %arg10[%swap3A_246, %swap3A_247], %mul3A_245 {strides = array<i32>} : memref<48x128xf32, #tpu.memory_space<vmem>>, vector<16xf32>,
        %get3A_249 = arith.index_cast %scan3A_207 : i32 to index
        %get3A_250 = arith.constant 80 : index
        %get3A_251 = tpu.vector_load %arg10[%get3A_249, %get3A_250] {strides = array<i32>} : memref<48x128xf32, #tpu.memory_space<vmem>>, vector<16xf32>,
        %mul3A_252 = arith.mulf %get3A_251, %gather3A : vector<16xf32>
        %swap3A_253 = arith.index_cast %scan3A_207 : i32 to index
        %swap3A_254 = arith.constant 80 : index
        %swap3A_255 = tpu.vector_load %arg10[%swap3A_253, %swap3A_254] {strides = array<i32>} : memref<48x128xf32, #tpu.memory_space<vmem>>, vector<16xf32>,
        tpu.vector_store %arg10[%swap3A_253, %swap3A_254], %mul3A_252 {strides = array<i32>} : memref<48x128xf32, #tpu.memory_space<vmem>>, vector<16xf32>,
        %get3A_256 = arith.index_cast %scan3A_207 : i32 to index
        %get3A_257 = arith.constant 96 : index
        %get3A_258 = tpu.vector_load %arg10[%get3A_256, %get3A_257] {strides = array<i32>} : memref<48x128xf32, #tpu.memory_space<vmem>>, vector<16xf32>,
        %mul3A_259 = arith.mulf %get3A_258, %gather3A : vector<16xf32>
        %swap3A_260 = arith.index_cast %scan3A_207 : i32 to index
        %swap3A_261 = arith.constant 96 : index
        %swap3A_262 = tpu.vector_load %arg10[%swap3A_260, %swap3A_261] {strides = array<i32>} : memref<48x128xf32, #tpu.memory_space<vmem>>, vector<16xf32>,
        tpu.vector_store %arg10[%swap3A_260, %swap3A_261], %mul3A_259 {strides = array<i32>} : memref<48x128xf32, #tpu.memory_space<vmem>>, vector<16xf32>,
        %get3A_263 = arith.index_cast %scan3A_207 : i32 to index
        %get3A_264 = arith.constant 112 : index
        %get3A_265 = tpu.vector_load %arg10[%get3A_263, %get3A_264] {strides = array<i32>} : memref<48x128xf32, #tpu.memory_space<vmem>>, vector<16xf32>,
        %mul3A_266 = arith.mulf %get3A_265, %gather3A : vector<16xf32>
        %swap3A_267 = arith.index_cast %scan3A_207 : i32 to index
        %swap3A_268 = arith.constant 112 : index
        %swap3A_269 = tpu.vector_load %arg10[%swap3A_267, %swap3A_268] {strides = array<i32>} : memref<48x128xf32, #tpu.memory_space<vmem>>, vector<16xf32>,
        tpu.vector_store %arg10[%swap3A_267, %swap3A_268], %mul3A_266 {strides = array<i32>} : memref<48x128xf32, #tpu.memory_space<vmem>>, vector<16xf32>,
      }
      %scan3A_132 = arith.constant 48 : i32
      %mul3A_133 = arith.constant 48 : i32
      %mul3A_134 = arith.muli %add3A_112, %mul3A_133 : i32
      %dma_start3A_135 = tpu.memref_slice %arg8[%mul3A_134] : memref<10080xi32, #tpu.memory_space<vmem>> -> memref<48xi32, #tpu.memory_space<vmem>>
      %dma_start3A_136 = arith.constant 0 : i32
      %dma_start3A_137 = arith.constant 0 : i32
      %dma_start3A_138 = tpu.memref_slice %arg19[%dma_start3A_136, %dma_start3A_137] : memref<10112x128xf32, #tpu.memory_space<vmem_shared>> -> memref<10112x128xf32, #tpu.memory_space<vmem_shared>>
      tpu.enqueue_indirect_dma source(%arg10 : memref<48x128xf32, #tpu.memory_space<vmem>>) target(%dma_start3A_138 : memref<10112x128xf32, #tpu.memory_space<vmem_shared>>) offsets(%dma_start3A_135 : memref<48xi32, #tpu.memory_space<vmem>>) semaphore(%arg16 : memref<!tpu.dma_semaphore, #tpu.memory_space<semaphore_mem>>) {add = true}
      %mul3A_139 = arith.constant 3 : i32
      %mul3A_140 = arith.muli %scan3A_108, %mul3A_139 : i32
      %add3A_141 = arith.constant 1 : i32
      %add3A_142 = arith.addi %mul3A_140, %add3A_141 : i32
      %ge3A_143 = arith.constant 2 : i32
      %ge3A_144 = arith.cmpi sge, %add3A_142, %ge3A_143 : i32
      %convert_element_type3A_145 = arith.extui %ge3A_144 : i1 to i32
      %cond3A_146 = arith.constant 0 : i32
      %cond3A_147 = arith.cmpi ne, %convert_element_type3A_145, %cond3A_146 : i32
      scf.if %cond3A_147 {
        %sub3A_207 = arith.constant 2 : i32
        %sub3A_208 = arith.subi %add3A_142, %sub3A_207 : i32
        %mul3A_209 = arith.constant 48 : i32
        %mul3A_210 = arith.muli %sub3A_208, %mul3A_209 : i32
        %dma_wait3A_211 = tpu.memref_slice %arg8[%mul3A_210] : memref<10080xi32, #tpu.memory_space<vmem>> -> memref<48xi32, #tpu.memory_space<vmem>>
        %dma_wait3A_212 = arith.constant 0 : i32
        %dma_wait3A_213 = arith.constant 0 : i32
        %dma_wait3A_214 = tpu.memref_slice %arg19[%dma_wait3A_212, %dma_wait3A_213] : memref<10112x128xf32, #tpu.memory_space<vmem_shared>> -> memref<10112x128xf32, #tpu.memory_space<vmem_shared>>
        tpu.wait_indirect_dma semaphore(%arg18 : memref<!tpu.dma_semaphore, #tpu.memory_space<semaphore_mem>>) src(%arg12 : memref<48x128xf32, #tpu.memory_space<vmem>>) dst(%dma_wait3A_214 : memref<10112x128xf32, #tpu.memory_space<vmem_shared>>)
      } else {
      }
      %add3A_148 = arith.constant 1 : i32
      %add3A_149 = arith.addi %add3A_142, %add3A_148 : i32
      %lt3A_150 = arith.constant 210 : i32
      %lt3A_151 = arith.cmpi slt, %add3A_149, %lt3A_150 : i32
      %convert_element_type3A_152 = arith.extui %lt3A_151 : i1 to i32
      %cond3A_153 = arith.constant 0 : i32
      %cond3A_154 = arith.cmpi ne, %convert_element_type3A_152, %cond3A_153 : i32
      scf.if %cond3A_154 {
        %add3A_207 = arith.constant 1 : i32
        %add3A_208 = arith.addi %add3A_142, %add3A_207 : i32
        %mul3A_209 = arith.constant 48 : i32
        %mul3A_210 = arith.muli %add3A_208, %mul3A_209 : i32
        %dma_start3A_211 = tpu.memref_slice %arg7[%mul3A_210] : memref<10080xi32, #tpu.memory_space<vmem>> -> memref<48xi32, #tpu.memory_space<vmem>>
        %dma_start3A_212 = arith.constant 0 : i32
        %dma_start3A_213 = arith.constant 0 : i32
        %dma_start3A_214 = tpu.memref_slice %arg2[%dma_start3A_212, %dma_start3A_213] : memref<10000x128xf32, #tpu.memory_space<hbm>> -> memref<10000x128xf32, #tpu.memory_space<hbm>>
        tpu.enqueue_indirect_dma source(%dma_start3A_214 : memref<10000x128xf32, #tpu.memory_space<hbm>>) target(%arg12 : memref<48x128xf32, #tpu.memory_space<vmem>>) offsets(%dma_start3A_211 : memref<48xi32, #tpu.memory_space<vmem>>) semaphore(%arg15 : memref<!tpu.dma_semaphore, #tpu.memory_space<semaphore_mem>>)
      } else {
      }
      %mul3A_155 = arith.constant 48 : i32
      %mul3A_156 = arith.muli %add3A_142, %mul3A_155 : i32
      %dma_wait3A_157 = tpu.memref_slice %arg7[%mul3A_156] : memref<10080xi32, #tpu.memory_space<vmem>> -> memref<48xi32, #tpu.memory_space<vmem>>
      %dma_wait3A_158 = arith.constant 0 : i32
      %dma_wait3A_159 = arith.constant 0 : i32
      %dma_wait3A_160 = tpu.memref_slice %arg2[%dma_wait3A_158, %dma_wait3A_159] : memref<10000x128xf32, #tpu.memory_space<hbm>> -> memref<10000x128xf32, #tpu.memory_space<hbm>>
      tpu.wait_indirect_dma semaphore(%arg14 : memref<!tpu.dma_semaphore, #tpu.memory_space<semaphore_mem>>) src(%dma_wait3A_160 : memref<10000x128xf32, #tpu.memory_space<hbm>>) dst(%arg11 : memref<48x128xf32, #tpu.memory_space<vmem>>)
      %scan3A_161 = arith.constant 0 : i32
      %scan3A_162 = arith.constant 0 : i32
      %scan3A_163 = arith.constant 48 : i32
      %scan3A_164 = arith.addi %scan3A_162, %scan3A_163 : i32
      %scan3A_165 = arith.constant 1 : i32
      scf.for %scan3A_207 = %scan3A_162 to %scan3A_164 step %scan3A_165  : i32 {
        %broadcast_in_dim3A_208 = arith.constant 0 : i32
        %broadcast_in_dim3A_209 = vector.broadcast %broadcast_in_dim3A_208 : i32 to vector<16xi32>
        %mul3A_210 = arith.constant 48 : i32
        %mul3A_211 = arith.muli %add3A_142, %mul3A_210 : i32
        %add3A_212 = arith.addi %mul3A_211, %scan3A_207 : i32
        %add3A_213 = vector.broadcast %add3A_212 : i32 to vector<16xi32>
        %add3A_214 = arith.addi %broadcast_in_dim3A_209, %add3A_213 : vector<16xi32>
        %gather3A = tpu.vector_load_idx %arg9[%add3A_214] : memref<10080xf32, #tpu.memory_space<vmem>>[vector<16xi32>], vector<16xf32>,
        %get3A = arith.index_cast %scan3A_207 : i32 to index
        %get3A_215 = arith.constant 0 : index
        %get3A_216 = tpu.vector_load %arg11[%get3A, %get3A_215] {strides = array<i32>} : memref<48x128xf32, #tpu.memory_space<vmem>>, vector<16xf32>,
        %mul3A_217 = arith.mulf %get3A_216, %gather3A : vector<16xf32>
        %swap3A_218 = arith.index_cast %scan3A_207 : i32 to index
        %swap3A_219 = arith.constant 0 : index
        %swap3A_220 = tpu.vector_load %arg11[%swap3A_218, %swap3A_219] {strides = array<i32>} : memref<48x128xf32, #tpu.memory_space<vmem>>, vector<16xf32>,
        tpu.vector_store %arg11[%swap3A_218, %swap3A_219], %mul3A_217 {strides = array<i32>} : memref<48x128xf32, #tpu.memory_space<vmem>>, vector<16xf32>,
        %get3A_221 = arith.index_cast %scan3A_207 : i32 to index
        %get3A_222 = arith.constant 16 : index
        %get3A_223 = tpu.vector_load %arg11[%get3A_221, %get3A_222] {strides = array<i32>} : memref<48x128xf32, #tpu.memory_space<vmem>>, vector<16xf32>,
        %mul3A_224 = arith.mulf %get3A_223, %gather3A : vector<16xf32>
        %swap3A_225 = arith.index_cast %scan3A_207 : i32 to index
        %swap3A_226 = arith.constant 16 : index
        %swap3A_227 = tpu.vector_load %arg11[%swap3A_225, %swap3A_226] {strides = array<i32>} : memref<48x128xf32, #tpu.memory_space<vmem>>, vector<16xf32>,
        tpu.vector_store %arg11[%swap3A_225, %swap3A_226], %mul3A_224 {strides = array<i32>} : memref<48x128xf32, #tpu.memory_space<vmem>>, vector<16xf32>,
        %get3A_228 = arith.index_cast %scan3A_207 : i32 to index
        %get3A_229 = arith.constant 32 : index
        %get3A_230 = tpu.vector_load %arg11[%get3A_228, %get3A_229] {strides = array<i32>} : memref<48x128xf32, #tpu.memory_space<vmem>>, vector<16xf32>,
        %mul3A_231 = arith.mulf %get3A_230, %gather3A : vector<16xf32>
        %swap3A_232 = arith.index_cast %scan3A_207 : i32 to index
        %swap3A_233 = arith.constant 32 : index
        %swap3A_234 = tpu.vector_load %arg11[%swap3A_232, %swap3A_233] {strides = array<i32>} : memref<48x128xf32, #tpu.memory_space<vmem>>, vector<16xf32>,
        tpu.vector_store %arg11[%swap3A_232, %swap3A_233], %mul3A_231 {strides = array<i32>} : memref<48x128xf32, #tpu.memory_space<vmem>>, vector<16xf32>,
        %get3A_235 = arith.index_cast %scan3A_207 : i32 to index
        %get3A_236 = arith.constant 48 : index
        %get3A_237 = tpu.vector_load %arg11[%get3A_235, %get3A_236] {strides = array<i32>} : memref<48x128xf32, #tpu.memory_space<vmem>>, vector<16xf32>,
        %mul3A_238 = arith.mulf %get3A_237, %gather3A : vector<16xf32>
        %swap3A_239 = arith.index_cast %scan3A_207 : i32 to index
        %swap3A_240 = arith.constant 48 : index
        %swap3A_241 = tpu.vector_load %arg11[%swap3A_239, %swap3A_240] {strides = array<i32>} : memref<48x128xf32, #tpu.memory_space<vmem>>, vector<16xf32>,
        tpu.vector_store %arg11[%swap3A_239, %swap3A_240], %mul3A_238 {strides = array<i32>} : memref<48x128xf32, #tpu.memory_space<vmem>>, vector<16xf32>,
        %get3A_242 = arith.index_cast %scan3A_207 : i32 to index
        %get3A_243 = arith.constant 64 : index
        %get3A_244 = tpu.vector_load %arg11[%get3A_242, %get3A_243] {strides = array<i32>} : memref<48x128xf32, #tpu.memory_space<vmem>>, vector<16xf32>,
        %mul3A_245 = arith.mulf %get3A_244, %gather3A : vector<16xf32>
        %swap3A_246 = arith.index_cast %scan3A_207 : i32 to index
        %swap3A_247 = arith.constant 64 : index
        %swap3A_248 = tpu.vector_load %arg11[%swap3A_246, %swap3A_247] {strides = array<i32>} : memref<48x128xf32, #tpu.memory_space<vmem>>, vector<16xf32>,
        tpu.vector_store %arg11[%swap3A_246, %swap3A_247], %mul3A_245 {strides = array<i32>} : memref<48x128xf32, #tpu.memory_space<vmem>>, vector<16xf32>,
        %get3A_249 = arith.index_cast %scan3A_207 : i32 to index
        %get3A_250 = arith.constant 80 : index
        %get3A_251 = tpu.vector_load %arg11[%get3A_249, %get3A_250] {strides = array<i32>} : memref<48x128xf32, #tpu.memory_space<vmem>>, vector<16xf32>,
        %mul3A_252 = arith.mulf %get3A_251, %gather3A : vector<16xf32>
        %swap3A_253 = arith.index_cast %scan3A_207 : i32 to index
        %swap3A_254 = arith.constant 80 : index
        %swap3A_255 = tpu.vector_load %arg11[%swap3A_253, %swap3A_254] {strides = array<i32>} : memref<48x128xf32, #tpu.memory_space<vmem>>, vector<16xf32>,
        tpu.vector_store %arg11[%swap3A_253, %swap3A_254], %mul3A_252 {strides = array<i32>} : memref<48x128xf32, #tpu.memory_space<vmem>>, vector<16xf32>,
        %get3A_256 = arith.index_cast %scan3A_207 : i32 to index
        %get3A_257 = arith.constant 96 : index
        %get3A_258 = tpu.vector_load %arg11[%get3A_256, %get3A_257] {strides = array<i32>} : memref<48x128xf32, #tpu.memory_space<vmem>>, vector<16xf32>,
        %mul3A_259 = arith.mulf %get3A_258, %gather3A : vector<16xf32>
        %swap3A_260 = arith.index_cast %scan3A_207 : i32 to index
        %swap3A_261 = arith.constant 96 : index
        %swap3A_262 = tpu.vector_load %arg11[%swap3A_260, %swap3A_261] {strides = array<i32>} : memref<48x128xf32, #tpu.memory_space<vmem>>, vector<16xf32>,
        tpu.vector_store %arg11[%swap3A_260, %swap3A_261], %mul3A_259 {strides = array<i32>} : memref<48x128xf32, #tpu.memory_space<vmem>>, vector<16xf32>,
        %get3A_263 = arith.index_cast %scan3A_207 : i32 to index
        %get3A_264 = arith.constant 112 : index
        %get3A_265 = tpu.vector_load %arg11[%get3A_263, %get3A_264] {strides = array<i32>} : memref<48x128xf32, #tpu.memory_space<vmem>>, vector<16xf32>,
        %mul3A_266 = arith.mulf %get3A_265, %gather3A : vector<16xf32>
        %swap3A_267 = arith.index_cast %scan3A_207 : i32 to index
        %swap3A_268 = arith.constant 112 : index
        %swap3A_269 = tpu.vector_load %arg11[%swap3A_267, %swap3A_268] {strides = array<i32>} : memref<48x128xf32, #tpu.memory_space<vmem>>, vector<16xf32>,
        tpu.vector_store %arg11[%swap3A_267, %swap3A_268], %mul3A_266 {strides = array<i32>} : memref<48x128xf32, #tpu.memory_space<vmem>>, vector<16xf32>,
      }
      %scan3A_166 = arith.constant 48 : i32
      %mul3A_167 = arith.constant 48 : i32
      %mul3A_168 = arith.muli %add3A_142, %mul3A_167 : i32
      %dma_start3A_169 = tpu.memref_slice %arg8[%mul3A_168] : memref<10080xi32, #tpu.memory_space<vmem>> -> memref<48xi32, #tpu.memory_space<vmem>>
      %dma_start3A_170 = arith.constant 0 : i32
      %dma_start3A_171 = arith.constant 0 : i32
      %dma_start3A_172 = tpu.memref_slice %arg19[%dma_start3A_170, %dma_start3A_171] : memref<10112x128xf32, #tpu.memory_space<vmem_shared>> -> memref<10112x128xf32, #tpu.memory_space<vmem_shared>>
      tpu.enqueue_indirect_dma source(%arg11 : memref<48x128xf32, #tpu.memory_space<vmem>>) target(%dma_start3A_172 : memref<10112x128xf32, #tpu.memory_space<vmem_shared>>) offsets(%dma_start3A_169 : memref<48xi32, #tpu.memory_space<vmem>>) semaphore(%arg17 : memref<!tpu.dma_semaphore, #tpu.memory_space<semaphore_mem>>) {add = true}
      %mul3A_173 = arith.constant 3 : i32
      %mul3A_174 = arith.muli %scan3A_108, %mul3A_173 : i32
      %add3A_175 = arith.constant 2 : i32
      %add3A_176 = arith.addi %mul3A_174, %add3A_175 : i32
      %ge3A_177 = arith.constant 2 : i32
      %ge3A_178 = arith.cmpi sge, %add3A_176, %ge3A_177 : i32
      %convert_element_type3A_179 = arith.extui %ge3A_178 : i1 to i32
      %cond3A_180 = arith.constant 0 : i32
      %cond3A_181 = arith.cmpi ne, %convert_element_type3A_179, %cond3A_180 : i32
      scf.if %cond3A_181 {
        %sub3A_207 = arith.constant 2 : i32
        %sub3A_208 = arith.subi %add3A_176, %sub3A_207 : i32
        %mul3A_209 = arith.constant 48 : i32
        %mul3A_210 = arith.muli %sub3A_208, %mul3A_209 : i32
        %dma_wait3A_211 = tpu.memref_slice %arg8[%mul3A_210] : memref<10080xi32, #tpu.memory_space<vmem>> -> memref<48xi32, #tpu.memory_space<vmem>>
        %dma_wait3A_212 = arith.constant 0 : i32
        %dma_wait3A_213 = arith.constant 0 : i32
        %dma_wait3A_214 = tpu.memref_slice %arg19[%dma_wait3A_212, %dma_wait3A_213] : memref<10112x128xf32, #tpu.memory_space<vmem_shared>> -> memref<10112x128xf32, #tpu.memory_space<vmem_shared>>
        tpu.wait_indirect_dma semaphore(%arg16 : memref<!tpu.dma_semaphore, #tpu.memory_space<semaphore_mem>>) src(%arg10 : memref<48x128xf32, #tpu.memory_space<vmem>>) dst(%dma_wait3A_214 : memref<10112x128xf32, #tpu.memory_space<vmem_shared>>)
      } else {
      }
      %add3A_182 = arith.constant 1 : i32
      %add3A_183 = arith.addi %add3A_176, %add3A_182 : i32
      %lt3A_184 = arith.constant 210 : i32
      %lt3A_185 = arith.cmpi slt, %add3A_183, %lt3A_184 : i32
      %convert_element_type3A_186 = arith.extui %lt3A_185 : i1 to i32
      %cond3A_187 = arith.constant 0 : i32
      %cond3A_188 = arith.cmpi ne, %convert_element_type3A_186, %cond3A_187 : i32
      scf.if %cond3A_188 {
        %add3A_207 = arith.constant 1 : i32
        %add3A_208 = arith.addi %add3A_176, %add3A_207 : i32
        %mul3A_209 = arith.constant 48 : i32
        %mul3A_210 = arith.muli %add3A_208, %mul3A_209 : i32
        %dma_start3A_211 = tpu.memref_slice %arg7[%mul3A_210] : memref<10080xi32, #tpu.memory_space<vmem>> -> memref<48xi32, #tpu.memory_space<vmem>>
        %dma_start3A_212 = arith.constant 0 : i32
        %dma_start3A_213 = arith.constant 0 : i32
        %dma_start3A_214 = tpu.memref_slice %arg2[%dma_start3A_212, %dma_start3A_213] : memref<10000x128xf32, #tpu.memory_space<hbm>> -> memref<10000x128xf32, #tpu.memory_space<hbm>>
        tpu.enqueue_indirect_dma source(%dma_start3A_214 : memref<10000x128xf32, #tpu.memory_space<hbm>>) target(%arg10 : memref<48x128xf32, #tpu.memory_space<vmem>>) offsets(%dma_start3A_211 : memref<48xi32, #tpu.memory_space<vmem>>) semaphore(%arg13 : memref<!tpu.dma_semaphore, #tpu.memory_space<semaphore_mem>>)
      } else {
      }
      %mul3A_189 = arith.constant 48 : i32
      %mul3A_190 = arith.muli %add3A_176, %mul3A_189 : i32
      %dma_wait3A_191 = tpu.memref_slice %arg7[%mul3A_190] : memref<10080xi32, #tpu.memory_space<vmem>> -> memref<48xi32, #tpu.memory_space<vmem>>
      %dma_wait3A_192 = arith.constant 0 : i32
      %dma_wait3A_193 = arith.constant 0 : i32
      %dma_wait3A_194 = tpu.memref_slice %arg2[%dma_wait3A_192, %dma_wait3A_193] : memref<10000x128xf32, #tpu.memory_space<hbm>> -> memref<10000x128xf32, #tpu.memory_space<hbm>>
      tpu.wait_indirect_dma semaphore(%arg15 : memref<!tpu.dma_semaphore, #tpu.memory_space<semaphore_mem>>) src(%dma_wait3A_194 : memref<10000x128xf32, #tpu.memory_space<hbm>>) dst(%arg12 : memref<48x128xf32, #tpu.memory_space<vmem>>)
      %scan3A_195 = arith.constant 0 : i32
      %scan3A_196 = arith.constant 0 : i32
      %scan3A_197 = arith.constant 48 : i32
      %scan3A_198 = arith.addi %scan3A_196, %scan3A_197 : i32
      %scan3A_199 = arith.constant 1 : i32
      scf.for %scan3A_207 = %scan3A_196 to %scan3A_198 step %scan3A_199  : i32 {
        %broadcast_in_dim3A_208 = arith.constant 0 : i32
        %broadcast_in_dim3A_209 = vector.broadcast %broadcast_in_dim3A_208 : i32 to vector<16xi32>
        %mul3A_210 = arith.constant 48 : i32
        %mul3A_211 = arith.muli %add3A_176, %mul3A_210 : i32
        %add3A_212 = arith.addi %mul3A_211, %scan3A_207 : i32
        %add3A_213 = vector.broadcast %add3A_212 : i32 to vector<16xi32>
        %add3A_214 = arith.addi %broadcast_in_dim3A_209, %add3A_213 : vector<16xi32>
        %gather3A = tpu.vector_load_idx %arg9[%add3A_214] : memref<10080xf32, #tpu.memory_space<vmem>>[vector<16xi32>], vector<16xf32>,
        %get3A = arith.index_cast %scan3A_207 : i32 to index
        %get3A_215 = arith.constant 0 : index
        %get3A_216 = tpu.vector_load %arg12[%get3A, %get3A_215] {strides = array<i32>} : memref<48x128xf32, #tpu.memory_space<vmem>>, vector<16xf32>,
        %mul3A_217 = arith.mulf %get3A_216, %gather3A : vector<16xf32>
        %swap3A_218 = arith.index_cast %scan3A_207 : i32 to index
        %swap3A_219 = arith.constant 0 : index
        %swap3A_220 = tpu.vector_load %arg12[%swap3A_218, %swap3A_219] {strides = array<i32>} : memref<48x128xf32, #tpu.memory_space<vmem>>, vector<16xf32>,
        tpu.vector_store %arg12[%swap3A_218, %swap3A_219], %mul3A_217 {strides = array<i32>} : memref<48x128xf32, #tpu.memory_space<vmem>>, vector<16xf32>,
        %get3A_221 = arith.index_cast %scan3A_207 : i32 to index
        %get3A_222 = arith.constant 16 : index
        %get3A_223 = tpu.vector_load %arg12[%get3A_221, %get3A_222] {strides = array<i32>} : memref<48x128xf32, #tpu.memory_space<vmem>>, vector<16xf32>,
        %mul3A_224 = arith.mulf %get3A_223, %gather3A : vector<16xf32>
        %swap3A_225 = arith.index_cast %scan3A_207 : i32 to index
        %swap3A_226 = arith.constant 16 : index
        %swap3A_227 = tpu.vector_load %arg12[%swap3A_225, %swap3A_226] {strides = array<i32>} : memref<48x128xf32, #tpu.memory_space<vmem>>, vector<16xf32>,
        tpu.vector_store %arg12[%swap3A_225, %swap3A_226], %mul3A_224 {strides = array<i32>} : memref<48x128xf32, #tpu.memory_space<vmem>>, vector<16xf32>,
        %get3A_228 = arith.index_cast %scan3A_207 : i32 to index
        %get3A_229 = arith.constant 32 : index
        %get3A_230 = tpu.vector_load %arg12[%get3A_228, %get3A_229] {strides = array<i32>} : memref<48x128xf32, #tpu.memory_space<vmem>>, vector<16xf32>,
        %mul3A_231 = arith.mulf %get3A_230, %gather3A : vector<16xf32>
        %swap3A_232 = arith.index_cast %scan3A_207 : i32 to index
        %swap3A_233 = arith.constant 32 : index
        %swap3A_234 = tpu.vector_load %arg12[%swap3A_232, %swap3A_233] {strides = array<i32>} : memref<48x128xf32, #tpu.memory_space<vmem>>, vector<16xf32>,
        tpu.vector_store %arg12[%swap3A_232, %swap3A_233], %mul3A_231 {strides = array<i32>} : memref<48x128xf32, #tpu.memory_space<vmem>>, vector<16xf32>,
        %get3A_235 = arith.index_cast %scan3A_207 : i32 to index
        %get3A_236 = arith.constant 48 : index
        %get3A_237 = tpu.vector_load %arg12[%get3A_235, %get3A_236] {strides = array<i32>} : memref<48x128xf32, #tpu.memory_space<vmem>>, vector<16xf32>,
        %mul3A_238 = arith.mulf %get3A_237, %gather3A : vector<16xf32>
        %swap3A_239 = arith.index_cast %scan3A_207 : i32 to index
        %swap3A_240 = arith.constant 48 : index
        %swap3A_241 = tpu.vector_load %arg12[%swap3A_239, %swap3A_240] {strides = array<i32>} : memref<48x128xf32, #tpu.memory_space<vmem>>, vector<16xf32>,
        tpu.vector_store %arg12[%swap3A_239, %swap3A_240], %mul3A_238 {strides = array<i32>} : memref<48x128xf32, #tpu.memory_space<vmem>>, vector<16xf32>,
        %get3A_242 = arith.index_cast %scan3A_207 : i32 to index
        %get3A_243 = arith.constant 64 : index
        %get3A_244 = tpu.vector_load %arg12[%get3A_242, %get3A_243] {strides = array<i32>} : memref<48x128xf32, #tpu.memory_space<vmem>>, vector<16xf32>,
        %mul3A_245 = arith.mulf %get3A_244, %gather3A : vector<16xf32>
        %swap3A_246 = arith.index_cast %scan3A_207 : i32 to index
        %swap3A_247 = arith.constant 64 : index
        %swap3A_248 = tpu.vector_load %arg12[%swap3A_246, %swap3A_247] {strides = array<i32>} : memref<48x128xf32, #tpu.memory_space<vmem>>, vector<16xf32>,
        tpu.vector_store %arg12[%swap3A_246, %swap3A_247], %mul3A_245 {strides = array<i32>} : memref<48x128xf32, #tpu.memory_space<vmem>>, vector<16xf32>,
        %get3A_249 = arith.index_cast %scan3A_207 : i32 to index
        %get3A_250 = arith.constant 80 : index
        %get3A_251 = tpu.vector_load %arg12[%get3A_249, %get3A_250] {strides = array<i32>} : memref<48x128xf32, #tpu.memory_space<vmem>>, vector<16xf32>,
        %mul3A_252 = arith.mulf %get3A_251, %gather3A : vector<16xf32>
        %swap3A_253 = arith.index_cast %scan3A_207 : i32 to index
        %swap3A_254 = arith.constant 80 : index
        %swap3A_255 = tpu.vector_load %arg12[%swap3A_253, %swap3A_254] {strides = array<i32>} : memref<48x128xf32, #tpu.memory_space<vmem>>, vector<16xf32>,
        tpu.vector_store %arg12[%swap3A_253, %swap3A_254], %mul3A_252 {strides = array<i32>} : memref<48x128xf32, #tpu.memory_space<vmem>>, vector<16xf32>,
        %get3A_256 = arith.index_cast %scan3A_207 : i32 to index
        %get3A_257 = arith.constant 96 : index
        %get3A_258 = tpu.vector_load %arg12[%get3A_256, %get3A_257] {strides = array<i32>} : memref<48x128xf32, #tpu.memory_space<vmem>>, vector<16xf32>,
        %mul3A_259 = arith.mulf %get3A_258, %gather3A : vector<16xf32>
        %swap3A_260 = arith.index_cast %scan3A_207 : i32 to index
        %swap3A_261 = arith.constant 96 : index
        %swap3A_262 = tpu.vector_load %arg12[%swap3A_260, %swap3A_261] {strides = array<i32>} : memref<48x128xf32, #tpu.memory_space<vmem>>, vector<16xf32>,
        tpu.vector_store %arg12[%swap3A_260, %swap3A_261], %mul3A_259 {strides = array<i32>} : memref<48x128xf32, #tpu.memory_space<vmem>>, vector<16xf32>,
        %get3A_263 = arith.index_cast %scan3A_207 : i32 to index
        %get3A_264 = arith.constant 112 : index
        %get3A_265 = tpu.vector_load %arg12[%get3A_263, %get3A_264] {strides = array<i32>} : memref<48x128xf32, #tpu.memory_space<vmem>>, vector<16xf32>,
        %mul3A_266 = arith.mulf %get3A_265, %gather3A : vector<16xf32>
        %swap3A_267 = arith.index_cast %scan3A_207 : i32 to index
        %swap3A_268 = arith.constant 112 : index
        %swap3A_269 = tpu.vector_load %arg12[%swap3A_267, %swap3A_268] {strides = array<i32>} : memref<48x128xf32, #tpu.memory_space<vmem>>, vector<16xf32>,
        tpu.vector_store %arg12[%swap3A_267, %swap3A_268], %mul3A_266 {strides = array<i32>} : memref<48x128xf32, #tpu.memory_space<vmem>>, vector<16xf32>,
      }
      %scan3A_200 = arith.constant 48 : i32
      %mul3A_201 = arith.constant 48 : i32
      %mul3A_202 = arith.muli %add3A_176, %mul3A_201 : i32
      %dma_start3A_203 = tpu.memref_slice %arg8[%mul3A_202] : memref<10080xi32, #tpu.memory_space<vmem>> -> memref<48xi32, #tpu.memory_space<vmem>>
      %dma_start3A_204 = arith.constant 0 : i32
      %dma_start3A_205 = arith.constant 0 : i32
      %dma_start3A_206 = tpu.memref_slice %arg19[%dma_start3A_204, %dma_start3A_205] : memref<10112x128xf32, #tpu.memory_space<vmem_shared>> -> memref<10112x128xf32, #tpu.memory_space<vmem_shared>>
      tpu.enqueue_indirect_dma source(%arg12 : memref<48x128xf32, #tpu.memory_space<vmem>>) target(%dma_start3A_206 : memref<10112x128xf32, #tpu.memory_space<vmem_shared>>) offsets(%dma_start3A_203 : memref<48xi32, #tpu.memory_space<vmem>>) semaphore(%arg18 : memref<!tpu.dma_semaphore, #tpu.memory_space<semaphore_mem>>) {add = true}
    }
    %scan3A_93 = arith.constant 70 : i32
    %dma_wait3A = arith.constant 9984 : i32
    %dma_wait3A_94 = tpu.memref_slice %arg8[%dma_wait3A] : memref<10080xi32, #tpu.memory_space<vmem>> -> memref<48xi32, #tpu.memory_space<vmem>>
    %dma_wait3A_95 = arith.constant 0 : i32
    %dma_wait3A_96 = arith.constant 0 : i32
    %dma_wait3A_97 = tpu.memref_slice %arg19[%dma_wait3A_95, %dma_wait3A_96] : memref<10112x128xf32, #tpu.memory_space<vmem_shared>> -> memref<10112x128xf32, #tpu.memory_space<vmem_shared>>
    tpu.wait_indirect_dma semaphore(%arg17 : memref<!tpu.dma_semaphore, #tpu.memory_space<semaphore_mem>>) src(%arg11 : memref<48x128xf32, #tpu.memory_space<vmem>>) dst(%dma_wait3A_97 : memref<10112x128xf32, #tpu.memory_space<vmem_shared>>)
    %dma_wait3A_98 = arith.constant 10032 : i32
    %dma_wait3A_99 = tpu.memref_slice %arg8[%dma_wait3A_98] : memref<10080xi32, #tpu.memory_space<vmem>> -> memref<48xi32, #tpu.memory_space<vmem>>
    %dma_wait3A_100 = arith.constant 0 : i32
    %dma_wait3A_101 = arith.constant 0 : i32
    %dma_wait3A_102 = tpu.memref_slice %arg19[%dma_wait3A_100, %dma_wait3A_101] : memref<10112x128xf32, #tpu.memory_space<vmem_shared>> -> memref<10112x128xf32, #tpu.memory_space<vmem_shared>>
    tpu.wait_indirect_dma semaphore(%arg18 : memref<!tpu.dma_semaphore, #tpu.memory_space<semaphore_mem>>) src(%arg12 : memref<48x128xf32, #tpu.memory_space<vmem>>) dst(%dma_wait3A_102 : memref<10112x128xf32, #tpu.memory_space<vmem_shared>>)
    %barrier3A_103 = arith.constant 0 : index
    tpu.barrier barrier_id(%barrier3A_103)
    %mul3A_104 = arith.constant 632 : i32
    %mul3A_105 = arith.muli %arg1, %mul3A_104 : i32
    %mul3A_106 = arith.constant 632 : i32
    %mul3A_107 = arith.muli %arg1, %mul3A_106 : i32
    "tpu.region"() ({
      %run_scoped3A = tpu.sem_alloc : memref<!tpu.dma_semaphore, #tpu.memory_space<semaphore_mem>>
      %dma_start3A_108 = arith.constant 0 : i32
      %dma_start3A_109 = tpu.memref_slice %arg6[%arg0, %mul3A_107, %dma_start3A_108] : memref<2x10112x128xf32, #tpu.memory_space<hbm>> -> memref<1x632x128xf32, #tpu.memory_space<hbm>>
      %dma_start3A_110 = tpu.memref_squeeze %dma_start3A_109 : memref<1x632x128xf32, #tpu.memory_space<hbm>> -> memref<632x128xf32, #tpu.memory_space<hbm>>
      %dma_start3A_111 = arith.constant 0 : i32
      %dma_start3A_112 = tpu.memref_slice %arg19[%mul3A_105, %dma_start3A_111] : memref<10112x128xf32, #tpu.memory_space<vmem_shared>> -> memref<632x128xf32, #tpu.memory_space<vmem_shared>>
      tpu.enqueue_dma source(%dma_start3A_112 : memref<632x128xf32, #tpu.memory_space<vmem_shared>>) target(%dma_start3A_110 : memref<632x128xf32, #tpu.memory_space<hbm>>) target_semaphore(%run_scoped3A : memref<!tpu.dma_semaphore, #tpu.memory_space<semaphore_mem>>)
      %dma_wait3A_113 = arith.constant 0 : i32
      %dma_wait3A_114 = tpu.memref_slice %arg6[%arg0, %mul3A_107, %dma_wait3A_113] : memref<2x10112x128xf32, #tpu.memory_space<hbm>> -> memref<1x632x128xf32, #tpu.memory_space<hbm>>
      %dma_wait3A_115 = tpu.memref_squeeze %dma_wait3A_114 : memref<1x632x128xf32, #tpu.memory_space<hbm>> -> memref<632x128xf32, #tpu.memory_space<hbm>>
      %dma_wait3A_116 = arith.constant 0 : i32
      %dma_wait3A_117 = tpu.memref_slice %arg19[%mul3A_105, %dma_wait3A_116] : memref<10112x128xf32, #tpu.memory_space<vmem_shared>> -> memref<632x128xf32, #tpu.memory_space<vmem_shared>>
      tpu.wait_dma2 semaphore(%run_scoped3A : memref<!tpu.dma_semaphore, #tpu.memory_space<semaphore_mem>>) src(%dma_wait3A_117 : memref<632x128xf32, #tpu.memory_space<vmem_shared>>) dst(%dma_wait3A_115 : memref<632x128xf32, #tpu.memory_space<hbm>>)
      tpu.yield
    }) : () -> ()
    return
  }
}

#map = affine_map<(d0, d1) -> (0)>
module attributes {stable_mosaic.version = 14 : i64} {
  func.func @_sc_norm(%arg0: i32, %arg1: i32, %arg2: memref<320000xi32, #tpu.memory_space<hbm>>, %arg3: memref<320000xi32, #tpu.memory_space<hbm>>, %arg4: memref<320000xf32, #tpu.memory_space<hbm>>, %arg5: memref<320000xf32, #tpu.memory_space<hbm>>, %arg6: memref<20000xi32, #tpu.memory_space<vmem>>, %arg7: memref<20000xf32, #tpu.memory_space<vmem>>, %arg8: memref<10240xf32, #tpu.memory_space<vmem>>, %arg9: memref<10240xf32, #tpu.memory_space<vmem>>, %arg10: memref<640xf32, #tpu.memory_space<vmem>>, %arg11: memref<10240xf32, #tpu.memory_space<vmem>>, %arg12: memref<163840xf32, #tpu.memory_space<vmem_shared>>, %arg13: memref<10240xf32, #tpu.memory_space<vmem_shared>>) attributes {dimension_semantics = [#tpu.dimension_semantics<core_parallel>, #tpu.dimension_semantics<subcore_parallel>], iteration_bounds = array<i64: 2, 16>, scalar_prefetch = 0 : i64, scratch_operands = 8 : i64, tpu.core_type = #tpu.core_type<sc_vector_subcore>, window_params = [{transform_indices = #map}, {transform_indices = #map}, {transform_indices = #map}, {transform_indices = #map}]} {
    %mul3A = arith.constant 16 : i32
    %mul3A_0 = arith.muli %arg0, %mul3A : i32
    %add3A = arith.addi %mul3A_0, %arg1 : i32
    %broadcast_in_dim3A = arith.constant 0.000000e+00 : f32
    %broadcast_in_dim3A_1 = vector.broadcast %broadcast_in_dim3A : f32 to vector<16xf32>
    %scan3A = arith.constant 0 : i32
    %scan3A_2 = arith.constant 0 : i32
    %scan3A_3 = arith.constant 640 : i32
    %scan3A_4 = arith.addi %scan3A_2, %scan3A_3 : i32
    %scan3A_5 = arith.constant 1 : i32
    scf.for %scan3A_98 = %scan3A_2 to %scan3A_4 step %scan3A_5  : i32 {
      %mul3A_99 = arith.constant 16 : i32
      %mul3A_100 = arith.muli %scan3A_98, %mul3A_99 : i32
      %swap3A = arith.index_cast %mul3A_100 : i32 to index
      %swap3A_101 = tpu.vector_load %arg8[%swap3A] {strides = array<i32>} : memref<10240xf32, #tpu.memory_space<vmem>>, vector<16xf32>,
      tpu.vector_store %arg8[%swap3A], %broadcast_in_dim3A_1 {strides = array<i32>} : memref<10240xf32, #tpu.memory_space<vmem>>, vector<16xf32>,
    }
    %scan3A_6 = arith.constant 640 : i32
    %mul3A_7 = arith.constant 20000 : i32
    %mul3A_8 = arith.muli %arg1, %mul3A_7 : i32
    "tpu.region"() ({
      %run_scoped3A = tpu.sem_alloc : memref<!tpu.dma_semaphore, #tpu.memory_space<semaphore_mem>>
      %dma_start3A = tpu.memref_slice %arg3[%mul3A_8] : memref<320000xi32, #tpu.memory_space<hbm>> -> memref<20000xi32, #tpu.memory_space<hbm>>
      %dma_start3A_98 = tpu.memref_slice %arg3[%mul3A_8] : memref<320000xi32, #tpu.memory_space<hbm>> -> memref<20000xi32, #tpu.memory_space<hbm>>
      tpu.enqueue_dma source(%dma_start3A_98 : memref<20000xi32, #tpu.memory_space<hbm>>) target(%arg6 : memref<20000xi32, #tpu.memory_space<vmem>>) target_semaphore(%run_scoped3A : memref<!tpu.dma_semaphore, #tpu.memory_space<semaphore_mem>>)
      %dma_wait3A = tpu.memref_slice %arg3[%mul3A_8] : memref<320000xi32, #tpu.memory_space<hbm>> -> memref<20000xi32, #tpu.memory_space<hbm>>
      %dma_wait3A_99 = tpu.memref_slice %arg3[%mul3A_8] : memref<320000xi32, #tpu.memory_space<hbm>> -> memref<20000xi32, #tpu.memory_space<hbm>>
      tpu.wait_dma2 semaphore(%run_scoped3A : memref<!tpu.dma_semaphore, #tpu.memory_space<semaphore_mem>>) src(%dma_wait3A_99 : memref<20000xi32, #tpu.memory_space<hbm>>) dst(%arg6 : memref<20000xi32, #tpu.memory_space<vmem>>)
      tpu.yield
    }) : () -> ()
    "tpu.region"() ({
      %run_scoped3A = tpu.sem_alloc : memref<!tpu.dma_semaphore, #tpu.memory_space<semaphore_mem>>
      %dma_start3A = tpu.memref_slice %arg4[%mul3A_8] : memref<320000xf32, #tpu.memory_space<hbm>> -> memref<20000xf32, #tpu.memory_space<hbm>>
      %dma_start3A_98 = tpu.memref_slice %arg4[%mul3A_8] : memref<320000xf32, #tpu.memory_space<hbm>> -> memref<20000xf32, #tpu.memory_space<hbm>>
      tpu.enqueue_dma source(%dma_start3A_98 : memref<20000xf32, #tpu.memory_space<hbm>>) target(%arg7 : memref<20000xf32, #tpu.memory_space<vmem>>) target_semaphore(%run_scoped3A : memref<!tpu.dma_semaphore, #tpu.memory_space<semaphore_mem>>)
      %dma_wait3A = tpu.memref_slice %arg4[%mul3A_8] : memref<320000xf32, #tpu.memory_space<hbm>> -> memref<20000xf32, #tpu.memory_space<hbm>>
      %dma_wait3A_99 = tpu.memref_slice %arg4[%mul3A_8] : memref<320000xf32, #tpu.memory_space<hbm>> -> memref<20000xf32, #tpu.memory_space<hbm>>
      tpu.wait_dma2 semaphore(%run_scoped3A : memref<!tpu.dma_semaphore, #tpu.memory_space<semaphore_mem>>) src(%dma_wait3A_99 : memref<20000xf32, #tpu.memory_space<hbm>>) dst(%arg7 : memref<20000xf32, #tpu.memory_space<vmem>>)
      tpu.yield
    }) : () -> ()
    %scan3A_9 = arith.constant 0 : i32
    %scan3A_10 = arith.constant 0 : i32
    %scan3A_11 = arith.constant 1250 : i32
    %scan3A_12 = arith.addi %scan3A_10, %scan3A_11 : i32
    %scan3A_13 = arith.constant 1 : i32
    scf.for %scan3A_98 = %scan3A_10 to %scan3A_12 step %scan3A_13  : i32 {
      %mul3A_99 = arith.constant 16 : i32
      %mul3A_100 = arith.muli %scan3A_98, %mul3A_99 : i32
      %get3A = arith.index_cast %mul3A_100 : i32 to index
      %get3A_101 = tpu.vector_load %arg6[%get3A] {strides = array<i32>} : memref<20000xi32, #tpu.memory_space<vmem>>, vector<16xi32>,
      %mul3A_102 = arith.constant 16 : i32
      %mul3A_103 = arith.muli %scan3A_98, %mul3A_102 : i32
      %get3A_104 = arith.index_cast %mul3A_103 : i32 to index
      %get3A_105 = tpu.vector_load %arg7[%get3A_104] {strides = array<i32>} : memref<20000xf32, #tpu.memory_space<vmem>>, vector<16xf32>,
      tpu.vector_store_idx %arg8[%get3A_101], %get3A_105 {add = true} : memref<10240xf32, #tpu.memory_space<vmem>>[vector<16xi32>], vector<16xf32>,
    }
    %scan3A_14 = arith.constant 1250 : i32
    %mul3A_15 = arith.constant 10240 : i32
    %mul3A_16 = arith.muli %arg1, %mul3A_15 : i32
    "tpu.region"() ({
      %run_scoped3A = tpu.sem_alloc : memref<!tpu.dma_semaphore, #tpu.memory_space<semaphore_mem>>
      %dma_start3A = tpu.memref_slice %arg12[%mul3A_16] : memref<163840xf32, #tpu.memory_space<vmem_shared>> -> memref<10240xf32, #tpu.memory_space<vmem_shared>>
      %dma_start3A_98 = tpu.memref_slice %arg12[%mul3A_16] : memref<163840xf32, #tpu.memory_space<vmem_shared>> -> memref<10240xf32, #tpu.memory_space<vmem_shared>>
      tpu.enqueue_dma source(%arg8 : memref<10240xf32, #tpu.memory_space<vmem>>) target(%dma_start3A_98 : memref<10240xf32, #tpu.memory_space<vmem_shared>>) target_semaphore(%run_scoped3A : memref<!tpu.dma_semaphore, #tpu.memory_space<semaphore_mem>>)
      %dma_wait3A = tpu.memref_slice %arg12[%mul3A_16] : memref<163840xf32, #tpu.memory_space<vmem_shared>> -> memref<10240xf32, #tpu.memory_space<vmem_shared>>
      %dma_wait3A_99 = tpu.memref_slice %arg12[%mul3A_16] : memref<163840xf32, #tpu.memory_space<vmem_shared>> -> memref<10240xf32, #tpu.memory_space<vmem_shared>>
      tpu.wait_dma2 semaphore(%run_scoped3A : memref<!tpu.dma_semaphore, #tpu.memory_space<semaphore_mem>>) src(%arg8 : memref<10240xf32, #tpu.memory_space<vmem>>) dst(%dma_wait3A_99 : memref<10240xf32, #tpu.memory_space<vmem_shared>>)
      tpu.yield
    }) : () -> ()
    %barrier3A = arith.constant 0 : index
    tpu.barrier barrier_id(%barrier3A)
    %mul3A_17 = arith.constant 640 : i32
    %mul3A_18 = arith.muli %arg1, %mul3A_17 : i32
    %add3A_19 = arith.constant 0 : i32
    %add3A_20 = arith.addi %add3A_19, %mul3A_18 : i32
    "tpu.region"() ({
      %run_scoped3A = tpu.sem_alloc : memref<!tpu.dma_semaphore, #tpu.memory_space<semaphore_mem>>
      %dma_start3A = arith.constant 0 : i32
      %dma_start3A_98 = tpu.memref_slice %arg9[%dma_start3A] : memref<10240xf32, #tpu.memory_space<vmem>> -> memref<640xf32, #tpu.memory_space<vmem>>
      %dma_start3A_99 = tpu.memref_slice %arg12[%add3A_20] : memref<163840xf32, #tpu.memory_space<vmem_shared>> -> memref<640xf32, #tpu.memory_space<vmem_shared>>
      %dma_start3A_100 = arith.constant 0 : i32
      %dma_start3A_101 = tpu.memref_slice %arg9[%dma_start3A_100] : memref<10240xf32, #tpu.memory_space<vmem>> -> memref<640xf32, #tpu.memory_space<vmem>>
      %dma_start3A_102 = tpu.memref_slice %arg12[%add3A_20] : memref<163840xf32, #tpu.memory_space<vmem_shared>> -> memref<640xf32, #tpu.memory_space<vmem_shared>>
      tpu.enqueue_dma source(%dma_start3A_102 : memref<640xf32, #tpu.memory_space<vmem_shared>>) target(%dma_start3A_101 : memref<640xf32, #tpu.memory_space<vmem>>) target_semaphore(%run_scoped3A : memref<!tpu.dma_semaphore, #tpu.memory_space<semaphore_mem>>)
      %dma_wait3A = arith.constant 0 : i32
      %dma_wait3A_103 = tpu.memref_slice %arg9[%dma_wait3A] : memref<10240xf32, #tpu.memory_space<vmem>> -> memref<640xf32, #tpu.memory_space<vmem>>
      %dma_wait3A_104 = tpu.memref_slice %arg12[%add3A_20] : memref<163840xf32, #tpu.memory_space<vmem_shared>> -> memref<640xf32, #tpu.memory_space<vmem_shared>>
      %dma_wait3A_105 = arith.constant 0 : i32
      %dma_wait3A_106 = tpu.memref_slice %arg9[%dma_wait3A_105] : memref<10240xf32, #tpu.memory_space<vmem>> -> memref<640xf32, #tpu.memory_space<vmem>>
      %dma_wait3A_107 = tpu.memref_slice %arg12[%add3A_20] : memref<163840xf32, #tpu.memory_space<vmem_shared>> -> memref<640xf32, #tpu.memory_space<vmem_shared>>
      tpu.wait_dma2 semaphore(%run_scoped3A : memref<!tpu.dma_semaphore, #tpu.memory_space<semaphore_mem>>) src(%dma_wait3A_107 : memref<640xf32, #tpu.memory_space<vmem_shared>>) dst(%dma_wait3A_106 : memref<640xf32, #tpu.memory_space<vmem>>)
      tpu.yield
    }) : () -> ()
    %mul3A_21 = arith.constant 640 : i32
    %mul3A_22 = arith.muli %arg1, %mul3A_21 : i32
    %add3A_23 = arith.constant 10240 : i32
    %add3A_24 = arith.addi %add3A_23, %mul3A_22 : i32
    "tpu.region"() ({
      %run_scoped3A = tpu.sem_alloc : memref<!tpu.dma_semaphore, #tpu.memory_space<semaphore_mem>>
      %dma_start3A = arith.constant 640 : i32
      %dma_start3A_98 = tpu.memref_slice %arg9[%dma_start3A] : memref<10240xf32, #tpu.memory_space<vmem>> -> memref<640xf32, #tpu.memory_space<vmem>>
      %dma_start3A_99 = tpu.memref_slice %arg12[%add3A_24] : memref<163840xf32, #tpu.memory_space<vmem_shared>> -> memref<640xf32, #tpu.memory_space<vmem_shared>>
      %dma_start3A_100 = arith.constant 640 : i32
      %dma_start3A_101 = tpu.memref_slice %arg9[%dma_start3A_100] : memref<10240xf32, #tpu.memory_space<vmem>> -> memref<640xf32, #tpu.memory_space<vmem>>
      %dma_start3A_102 = tpu.memref_slice %arg12[%add3A_24] : memref<163840xf32, #tpu.memory_space<vmem_shared>> -> memref<640xf32, #tpu.memory_space<vmem_shared>>
      tpu.enqueue_dma source(%dma_start3A_102 : memref<640xf32, #tpu.memory_space<vmem_shared>>) target(%dma_start3A_101 : memref<640xf32, #tpu.memory_space<vmem>>) target_semaphore(%run_scoped3A : memref<!tpu.dma_semaphore, #tpu.memory_space<semaphore_mem>>)
      %dma_wait3A = arith.constant 640 : i32
      %dma_wait3A_103 = tpu.memref_slice %arg9[%dma_wait3A] : memref<10240xf32, #tpu.memory_space<vmem>> -> memref<640xf32, #tpu.memory_space<vmem>>
      %dma_wait3A_104 = tpu.memref_slice %arg12[%add3A_24] : memref<163840xf32, #tpu.memory_space<vmem_shared>> -> memref<640xf32, #tpu.memory_space<vmem_shared>>
      %dma_wait3A_105 = arith.constant 640 : i32
      %dma_wait3A_106 = tpu.memref_slice %arg9[%dma_wait3A_105] : memref<10240xf32, #tpu.memory_space<vmem>> -> memref<640xf32, #tpu.memory_space<vmem>>
      %dma_wait3A_107 = tpu.memref_slice %arg12[%add3A_24] : memref<163840xf32, #tpu.memory_space<vmem_shared>> -> memref<640xf32, #tpu.memory_space<vmem_shared>>
      tpu.wait_dma2 semaphore(%run_scoped3A : memref<!tpu.dma_semaphore, #tpu.memory_space<semaphore_mem>>) src(%dma_wait3A_107 : memref<640xf32, #tpu.memory_space<vmem_shared>>) dst(%dma_wait3A_106 : memref<640xf32, #tpu.memory_space<vmem>>)
      tpu.yield
    }) : () -> ()
    %mul3A_25 = arith.constant 640 : i32
    %mul3A_26 = arith.muli %arg1, %mul3A_25 : i32
    %add3A_27 = arith.constant 20480 : i32
    %add3A_28 = arith.addi %add3A_27, %mul3A_26 : i32
    "tpu.region"() ({
      %run_scoped3A = tpu.sem_alloc : memref<!tpu.dma_semaphore, #tpu.memory_space<semaphore_mem>>
      %dma_start3A = arith.constant 1280 : i32
      %dma_start3A_98 = tpu.memref_slice %arg9[%dma_start3A] : memref<10240xf32, #tpu.memory_space<vmem>> -> memref<640xf32, #tpu.memory_space<vmem>>
      %dma_start3A_99 = tpu.memref_slice %arg12[%add3A_28] : memref<163840xf32, #tpu.memory_space<vmem_shared>> -> memref<640xf32, #tpu.memory_space<vmem_shared>>
      %dma_start3A_100 = arith.constant 1280 : i32
      %dma_start3A_101 = tpu.memref_slice %arg9[%dma_start3A_100] : memref<10240xf32, #tpu.memory_space<vmem>> -> memref<640xf32, #tpu.memory_space<vmem>>
      %dma_start3A_102 = tpu.memref_slice %arg12[%add3A_28] : memref<163840xf32, #tpu.memory_space<vmem_shared>> -> memref<640xf32, #tpu.memory_space<vmem_shared>>
      tpu.enqueue_dma source(%dma_start3A_102 : memref<640xf32, #tpu.memory_space<vmem_shared>>) target(%dma_start3A_101 : memref<640xf32, #tpu.memory_space<vmem>>) target_semaphore(%run_scoped3A : memref<!tpu.dma_semaphore, #tpu.memory_space<semaphore_mem>>)
      %dma_wait3A = arith.constant 1280 : i32
      %dma_wait3A_103 = tpu.memref_slice %arg9[%dma_wait3A] : memref<10240xf32, #tpu.memory_space<vmem>> -> memref<640xf32, #tpu.memory_space<vmem>>
      %dma_wait3A_104 = tpu.memref_slice %arg12[%add3A_28] : memref<163840xf32, #tpu.memory_space<vmem_shared>> -> memref<640xf32, #tpu.memory_space<vmem_shared>>
      %dma_wait3A_105 = arith.constant 1280 : i32
      %dma_wait3A_106 = tpu.memref_slice %arg9[%dma_wait3A_105] : memref<10240xf32, #tpu.memory_space<vmem>> -> memref<640xf32, #tpu.memory_space<vmem>>
      %dma_wait3A_107 = tpu.memref_slice %arg12[%add3A_28] : memref<163840xf32, #tpu.memory_space<vmem_shared>> -> memref<640xf32, #tpu.memory_space<vmem_shared>>
      tpu.wait_dma2 semaphore(%run_scoped3A : memref<!tpu.dma_semaphore, #tpu.memory_space<semaphore_mem>>) src(%dma_wait3A_107 : memref<640xf32, #tpu.memory_space<vmem_shared>>) dst(%dma_wait3A_106 : memref<640xf32, #tpu.memory_space<vmem>>)
      tpu.yield
    }) : () -> ()
    %mul3A_29 = arith.constant 640 : i32
    %mul3A_30 = arith.muli %arg1, %mul3A_29 : i32
    %add3A_31 = arith.constant 30720 : i32
    %add3A_32 = arith.addi %add3A_31, %mul3A_30 : i32
    "tpu.region"() ({
      %run_scoped3A = tpu.sem_alloc : memref<!tpu.dma_semaphore, #tpu.memory_space<semaphore_mem>>
      %dma_start3A = arith.constant 1920 : i32
      %dma_start3A_98 = tpu.memref_slice %arg9[%dma_start3A] : memref<10240xf32, #tpu.memory_space<vmem>> -> memref<640xf32, #tpu.memory_space<vmem>>
      %dma_start3A_99 = tpu.memref_slice %arg12[%add3A_32] : memref<163840xf32, #tpu.memory_space<vmem_shared>> -> memref<640xf32, #tpu.memory_space<vmem_shared>>
      %dma_start3A_100 = arith.constant 1920 : i32
      %dma_start3A_101 = tpu.memref_slice %arg9[%dma_start3A_100] : memref<10240xf32, #tpu.memory_space<vmem>> -> memref<640xf32, #tpu.memory_space<vmem>>
      %dma_start3A_102 = tpu.memref_slice %arg12[%add3A_32] : memref<163840xf32, #tpu.memory_space<vmem_shared>> -> memref<640xf32, #tpu.memory_space<vmem_shared>>
      tpu.enqueue_dma source(%dma_start3A_102 : memref<640xf32, #tpu.memory_space<vmem_shared>>) target(%dma_start3A_101 : memref<640xf32, #tpu.memory_space<vmem>>) target_semaphore(%run_scoped3A : memref<!tpu.dma_semaphore, #tpu.memory_space<semaphore_mem>>)
      %dma_wait3A = arith.constant 1920 : i32
      %dma_wait3A_103 = tpu.memref_slice %arg9[%dma_wait3A] : memref<10240xf32, #tpu.memory_space<vmem>> -> memref<640xf32, #tpu.memory_space<vmem>>
      %dma_wait3A_104 = tpu.memref_slice %arg12[%add3A_32] : memref<163840xf32, #tpu.memory_space<vmem_shared>> -> memref<640xf32, #tpu.memory_space<vmem_shared>>
      %dma_wait3A_105 = arith.constant 1920 : i32
      %dma_wait3A_106 = tpu.memref_slice %arg9[%dma_wait3A_105] : memref<10240xf32, #tpu.memory_space<vmem>> -> memref<640xf32, #tpu.memory_space<vmem>>
      %dma_wait3A_107 = tpu.memref_slice %arg12[%add3A_32] : memref<163840xf32, #tpu.memory_space<vmem_shared>> -> memref<640xf32, #tpu.memory_space<vmem_shared>>
      tpu.wait_dma2 semaphore(%run_scoped3A : memref<!tpu.dma_semaphore, #tpu.memory_space<semaphore_mem>>) src(%dma_wait3A_107 : memref<640xf32, #tpu.memory_space<vmem_shared>>) dst(%dma_wait3A_106 : memref<640xf32, #tpu.memory_space<vmem>>)
      tpu.yield
    }) : () -> ()
    %mul3A_33 = arith.constant 640 : i32
    %mul3A_34 = arith.muli %arg1, %mul3A_33 : i32
    %add3A_35 = arith.constant 40960 : i32
    %add3A_36 = arith.addi %add3A_35, %mul3A_34 : i32
    "tpu.region"() ({
      %run_scoped3A = tpu.sem_alloc : memref<!tpu.dma_semaphore, #tpu.memory_space<semaphore_mem>>
      %dma_start3A = arith.constant 2560 : i32
      %dma_start3A_98 = tpu.memref_slice %arg9[%dma_start3A] : memref<10240xf32, #tpu.memory_space<vmem>> -> memref<640xf32, #tpu.memory_space<vmem>>
      %dma_start3A_99 = tpu.memref_slice %arg12[%add3A_36] : memref<163840xf32, #tpu.memory_space<vmem_shared>> -> memref<640xf32, #tpu.memory_space<vmem_shared>>
      %dma_start3A_100 = arith.constant 2560 : i32
      %dma_start3A_101 = tpu.memref_slice %arg9[%dma_start3A_100] : memref<10240xf32, #tpu.memory_space<vmem>> -> memref<640xf32, #tpu.memory_space<vmem>>
      %dma_start3A_102 = tpu.memref_slice %arg12[%add3A_36] : memref<163840xf32, #tpu.memory_space<vmem_shared>> -> memref<640xf32, #tpu.memory_space<vmem_shared>>
      tpu.enqueue_dma source(%dma_start3A_102 : memref<640xf32, #tpu.memory_space<vmem_shared>>) target(%dma_start3A_101 : memref<640xf32, #tpu.memory_space<vmem>>) target_semaphore(%run_scoped3A : memref<!tpu.dma_semaphore, #tpu.memory_space<semaphore_mem>>)
      %dma_wait3A = arith.constant 2560 : i32
      %dma_wait3A_103 = tpu.memref_slice %arg9[%dma_wait3A] : memref<10240xf32, #tpu.memory_space<vmem>> -> memref<640xf32, #tpu.memory_space<vmem>>
      %dma_wait3A_104 = tpu.memref_slice %arg12[%add3A_36] : memref<163840xf32, #tpu.memory_space<vmem_shared>> -> memref<640xf32, #tpu.memory_space<vmem_shared>>
      %dma_wait3A_105 = arith.constant 2560 : i32
      %dma_wait3A_106 = tpu.memref_slice %arg9[%dma_wait3A_105] : memref<10240xf32, #tpu.memory_space<vmem>> -> memref<640xf32, #tpu.memory_space<vmem>>
      %dma_wait3A_107 = tpu.memref_slice %arg12[%add3A_36] : memref<163840xf32, #tpu.memory_space<vmem_shared>> -> memref<640xf32, #tpu.memory_space<vmem_shared>>
      tpu.wait_dma2 semaphore(%run_scoped3A : memref<!tpu.dma_semaphore, #tpu.memory_space<semaphore_mem>>) src(%dma_wait3A_107 : memref<640xf32, #tpu.memory_space<vmem_shared>>) dst(%dma_wait3A_106 : memref<640xf32, #tpu.memory_space<vmem>>)
      tpu.yield
    }) : () -> ()
    %mul3A_37 = arith.constant 640 : i32
    %mul3A_38 = arith.muli %arg1, %mul3A_37 : i32
    %add3A_39 = arith.constant 51200 : i32
    %add3A_40 = arith.addi %add3A_39, %mul3A_38 : i32
    "tpu.region"() ({
      %run_scoped3A = tpu.sem_alloc : memref<!tpu.dma_semaphore, #tpu.memory_space<semaphore_mem>>
      %dma_start3A = arith.constant 3200 : i32
      %dma_start3A_98 = tpu.memref_slice %arg9[%dma_start3A] : memref<10240xf32, #tpu.memory_space<vmem>> -> memref<640xf32, #tpu.memory_space<vmem>>
      %dma_start3A_99 = tpu.memref_slice %arg12[%add3A_40] : memref<163840xf32, #tpu.memory_space<vmem_shared>> -> memref<640xf32, #tpu.memory_space<vmem_shared>>
      %dma_start3A_100 = arith.constant 3200 : i32
      %dma_start3A_101 = tpu.memref_slice %arg9[%dma_start3A_100] : memref<10240xf32, #tpu.memory_space<vmem>> -> memref<640xf32, #tpu.memory_space<vmem>>
      %dma_start3A_102 = tpu.memref_slice %arg12[%add3A_40] : memref<163840xf32, #tpu.memory_space<vmem_shared>> -> memref<640xf32, #tpu.memory_space<vmem_shared>>
      tpu.enqueue_dma source(%dma_start3A_102 : memref<640xf32, #tpu.memory_space<vmem_shared>>) target(%dma_start3A_101 : memref<640xf32, #tpu.memory_space<vmem>>) target_semaphore(%run_scoped3A : memref<!tpu.dma_semaphore, #tpu.memory_space<semaphore_mem>>)
      %dma_wait3A = arith.constant 3200 : i32
      %dma_wait3A_103 = tpu.memref_slice %arg9[%dma_wait3A] : memref<10240xf32, #tpu.memory_space<vmem>> -> memref<640xf32, #tpu.memory_space<vmem>>
      %dma_wait3A_104 = tpu.memref_slice %arg12[%add3A_40] : memref<163840xf32, #tpu.memory_space<vmem_shared>> -> memref<640xf32, #tpu.memory_space<vmem_shared>>
      %dma_wait3A_105 = arith.constant 3200 : i32
      %dma_wait3A_106 = tpu.memref_slice %arg9[%dma_wait3A_105] : memref<10240xf32, #tpu.memory_space<vmem>> -> memref<640xf32, #tpu.memory_space<vmem>>
      %dma_wait3A_107 = tpu.memref_slice %arg12[%add3A_40] : memref<163840xf32, #tpu.memory_space<vmem_shared>> -> memref<640xf32, #tpu.memory_space<vmem_shared>>
      tpu.wait_dma2 semaphore(%run_scoped3A : memref<!tpu.dma_semaphore, #tpu.memory_space<semaphore_mem>>) src(%dma_wait3A_107 : memref<640xf32, #tpu.memory_space<vmem_shared>>) dst(%dma_wait3A_106 : memref<640xf32, #tpu.memory_space<vmem>>)
      tpu.yield
    }) : () -> ()
    %mul3A_41 = arith.constant 640 : i32
    %mul3A_42 = arith.muli %arg1, %mul3A_41 : i32
    %add3A_43 = arith.constant 61440 : i32
    %add3A_44 = arith.addi %add3A_43, %mul3A_42 : i32
    "tpu.region"() ({
      %run_scoped3A = tpu.sem_alloc : memref<!tpu.dma_semaphore, #tpu.memory_space<semaphore_mem>>
      %dma_start3A = arith.constant 3840 : i32
      %dma_start3A_98 = tpu.memref_slice %arg9[%dma_start3A] : memref<10240xf32, #tpu.memory_space<vmem>> -> memref<640xf32, #tpu.memory_space<vmem>>
      %dma_start3A_99 = tpu.memref_slice %arg12[%add3A_44] : memref<163840xf32, #tpu.memory_space<vmem_shared>> -> memref<640xf32, #tpu.memory_space<vmem_shared>>
      %dma_start3A_100 = arith.constant 3840 : i32
      %dma_start3A_101 = tpu.memref_slice %arg9[%dma_start3A_100] : memref<10240xf32, #tpu.memory_space<vmem>> -> memref<640xf32, #tpu.memory_space<vmem>>
      %dma_start3A_102 = tpu.memref_slice %arg12[%add3A_44] : memref<163840xf32, #tpu.memory_space<vmem_shared>> -> memref<640xf32, #tpu.memory_space<vmem_shared>>
      tpu.enqueue_dma source(%dma_start3A_102 : memref<640xf32, #tpu.memory_space<vmem_shared>>) target(%dma_start3A_101 : memref<640xf32, #tpu.memory_space<vmem>>) target_semaphore(%run_scoped3A : memref<!tpu.dma_semaphore, #tpu.memory_space<semaphore_mem>>)
      %dma_wait3A = arith.constant 3840 : i32
      %dma_wait3A_103 = tpu.memref_slice %arg9[%dma_wait3A] : memref<10240xf32, #tpu.memory_space<vmem>> -> memref<640xf32, #tpu.memory_space<vmem>>
      %dma_wait3A_104 = tpu.memref_slice %arg12[%add3A_44] : memref<163840xf32, #tpu.memory_space<vmem_shared>> -> memref<640xf32, #tpu.memory_space<vmem_shared>>
      %dma_wait3A_105 = arith.constant 3840 : i32
      %dma_wait3A_106 = tpu.memref_slice %arg9[%dma_wait3A_105] : memref<10240xf32, #tpu.memory_space<vmem>> -> memref<640xf32, #tpu.memory_space<vmem>>
      %dma_wait3A_107 = tpu.memref_slice %arg12[%add3A_44] : memref<163840xf32, #tpu.memory_space<vmem_shared>> -> memref<640xf32, #tpu.memory_space<vmem_shared>>
      tpu.wait_dma2 semaphore(%run_scoped3A : memref<!tpu.dma_semaphore, #tpu.memory_space<semaphore_mem>>) src(%dma_wait3A_107 : memref<640xf32, #tpu.memory_space<vmem_shared>>) dst(%dma_wait3A_106 : memref<640xf32, #tpu.memory_space<vmem>>)
      tpu.yield
    }) : () -> ()
    %mul3A_45 = arith.constant 640 : i32
    %mul3A_46 = arith.muli %arg1, %mul3A_45 : i32
    %add3A_47 = arith.constant 71680 : i32
    %add3A_48 = arith.addi %add3A_47, %mul3A_46 : i32
    "tpu.region"() ({
      %run_scoped3A = tpu.sem_alloc : memref<!tpu.dma_semaphore, #tpu.memory_space<semaphore_mem>>
      %dma_start3A = arith.constant 4480 : i32
      %dma_start3A_98 = tpu.memref_slice %arg9[%dma_start3A] : memref<10240xf32, #tpu.memory_space<vmem>> -> memref<640xf32, #tpu.memory_space<vmem>>
      %dma_start3A_99 = tpu.memref_slice %arg12[%add3A_48] : memref<163840xf32, #tpu.memory_space<vmem_shared>> -> memref<640xf32, #tpu.memory_space<vmem_shared>>
      %dma_start3A_100 = arith.constant 4480 : i32
      %dma_start3A_101 = tpu.memref_slice %arg9[%dma_start3A_100] : memref<10240xf32, #tpu.memory_space<vmem>> -> memref<640xf32, #tpu.memory_space<vmem>>
      %dma_start3A_102 = tpu.memref_slice %arg12[%add3A_48] : memref<163840xf32, #tpu.memory_space<vmem_shared>> -> memref<640xf32, #tpu.memory_space<vmem_shared>>
      tpu.enqueue_dma source(%dma_start3A_102 : memref<640xf32, #tpu.memory_space<vmem_shared>>) target(%dma_start3A_101 : memref<640xf32, #tpu.memory_space<vmem>>) target_semaphore(%run_scoped3A : memref<!tpu.dma_semaphore, #tpu.memory_space<semaphore_mem>>)
      %dma_wait3A = arith.constant 4480 : i32
      %dma_wait3A_103 = tpu.memref_slice %arg9[%dma_wait3A] : memref<10240xf32, #tpu.memory_space<vmem>> -> memref<640xf32, #tpu.memory_space<vmem>>
      %dma_wait3A_104 = tpu.memref_slice %arg12[%add3A_48] : memref<163840xf32, #tpu.memory_space<vmem_shared>> -> memref<640xf32, #tpu.memory_space<vmem_shared>>
      %dma_wait3A_105 = arith.constant 4480 : i32
      %dma_wait3A_106 = tpu.memref_slice %arg9[%dma_wait3A_105] : memref<10240xf32, #tpu.memory_space<vmem>> -> memref<640xf32, #tpu.memory_space<vmem>>
      %dma_wait3A_107 = tpu.memref_slice %arg12[%add3A_48] : memref<163840xf32, #tpu.memory_space<vmem_shared>> -> memref<640xf32, #tpu.memory_space<vmem_shared>>
      tpu.wait_dma2 semaphore(%run_scoped3A : memref<!tpu.dma_semaphore, #tpu.memory_space<semaphore_mem>>) src(%dma_wait3A_107 : memref<640xf32, #tpu.memory_space<vmem_shared>>) dst(%dma_wait3A_106 : memref<640xf32, #tpu.memory_space<vmem>>)
      tpu.yield
    }) : () -> ()
    %mul3A_49 = arith.constant 640 : i32
    %mul3A_50 = arith.muli %arg1, %mul3A_49 : i32
    %add3A_51 = arith.constant 81920 : i32
    %add3A_52 = arith.addi %add3A_51, %mul3A_50 : i32
    "tpu.region"() ({
      %run_scoped3A = tpu.sem_alloc : memref<!tpu.dma_semaphore, #tpu.memory_space<semaphore_mem>>
      %dma_start3A = arith.constant 5120 : i32
      %dma_start3A_98 = tpu.memref_slice %arg9[%dma_start3A] : memref<10240xf32, #tpu.memory_space<vmem>> -> memref<640xf32, #tpu.memory_space<vmem>>
      %dma_start3A_99 = tpu.memref_slice %arg12[%add3A_52] : memref<163840xf32, #tpu.memory_space<vmem_shared>> -> memref<640xf32, #tpu.memory_space<vmem_shared>>
      %dma_start3A_100 = arith.constant 5120 : i32
      %dma_start3A_101 = tpu.memref_slice %arg9[%dma_start3A_100] : memref<10240xf32, #tpu.memory_space<vmem>> -> memref<640xf32, #tpu.memory_space<vmem>>
      %dma_start3A_102 = tpu.memref_slice %arg12[%add3A_52] : memref<163840xf32, #tpu.memory_space<vmem_shared>> -> memref<640xf32, #tpu.memory_space<vmem_shared>>
      tpu.enqueue_dma source(%dma_start3A_102 : memref<640xf32, #tpu.memory_space<vmem_shared>>) target(%dma_start3A_101 : memref<640xf32, #tpu.memory_space<vmem>>) target_semaphore(%run_scoped3A : memref<!tpu.dma_semaphore, #tpu.memory_space<semaphore_mem>>)
      %dma_wait3A = arith.constant 5120 : i32
      %dma_wait3A_103 = tpu.memref_slice %arg9[%dma_wait3A] : memref<10240xf32, #tpu.memory_space<vmem>> -> memref<640xf32, #tpu.memory_space<vmem>>
      %dma_wait3A_104 = tpu.memref_slice %arg12[%add3A_52] : memref<163840xf32, #tpu.memory_space<vmem_shared>> -> memref<640xf32, #tpu.memory_space<vmem_shared>>
      %dma_wait3A_105 = arith.constant 5120 : i32
      %dma_wait3A_106 = tpu.memref_slice %arg9[%dma_wait3A_105] : memref<10240xf32, #tpu.memory_space<vmem>> -> memref<640xf32, #tpu.memory_space<vmem>>
      %dma_wait3A_107 = tpu.memref_slice %arg12[%add3A_52] : memref<163840xf32, #tpu.memory_space<vmem_shared>> -> memref<640xf32, #tpu.memory_space<vmem_shared>>
      tpu.wait_dma2 semaphore(%run_scoped3A : memref<!tpu.dma_semaphore, #tpu.memory_space<semaphore_mem>>) src(%dma_wait3A_107 : memref<640xf32, #tpu.memory_space<vmem_shared>>) dst(%dma_wait3A_106 : memref<640xf32, #tpu.memory_space<vmem>>)
      tpu.yield
    }) : () -> ()
    %mul3A_53 = arith.constant 640 : i32
    %mul3A_54 = arith.muli %arg1, %mul3A_53 : i32
    %add3A_55 = arith.constant 92160 : i32
    %add3A_56 = arith.addi %add3A_55, %mul3A_54 : i32
    "tpu.region"() ({
      %run_scoped3A = tpu.sem_alloc : memref<!tpu.dma_semaphore, #tpu.memory_space<semaphore_mem>>
      %dma_start3A = arith.constant 5760 : i32
      %dma_start3A_98 = tpu.memref_slice %arg9[%dma_start3A] : memref<10240xf32, #tpu.memory_space<vmem>> -> memref<640xf32, #tpu.memory_space<vmem>>
      %dma_start3A_99 = tpu.memref_slice %arg12[%add3A_56] : memref<163840xf32, #tpu.memory_space<vmem_shared>> -> memref<640xf32, #tpu.memory_space<vmem_shared>>
      %dma_start3A_100 = arith.constant 5760 : i32
      %dma_start3A_101 = tpu.memref_slice %arg9[%dma_start3A_100] : memref<10240xf32, #tpu.memory_space<vmem>> -> memref<640xf32, #tpu.memory_space<vmem>>
      %dma_start3A_102 = tpu.memref_slice %arg12[%add3A_56] : memref<163840xf32, #tpu.memory_space<vmem_shared>> -> memref<640xf32, #tpu.memory_space<vmem_shared>>
      tpu.enqueue_dma source(%dma_start3A_102 : memref<640xf32, #tpu.memory_space<vmem_shared>>) target(%dma_start3A_101 : memref<640xf32, #tpu.memory_space<vmem>>) target_semaphore(%run_scoped3A : memref<!tpu.dma_semaphore, #tpu.memory_space<semaphore_mem>>)
      %dma_wait3A = arith.constant 5760 : i32
      %dma_wait3A_103 = tpu.memref_slice %arg9[%dma_wait3A] : memref<10240xf32, #tpu.memory_space<vmem>> -> memref<640xf32, #tpu.memory_space<vmem>>
      %dma_wait3A_104 = tpu.memref_slice %arg12[%add3A_56] : memref<163840xf32, #tpu.memory_space<vmem_shared>> -> memref<640xf32, #tpu.memory_space<vmem_shared>>
      %dma_wait3A_105 = arith.constant 5760 : i32
      %dma_wait3A_106 = tpu.memref_slice %arg9[%dma_wait3A_105] : memref<10240xf32, #tpu.memory_space<vmem>> -> memref<640xf32, #tpu.memory_space<vmem>>
      %dma_wait3A_107 = tpu.memref_slice %arg12[%add3A_56] : memref<163840xf32, #tpu.memory_space<vmem_shared>> -> memref<640xf32, #tpu.memory_space<vmem_shared>>
      tpu.wait_dma2 semaphore(%run_scoped3A : memref<!tpu.dma_semaphore, #tpu.memory_space<semaphore_mem>>) src(%dma_wait3A_107 : memref<640xf32, #tpu.memory_space<vmem_shared>>) dst(%dma_wait3A_106 : memref<640xf32, #tpu.memory_space<vmem>>)
      tpu.yield
    }) : () -> ()
    %mul3A_57 = arith.constant 640 : i32
    %mul3A_58 = arith.muli %arg1, %mul3A_57 : i32
    %add3A_59 = arith.constant 102400 : i32
    %add3A_60 = arith.addi %add3A_59, %mul3A_58 : i32
    "tpu.region"() ({
      %run_scoped3A = tpu.sem_alloc : memref<!tpu.dma_semaphore, #tpu.memory_space<semaphore_mem>>
      %dma_start3A = arith.constant 6400 : i32
      %dma_start3A_98 = tpu.memref_slice %arg9[%dma_start3A] : memref<10240xf32, #tpu.memory_space<vmem>> -> memref<640xf32, #tpu.memory_space<vmem>>
      %dma_start3A_99 = tpu.memref_slice %arg12[%add3A_60] : memref<163840xf32, #tpu.memory_space<vmem_shared>> -> memref<640xf32, #tpu.memory_space<vmem_shared>>
      %dma_start3A_100 = arith.constant 6400 : i32
      %dma_start3A_101 = tpu.memref_slice %arg9[%dma_start3A_100] : memref<10240xf32, #tpu.memory_space<vmem>> -> memref<640xf32, #tpu.memory_space<vmem>>
      %dma_start3A_102 = tpu.memref_slice %arg12[%add3A_60] : memref<163840xf32, #tpu.memory_space<vmem_shared>> -> memref<640xf32, #tpu.memory_space<vmem_shared>>
      tpu.enqueue_dma source(%dma_start3A_102 : memref<640xf32, #tpu.memory_space<vmem_shared>>) target(%dma_start3A_101 : memref<640xf32, #tpu.memory_space<vmem>>) target_semaphore(%run_scoped3A : memref<!tpu.dma_semaphore, #tpu.memory_space<semaphore_mem>>)
      %dma_wait3A = arith.constant 6400 : i32
      %dma_wait3A_103 = tpu.memref_slice %arg9[%dma_wait3A] : memref<10240xf32, #tpu.memory_space<vmem>> -> memref<640xf32, #tpu.memory_space<vmem>>
      %dma_wait3A_104 = tpu.memref_slice %arg12[%add3A_60] : memref<163840xf32, #tpu.memory_space<vmem_shared>> -> memref<640xf32, #tpu.memory_space<vmem_shared>>
      %dma_wait3A_105 = arith.constant 6400 : i32
      %dma_wait3A_106 = tpu.memref_slice %arg9[%dma_wait3A_105] : memref<10240xf32, #tpu.memory_space<vmem>> -> memref<640xf32, #tpu.memory_space<vmem>>
      %dma_wait3A_107 = tpu.memref_slice %arg12[%add3A_60] : memref<163840xf32, #tpu.memory_space<vmem_shared>> -> memref<640xf32, #tpu.memory_space<vmem_shared>>
      tpu.wait_dma2 semaphore(%run_scoped3A : memref<!tpu.dma_semaphore, #tpu.memory_space<semaphore_mem>>) src(%dma_wait3A_107 : memref<640xf32, #tpu.memory_space<vmem_shared>>) dst(%dma_wait3A_106 : memref<640xf32, #tpu.memory_space<vmem>>)
      tpu.yield
    }) : () -> ()
    %mul3A_61 = arith.constant 640 : i32
    %mul3A_62 = arith.muli %arg1, %mul3A_61 : i32
    %add3A_63 = arith.constant 112640 : i32
    %add3A_64 = arith.addi %add3A_63, %mul3A_62 : i32
    "tpu.region"() ({
      %run_scoped3A = tpu.sem_alloc : memref<!tpu.dma_semaphore, #tpu.memory_space<semaphore_mem>>
      %dma_start3A = arith.constant 7040 : i32
      %dma_start3A_98 = tpu.memref_slice %arg9[%dma_start3A] : memref<10240xf32, #tpu.memory_space<vmem>> -> memref<640xf32, #tpu.memory_space<vmem>>
      %dma_start3A_99 = tpu.memref_slice %arg12[%add3A_64] : memref<163840xf32, #tpu.memory_space<vmem_shared>> -> memref<640xf32, #tpu.memory_space<vmem_shared>>
      %dma_start3A_100 = arith.constant 7040 : i32
      %dma_start3A_101 = tpu.memref_slice %arg9[%dma_start3A_100] : memref<10240xf32, #tpu.memory_space<vmem>> -> memref<640xf32, #tpu.memory_space<vmem>>
      %dma_start3A_102 = tpu.memref_slice %arg12[%add3A_64] : memref<163840xf32, #tpu.memory_space<vmem_shared>> -> memref<640xf32, #tpu.memory_space<vmem_shared>>
      tpu.enqueue_dma source(%dma_start3A_102 : memref<640xf32, #tpu.memory_space<vmem_shared>>) target(%dma_start3A_101 : memref<640xf32, #tpu.memory_space<vmem>>) target_semaphore(%run_scoped3A : memref<!tpu.dma_semaphore, #tpu.memory_space<semaphore_mem>>)
      %dma_wait3A = arith.constant 7040 : i32
      %dma_wait3A_103 = tpu.memref_slice %arg9[%dma_wait3A] : memref<10240xf32, #tpu.memory_space<vmem>> -> memref<640xf32, #tpu.memory_space<vmem>>
      %dma_wait3A_104 = tpu.memref_slice %arg12[%add3A_64] : memref<163840xf32, #tpu.memory_space<vmem_shared>> -> memref<640xf32, #tpu.memory_space<vmem_shared>>
      %dma_wait3A_105 = arith.constant 7040 : i32
      %dma_wait3A_106 = tpu.memref_slice %arg9[%dma_wait3A_105] : memref<10240xf32, #tpu.memory_space<vmem>> -> memref<640xf32, #tpu.memory_space<vmem>>
      %dma_wait3A_107 = tpu.memref_slice %arg12[%add3A_64] : memref<163840xf32, #tpu.memory_space<vmem_shared>> -> memref<640xf32, #tpu.memory_space<vmem_shared>>
      tpu.wait_dma2 semaphore(%run_scoped3A : memref<!tpu.dma_semaphore, #tpu.memory_space<semaphore_mem>>) src(%dma_wait3A_107 : memref<640xf32, #tpu.memory_space<vmem_shared>>) dst(%dma_wait3A_106 : memref<640xf32, #tpu.memory_space<vmem>>)
      tpu.yield
    }) : () -> ()
    %mul3A_65 = arith.constant 640 : i32
    %mul3A_66 = arith.muli %arg1, %mul3A_65 : i32
    %add3A_67 = arith.constant 122880 : i32
    %add3A_68 = arith.addi %add3A_67, %mul3A_66 : i32
    "tpu.region"() ({
      %run_scoped3A = tpu.sem_alloc : memref<!tpu.dma_semaphore, #tpu.memory_space<semaphore_mem>>
      %dma_start3A = arith.constant 7680 : i32
      %dma_start3A_98 = tpu.memref_slice %arg9[%dma_start3A] : memref<10240xf32, #tpu.memory_space<vmem>> -> memref<640xf32, #tpu.memory_space<vmem>>
      %dma_start3A_99 = tpu.memref_slice %arg12[%add3A_68] : memref<163840xf32, #tpu.memory_space<vmem_shared>> -> memref<640xf32, #tpu.memory_space<vmem_shared>>
      %dma_start3A_100 = arith.constant 7680 : i32
      %dma_start3A_101 = tpu.memref_slice %arg9[%dma_start3A_100] : memref<10240xf32, #tpu.memory_space<vmem>> -> memref<640xf32, #tpu.memory_space<vmem>>
      %dma_start3A_102 = tpu.memref_slice %arg12[%add3A_68] : memref<163840xf32, #tpu.memory_space<vmem_shared>> -> memref<640xf32, #tpu.memory_space<vmem_shared>>
      tpu.enqueue_dma source(%dma_start3A_102 : memref<640xf32, #tpu.memory_space<vmem_shared>>) target(%dma_start3A_101 : memref<640xf32, #tpu.memory_space<vmem>>) target_semaphore(%run_scoped3A : memref<!tpu.dma_semaphore, #tpu.memory_space<semaphore_mem>>)
      %dma_wait3A = arith.constant 7680 : i32
      %dma_wait3A_103 = tpu.memref_slice %arg9[%dma_wait3A] : memref<10240xf32, #tpu.memory_space<vmem>> -> memref<640xf32, #tpu.memory_space<vmem>>
      %dma_wait3A_104 = tpu.memref_slice %arg12[%add3A_68] : memref<163840xf32, #tpu.memory_space<vmem_shared>> -> memref<640xf32, #tpu.memory_space<vmem_shared>>
      %dma_wait3A_105 = arith.constant 7680 : i32
      %dma_wait3A_106 = tpu.memref_slice %arg9[%dma_wait3A_105] : memref<10240xf32, #tpu.memory_space<vmem>> -> memref<640xf32, #tpu.memory_space<vmem>>
      %dma_wait3A_107 = tpu.memref_slice %arg12[%add3A_68] : memref<163840xf32, #tpu.memory_space<vmem_shared>> -> memref<640xf32, #tpu.memory_space<vmem_shared>>
      tpu.wait_dma2 semaphore(%run_scoped3A : memref<!tpu.dma_semaphore, #tpu.memory_space<semaphore_mem>>) src(%dma_wait3A_107 : memref<640xf32, #tpu.memory_space<vmem_shared>>) dst(%dma_wait3A_106 : memref<640xf32, #tpu.memory_space<vmem>>)
      tpu.yield
    }) : () -> ()
    %mul3A_69 = arith.constant 640 : i32
    %mul3A_70 = arith.muli %arg1, %mul3A_69 : i32
    %add3A_71 = arith.constant 133120 : i32
    %add3A_72 = arith.addi %add3A_71, %mul3A_70 : i32
    "tpu.region"() ({
      %run_scoped3A = tpu.sem_alloc : memref<!tpu.dma_semaphore, #tpu.memory_space<semaphore_mem>>
      %dma_start3A = arith.constant 8320 : i32
      %dma_start3A_98 = tpu.memref_slice %arg9[%dma_start3A] : memref<10240xf32, #tpu.memory_space<vmem>> -> memref<640xf32, #tpu.memory_space<vmem>>
      %dma_start3A_99 = tpu.memref_slice %arg12[%add3A_72] : memref<163840xf32, #tpu.memory_space<vmem_shared>> -> memref<640xf32, #tpu.memory_space<vmem_shared>>
      %dma_start3A_100 = arith.constant 8320 : i32
      %dma_start3A_101 = tpu.memref_slice %arg9[%dma_start3A_100] : memref<10240xf32, #tpu.memory_space<vmem>> -> memref<640xf32, #tpu.memory_space<vmem>>
      %dma_start3A_102 = tpu.memref_slice %arg12[%add3A_72] : memref<163840xf32, #tpu.memory_space<vmem_shared>> -> memref<640xf32, #tpu.memory_space<vmem_shared>>
      tpu.enqueue_dma source(%dma_start3A_102 : memref<640xf32, #tpu.memory_space<vmem_shared>>) target(%dma_start3A_101 : memref<640xf32, #tpu.memory_space<vmem>>) target_semaphore(%run_scoped3A : memref<!tpu.dma_semaphore, #tpu.memory_space<semaphore_mem>>)
      %dma_wait3A = arith.constant 8320 : i32
      %dma_wait3A_103 = tpu.memref_slice %arg9[%dma_wait3A] : memref<10240xf32, #tpu.memory_space<vmem>> -> memref<640xf32, #tpu.memory_space<vmem>>
      %dma_wait3A_104 = tpu.memref_slice %arg12[%add3A_72] : memref<163840xf32, #tpu.memory_space<vmem_shared>> -> memref<640xf32, #tpu.memory_space<vmem_shared>>
      %dma_wait3A_105 = arith.constant 8320 : i32
      %dma_wait3A_106 = tpu.memref_slice %arg9[%dma_wait3A_105] : memref<10240xf32, #tpu.memory_space<vmem>> -> memref<640xf32, #tpu.memory_space<vmem>>
      %dma_wait3A_107 = tpu.memref_slice %arg12[%add3A_72] : memref<163840xf32, #tpu.memory_space<vmem_shared>> -> memref<640xf32, #tpu.memory_space<vmem_shared>>
      tpu.wait_dma2 semaphore(%run_scoped3A : memref<!tpu.dma_semaphore, #tpu.memory_space<semaphore_mem>>) src(%dma_wait3A_107 : memref<640xf32, #tpu.memory_space<vmem_shared>>) dst(%dma_wait3A_106 : memref<640xf32, #tpu.memory_space<vmem>>)
      tpu.yield
    }) : () -> ()
    %mul3A_73 = arith.constant 640 : i32
    %mul3A_74 = arith.muli %arg1, %mul3A_73 : i32
    %add3A_75 = arith.constant 143360 : i32
    %add3A_76 = arith.addi %add3A_75, %mul3A_74 : i32
    "tpu.region"() ({
      %run_scoped3A = tpu.sem_alloc : memref<!tpu.dma_semaphore, #tpu.memory_space<semaphore_mem>>
      %dma_start3A = arith.constant 8960 : i32
      %dma_start3A_98 = tpu.memref_slice %arg9[%dma_start3A] : memref<10240xf32, #tpu.memory_space<vmem>> -> memref<640xf32, #tpu.memory_space<vmem>>
      %dma_start3A_99 = tpu.memref_slice %arg12[%add3A_76] : memref<163840xf32, #tpu.memory_space<vmem_shared>> -> memref<640xf32, #tpu.memory_space<vmem_shared>>
      %dma_start3A_100 = arith.constant 8960 : i32
      %dma_start3A_101 = tpu.memref_slice %arg9[%dma_start3A_100] : memref<10240xf32, #tpu.memory_space<vmem>> -> memref<640xf32, #tpu.memory_space<vmem>>
      %dma_start3A_102 = tpu.memref_slice %arg12[%add3A_76] : memref<163840xf32, #tpu.memory_space<vmem_shared>> -> memref<640xf32, #tpu.memory_space<vmem_shared>>
      tpu.enqueue_dma source(%dma_start3A_102 : memref<640xf32, #tpu.memory_space<vmem_shared>>) target(%dma_start3A_101 : memref<640xf32, #tpu.memory_space<vmem>>) target_semaphore(%run_scoped3A : memref<!tpu.dma_semaphore, #tpu.memory_space<semaphore_mem>>)
      %dma_wait3A = arith.constant 8960 : i32
      %dma_wait3A_103 = tpu.memref_slice %arg9[%dma_wait3A] : memref<10240xf32, #tpu.memory_space<vmem>> -> memref<640xf32, #tpu.memory_space<vmem>>
      %dma_wait3A_104 = tpu.memref_slice %arg12[%add3A_76] : memref<163840xf32, #tpu.memory_space<vmem_shared>> -> memref<640xf32, #tpu.memory_space<vmem_shared>>
      %dma_wait3A_105 = arith.constant 8960 : i32
      %dma_wait3A_106 = tpu.memref_slice %arg9[%dma_wait3A_105] : memref<10240xf32, #tpu.memory_space<vmem>> -> memref<640xf32, #tpu.memory_space<vmem>>
      %dma_wait3A_107 = tpu.memref_slice %arg12[%add3A_76] : memref<163840xf32, #tpu.memory_space<vmem_shared>> -> memref<640xf32, #tpu.memory_space<vmem_shared>>
      tpu.wait_dma2 semaphore(%run_scoped3A : memref<!tpu.dma_semaphore, #tpu.memory_space<semaphore_mem>>) src(%dma_wait3A_107 : memref<640xf32, #tpu.memory_space<vmem_shared>>) dst(%dma_wait3A_106 : memref<640xf32, #tpu.memory_space<vmem>>)
      tpu.yield
    }) : () -> ()
    %mul3A_77 = arith.constant 640 : i32
    %mul3A_78 = arith.muli %arg1, %mul3A_77 : i32
    %add3A_79 = arith.constant 153600 : i32
    %add3A_80 = arith.addi %add3A_79, %mul3A_78 : i32
    "tpu.region"() ({
      %run_scoped3A = tpu.sem_alloc : memref<!tpu.dma_semaphore, #tpu.memory_space<semaphore_mem>>
      %dma_start3A = arith.constant 9600 : i32
      %dma_start3A_98 = tpu.memref_slice %arg9[%dma_start3A] : memref<10240xf32, #tpu.memory_space<vmem>> -> memref<640xf32, #tpu.memory_space<vmem>>
      %dma_start3A_99 = tpu.memref_slice %arg12[%add3A_80] : memref<163840xf32, #tpu.memory_space<vmem_shared>> -> memref<640xf32, #tpu.memory_space<vmem_shared>>
      %dma_start3A_100 = arith.constant 9600 : i32
      %dma_start3A_101 = tpu.memref_slice %arg9[%dma_start3A_100] : memref<10240xf32, #tpu.memory_space<vmem>> -> memref<640xf32, #tpu.memory_space<vmem>>
      %dma_start3A_102 = tpu.memref_slice %arg12[%add3A_80] : memref<163840xf32, #tpu.memory_space<vmem_shared>> -> memref<640xf32, #tpu.memory_space<vmem_shared>>
      tpu.enqueue_dma source(%dma_start3A_102 : memref<640xf32, #tpu.memory_space<vmem_shared>>) target(%dma_start3A_101 : memref<640xf32, #tpu.memory_space<vmem>>) target_semaphore(%run_scoped3A : memref<!tpu.dma_semaphore, #tpu.memory_space<semaphore_mem>>)
      %dma_wait3A = arith.constant 9600 : i32
      %dma_wait3A_103 = tpu.memref_slice %arg9[%dma_wait3A] : memref<10240xf32, #tpu.memory_space<vmem>> -> memref<640xf32, #tpu.memory_space<vmem>>
      %dma_wait3A_104 = tpu.memref_slice %arg12[%add3A_80] : memref<163840xf32, #tpu.memory_space<vmem_shared>> -> memref<640xf32, #tpu.memory_space<vmem_shared>>
      %dma_wait3A_105 = arith.constant 9600 : i32
      %dma_wait3A_106 = tpu.memref_slice %arg9[%dma_wait3A_105] : memref<10240xf32, #tpu.memory_space<vmem>> -> memref<640xf32, #tpu.memory_space<vmem>>
      %dma_wait3A_107 = tpu.memref_slice %arg12[%add3A_80] : memref<163840xf32, #tpu.memory_space<vmem_shared>> -> memref<640xf32, #tpu.memory_space<vmem_shared>>
      tpu.wait_dma2 semaphore(%run_scoped3A : memref<!tpu.dma_semaphore, #tpu.memory_space<semaphore_mem>>) src(%dma_wait3A_107 : memref<640xf32, #tpu.memory_space<vmem_shared>>) dst(%dma_wait3A_106 : memref<640xf32, #tpu.memory_space<vmem>>)
      tpu.yield
    }) : () -> ()
    %scan3A_81 = arith.constant 0 : i32
    %scan3A_82 = arith.constant 0 : i32
    %scan3A_83 = arith.constant 40 : i32
    %scan3A_84 = arith.addi %scan3A_82, %scan3A_83 : i32
    %scan3A_85 = arith.constant 1 : i32
    scf.for %scan3A_98 = %scan3A_82 to %scan3A_84 step %scan3A_85  : i32 {
      %mul3A_99 = arith.constant 16 : i32
      %mul3A_100 = arith.muli %scan3A_98, %mul3A_99 : i32
      %get3A = arith.index_cast %mul3A_100 : i32 to index
      %get3A_101 = tpu.vector_load %arg9[%get3A] {strides = array<i32>} : memref<10240xf32, #tpu.memory_space<vmem>>, vector<16xf32>,
      %mul3A_102 = arith.constant 16 : i32
      %mul3A_103 = arith.muli %scan3A_98, %mul3A_102 : i32
      %add3A_104 = arith.constant 640 : i32
      %add3A_105 = arith.addi %add3A_104, %mul3A_103 : i32
      %get3A_106 = arith.index_cast %add3A_105 : i32 to index
      %get3A_107 = tpu.vector_load %arg9[%get3A_106] {strides = array<i32>} : memref<10240xf32, #tpu.memory_space<vmem>>, vector<16xf32>,
      %add3A_108 = arith.addf %get3A_101, %get3A_107 : vector<16xf32>
      %mul3A_109 = arith.constant 16 : i32
      %mul3A_110 = arith.muli %scan3A_98, %mul3A_109 : i32
      %add3A_111 = arith.constant 1280 : i32
      %add3A_112 = arith.addi %add3A_111, %mul3A_110 : i32
      %get3A_113 = arith.index_cast %add3A_112 : i32 to index
      %get3A_114 = tpu.vector_load %arg9[%get3A_113] {strides = array<i32>} : memref<10240xf32, #tpu.memory_space<vmem>>, vector<16xf32>,
      %add3A_115 = arith.addf %add3A_108, %get3A_114 : vector<16xf32>
      %mul3A_116 = arith.constant 16 : i32
      %mul3A_117 = arith.muli %scan3A_98, %mul3A_116 : i32
      %add3A_118 = arith.constant 1920 : i32
      %add3A_119 = arith.addi %add3A_118, %mul3A_117 : i32
      %get3A_120 = arith.index_cast %add3A_119 : i32 to index
      %get3A_121 = tpu.vector_load %arg9[%get3A_120] {strides = array<i32>} : memref<10240xf32, #tpu.memory_space<vmem>>, vector<16xf32>,
      %add3A_122 = arith.addf %add3A_115, %get3A_121 : vector<16xf32>
      %mul3A_123 = arith.constant 16 : i32
      %mul3A_124 = arith.muli %scan3A_98, %mul3A_123 : i32
      %add3A_125 = arith.constant 2560 : i32
      %add3A_126 = arith.addi %add3A_125, %mul3A_124 : i32
      %get3A_127 = arith.index_cast %add3A_126 : i32 to index
      %get3A_128 = tpu.vector_load %arg9[%get3A_127] {strides = array<i32>} : memref<10240xf32, #tpu.memory_space<vmem>>, vector<16xf32>,
      %add3A_129 = arith.addf %add3A_122, %get3A_128 : vector<16xf32>
      %mul3A_130 = arith.constant 16 : i32
      %mul3A_131 = arith.muli %scan3A_98, %mul3A_130 : i32
      %add3A_132 = arith.constant 3200 : i32
      %add3A_133 = arith.addi %add3A_132, %mul3A_131 : i32
      %get3A_134 = arith.index_cast %add3A_133 : i32 to index
      %get3A_135 = tpu.vector_load %arg9[%get3A_134] {strides = array<i32>} : memref<10240xf32, #tpu.memory_space<vmem>>, vector<16xf32>,
      %add3A_136 = arith.addf %add3A_129, %get3A_135 : vector<16xf32>
      %mul3A_137 = arith.constant 16 : i32
      %mul3A_138 = arith.muli %scan3A_98, %mul3A_137 : i32
      %add3A_139 = arith.constant 3840 : i32
      %add3A_140 = arith.addi %add3A_139, %mul3A_138 : i32
      %get3A_141 = arith.index_cast %add3A_140 : i32 to index
      %get3A_142 = tpu.vector_load %arg9[%get3A_141] {strides = array<i32>} : memref<10240xf32, #tpu.memory_space<vmem>>, vector<16xf32>,
      %add3A_143 = arith.addf %add3A_136, %get3A_142 : vector<16xf32>
      %mul3A_144 = arith.constant 16 : i32
      %mul3A_145 = arith.muli %scan3A_98, %mul3A_144 : i32
      %add3A_146 = arith.constant 4480 : i32
      %add3A_147 = arith.addi %add3A_146, %mul3A_145 : i32
      %get3A_148 = arith.index_cast %add3A_147 : i32 to index
      %get3A_149 = tpu.vector_load %arg9[%get3A_148] {strides = array<i32>} : memref<10240xf32, #tpu.memory_space<vmem>>, vector<16xf32>,
      %add3A_150 = arith.addf %add3A_143, %get3A_149 : vector<16xf32>
      %mul3A_151 = arith.constant 16 : i32
      %mul3A_152 = arith.muli %scan3A_98, %mul3A_151 : i32
      %add3A_153 = arith.constant 5120 : i32
      %add3A_154 = arith.addi %add3A_153, %mul3A_152 : i32
      %get3A_155 = arith.index_cast %add3A_154 : i32 to index
      %get3A_156 = tpu.vector_load %arg9[%get3A_155] {strides = array<i32>} : memref<10240xf32, #tpu.memory_space<vmem>>, vector<16xf32>,
      %add3A_157 = arith.addf %add3A_150, %get3A_156 : vector<16xf32>
      %mul3A_158 = arith.constant 16 : i32
      %mul3A_159 = arith.muli %scan3A_98, %mul3A_158 : i32
      %add3A_160 = arith.constant 5760 : i32
      %add3A_161 = arith.addi %add3A_160, %mul3A_159 : i32
      %get3A_162 = arith.index_cast %add3A_161 : i32 to index
      %get3A_163 = tpu.vector_load %arg9[%get3A_162] {strides = array<i32>} : memref<10240xf32, #tpu.memory_space<vmem>>, vector<16xf32>,
      %add3A_164 = arith.addf %add3A_157, %get3A_163 : vector<16xf32>
      %mul3A_165 = arith.constant 16 : i32
      %mul3A_166 = arith.muli %scan3A_98, %mul3A_165 : i32
      %add3A_167 = arith.constant 6400 : i32
      %add3A_168 = arith.addi %add3A_167, %mul3A_166 : i32
      %get3A_169 = arith.index_cast %add3A_168 : i32 to index
      %get3A_170 = tpu.vector_load %arg9[%get3A_169] {strides = array<i32>} : memref<10240xf32, #tpu.memory_space<vmem>>, vector<16xf32>,
      %add3A_171 = arith.addf %add3A_164, %get3A_170 : vector<16xf32>
      %mul3A_172 = arith.constant 16 : i32
      %mul3A_173 = arith.muli %scan3A_98, %mul3A_172 : i32
      %add3A_174 = arith.constant 7040 : i32
      %add3A_175 = arith.addi %add3A_174, %mul3A_173 : i32
      %get3A_176 = arith.index_cast %add3A_175 : i32 to index
      %get3A_177 = tpu.vector_load %arg9[%get3A_176] {strides = array<i32>} : memref<10240xf32, #tpu.memory_space<vmem>>, vector<16xf32>,
      %add3A_178 = arith.addf %add3A_171, %get3A_177 : vector<16xf32>
      %mul3A_179 = arith.constant 16 : i32
      %mul3A_180 = arith.muli %scan3A_98, %mul3A_179 : i32
      %add3A_181 = arith.constant 7680 : i32
      %add3A_182 = arith.addi %add3A_181, %mul3A_180 : i32
      %get3A_183 = arith.index_cast %add3A_182 : i32 to index
      %get3A_184 = tpu.vector_load %arg9[%get3A_183] {strides = array<i32>} : memref<10240xf32, #tpu.memory_space<vmem>>, vector<16xf32>,
      %add3A_185 = arith.addf %add3A_178, %get3A_184 : vector<16xf32>
      %mul3A_186 = arith.constant 16 : i32
      %mul3A_187 = arith.muli %scan3A_98, %mul3A_186 : i32
      %add3A_188 = arith.constant 8320 : i32
      %add3A_189 = arith.addi %add3A_188, %mul3A_187 : i32
      %get3A_190 = arith.index_cast %add3A_189 : i32 to index
      %get3A_191 = tpu.vector_load %arg9[%get3A_190] {strides = array<i32>} : memref<10240xf32, #tpu.memory_space<vmem>>, vector<16xf32>,
      %add3A_192 = arith.addf %add3A_185, %get3A_191 : vector<16xf32>
      %mul3A_193 = arith.constant 16 : i32
      %mul3A_194 = arith.muli %scan3A_98, %mul3A_193 : i32
      %add3A_195 = arith.constant 8960 : i32
      %add3A_196 = arith.addi %add3A_195, %mul3A_194 : i32
      %get3A_197 = arith.index_cast %add3A_196 : i32 to index
      %get3A_198 = tpu.vector_load %arg9[%get3A_197] {strides = array<i32>} : memref<10240xf32, #tpu.memory_space<vmem>>, vector<16xf32>,
      %add3A_199 = arith.addf %add3A_192, %get3A_198 : vector<16xf32>
      %mul3A_200 = arith.constant 16 : i32
      %mul3A_201 = arith.muli %scan3A_98, %mul3A_200 : i32
      %add3A_202 = arith.constant 9600 : i32
      %add3A_203 = arith.addi %add3A_202, %mul3A_201 : i32
      %get3A_204 = arith.index_cast %add3A_203 : i32 to index
      %get3A_205 = tpu.vector_load %arg9[%get3A_204] {strides = array<i32>} : memref<10240xf32, #tpu.memory_space<vmem>>, vector<16xf32>,
      %add3A_206 = arith.addf %add3A_199, %get3A_205 : vector<16xf32>
      %max3A = arith.constant 9.99999996E-13 : f32
      %max3A_207 = vector.broadcast %max3A : f32 to vector<16xf32>
      %max3A_208 = arith.maximumf %add3A_206, %max3A_207 : vector<16xf32>
      %mul3A_209 = arith.constant 5.000000e-01 : f32
      %mul3A_210 = vector.broadcast %mul3A_209 : f32 to vector<16xf32>
      %mul3A_211 = arith.mulf %max3A_208, %mul3A_210 : vector<16xf32>
      %bitcast3A = vector.bitcast %max3A_208 : vector<16xf32> to vector<16xi32>
      %shift_right_arithmetic3A = arith.constant 1 : i32
      %shift_right_arithmetic3A_212 = vector.broadcast %shift_right_arithmetic3A : i32 to vector<16xi32>
      %shift_right_arithmetic3A_213 = arith.shrsi %bitcast3A, %shift_right_arithmetic3A_212 : vector<16xi32>
      %sub3A = arith.constant 1597463007 : i32
      %sub3A_214 = vector.broadcast %sub3A : i32 to vector<16xi32>
      %sub3A_215 = arith.subi %sub3A_214, %shift_right_arithmetic3A_213 : vector<16xi32>
      %bitcast3A_216 = vector.bitcast %sub3A_215 : vector<16xi32> to vector<16xf32>
      %mul3A_217 = arith.mulf %mul3A_211, %bitcast3A_216 : vector<16xf32>
      %mul3A_218 = arith.mulf %mul3A_217, %bitcast3A_216 : vector<16xf32>
      %sub3A_219 = arith.constant 1.500000e+00 : f32
      %sub3A_220 = vector.broadcast %sub3A_219 : f32 to vector<16xf32>
      %sub3A_221 = arith.subf %sub3A_220, %mul3A_218 : vector<16xf32>
      %mul3A_222 = arith.mulf %bitcast3A_216, %sub3A_221 : vector<16xf32>
      %mul3A_223 = arith.mulf %mul3A_211, %mul3A_222 : vector<16xf32>
      %mul3A_224 = arith.mulf %mul3A_223, %mul3A_222 : vector<16xf32>
      %sub3A_225 = arith.constant 1.500000e+00 : f32
      %sub3A_226 = vector.broadcast %sub3A_225 : f32 to vector<16xf32>
      %sub3A_227 = arith.subf %sub3A_226, %mul3A_224 : vector<16xf32>
      %mul3A_228 = arith.mulf %mul3A_222, %sub3A_227 : vector<16xf32>
      %mul3A_229 = arith.mulf %mul3A_211, %mul3A_228 : vector<16xf32>
      %mul3A_230 = arith.mulf %mul3A_229, %mul3A_228 : vector<16xf32>
      %sub3A_231 = arith.constant 1.500000e+00 : f32
      %sub3A_232 = vector.broadcast %sub3A_231 : f32 to vector<16xf32>
      %sub3A_233 = arith.subf %sub3A_232, %mul3A_230 : vector<16xf32>
      %mul3A_234 = arith.mulf %mul3A_228, %sub3A_233 : vector<16xf32>
      %gt3A = arith.constant 0.000000e+00 : f32
      %gt3A_235 = vector.broadcast %gt3A : f32 to vector<16xf32>
      %gt3A_236 = arith.cmpf ogt, %add3A_206, %gt3A_235 : vector<16xf32>
      %jit3A = arith.constant 0.000000e+00 : f32
      %broadcast_in_dim3A_237 = vector.broadcast %jit3A : f32 to vector<16xf32>
      %select_n3A = arith.select %gt3A_236, %mul3A_234, %broadcast_in_dim3A_237 : vector<16xi1>, vector<16xf32>
      %mul3A_238 = arith.constant 16 : i32
      %mul3A_239 = arith.muli %scan3A_98, %mul3A_238 : i32
      %swap3A = arith.index_cast %mul3A_239 : i32 to index
      %swap3A_240 = tpu.vector_load %arg10[%swap3A] {strides = array<i32>} : memref<640xf32, #tpu.memory_space<vmem>>, vector<16xf32>,
      tpu.vector_store %arg10[%swap3A], %select_n3A {strides = array<i32>} : memref<640xf32, #tpu.memory_space<vmem>>, vector<16xf32>,
    }
    %scan3A_86 = arith.constant 40 : i32
    %mul3A_87 = arith.constant 640 : i32
    %mul3A_88 = arith.muli %arg1, %mul3A_87 : i32
    "tpu.region"() ({
      %run_scoped3A = tpu.sem_alloc : memref<!tpu.dma_semaphore, #tpu.memory_space<semaphore_mem>>
      %dma_start3A = tpu.memref_slice %arg13[%mul3A_88] : memref<10240xf32, #tpu.memory_space<vmem_shared>> -> memref<640xf32, #tpu.memory_space<vmem_shared>>
      %dma_start3A_98 = tpu.memref_slice %arg13[%mul3A_88] : memref<10240xf32, #tpu.memory_space<vmem_shared>> -> memref<640xf32, #tpu.memory_space<vmem_shared>>
      tpu.enqueue_dma source(%arg10 : memref<640xf32, #tpu.memory_space<vmem>>) target(%dma_start3A_98 : memref<640xf32, #tpu.memory_space<vmem_shared>>) target_semaphore(%run_scoped3A : memref<!tpu.dma_semaphore, #tpu.memory_space<semaphore_mem>>)
      %dma_wait3A = tpu.memref_slice %arg13[%mul3A_88] : memref<10240xf32, #tpu.memory_space<vmem_shared>> -> memref<640xf32, #tpu.memory_space<vmem_shared>>
      %dma_wait3A_99 = tpu.memref_slice %arg13[%mul3A_88] : memref<10240xf32, #tpu.memory_space<vmem_shared>> -> memref<640xf32, #tpu.memory_space<vmem_shared>>
      tpu.wait_dma2 semaphore(%run_scoped3A : memref<!tpu.dma_semaphore, #tpu.memory_space<semaphore_mem>>) src(%arg10 : memref<640xf32, #tpu.memory_space<vmem>>) dst(%dma_wait3A_99 : memref<640xf32, #tpu.memory_space<vmem_shared>>)
      tpu.yield
    }) : () -> ()
    %barrier3A_89 = arith.constant 0 : index
    tpu.barrier barrier_id(%barrier3A_89)
    "tpu.region"() ({
      %run_scoped3A = tpu.sem_alloc : memref<!tpu.dma_semaphore, #tpu.memory_space<semaphore_mem>>
      tpu.enqueue_dma source(%arg13 : memref<10240xf32, #tpu.memory_space<vmem_shared>>) target(%arg11 : memref<10240xf32, #tpu.memory_space<vmem>>) target_semaphore(%run_scoped3A : memref<!tpu.dma_semaphore, #tpu.memory_space<semaphore_mem>>)
      tpu.wait_dma2 semaphore(%run_scoped3A : memref<!tpu.dma_semaphore, #tpu.memory_space<semaphore_mem>>) src(%arg13 : memref<10240xf32, #tpu.memory_space<vmem_shared>>) dst(%arg11 : memref<10240xf32, #tpu.memory_space<vmem>>)
      tpu.yield
    }) : () -> ()
    %mul3A_90 = arith.constant 10000 : i32
    %mul3A_91 = arith.muli %add3A, %mul3A_90 : i32
    "tpu.region"() ({
      %run_scoped3A = tpu.sem_alloc : memref<!tpu.dma_semaphore, #tpu.memory_space<semaphore_mem>>
      %dma_start3A = arith.constant 0 : i32
      %dma_start3A_98 = tpu.memref_slice %arg6[%dma_start3A] : memref<20000xi32, #tpu.memory_space<vmem>> -> memref<10000xi32, #tpu.memory_space<vmem>>
      %dma_start3A_99 = tpu.memref_slice %arg2[%mul3A_91] : memref<320000xi32, #tpu.memory_space<hbm>> -> memref<10000xi32, #tpu.memory_space<hbm>>
      %dma_start3A_100 = arith.constant 0 : i32
      %dma_start3A_101 = tpu.memref_slice %arg6[%dma_start3A_100] : memref<20000xi32, #tpu.memory_space<vmem>> -> memref<10000xi32, #tpu.memory_space<vmem>>
      %dma_start3A_102 = tpu.memref_slice %arg2[%mul3A_91] : memref<320000xi32, #tpu.memory_space<hbm>> -> memref<10000xi32, #tpu.memory_space<hbm>>
      tpu.enqueue_dma source(%dma_start3A_102 : memref<10000xi32, #tpu.memory_space<hbm>>) target(%dma_start3A_101 : memref<10000xi32, #tpu.memory_space<vmem>>) target_semaphore(%run_scoped3A : memref<!tpu.dma_semaphore, #tpu.memory_space<semaphore_mem>>)
      %dma_wait3A = arith.constant 0 : i32
      %dma_wait3A_103 = tpu.memref_slice %arg6[%dma_wait3A] : memref<20000xi32, #tpu.memory_space<vmem>> -> memref<10000xi32, #tpu.memory_space<vmem>>
      %dma_wait3A_104 = tpu.memref_slice %arg2[%mul3A_91] : memref<320000xi32, #tpu.memory_space<hbm>> -> memref<10000xi32, #tpu.memory_space<hbm>>
      %dma_wait3A_105 = arith.constant 0 : i32
      %dma_wait3A_106 = tpu.memref_slice %arg6[%dma_wait3A_105] : memref<20000xi32, #tpu.memory_space<vmem>> -> memref<10000xi32, #tpu.memory_space<vmem>>
      %dma_wait3A_107 = tpu.memref_slice %arg2[%mul3A_91] : memref<320000xi32, #tpu.memory_space<hbm>> -> memref<10000xi32, #tpu.memory_space<hbm>>
      tpu.wait_dma2 semaphore(%run_scoped3A : memref<!tpu.dma_semaphore, #tpu.memory_space<semaphore_mem>>) src(%dma_wait3A_107 : memref<10000xi32, #tpu.memory_space<hbm>>) dst(%dma_wait3A_106 : memref<10000xi32, #tpu.memory_space<vmem>>)
      tpu.yield
    }) : () -> ()
    "tpu.region"() ({
      %run_scoped3A = tpu.sem_alloc : memref<!tpu.dma_semaphore, #tpu.memory_space<semaphore_mem>>
      %dma_start3A = arith.constant 10000 : i32
      %dma_start3A_98 = tpu.memref_slice %arg6[%dma_start3A] : memref<20000xi32, #tpu.memory_space<vmem>> -> memref<10000xi32, #tpu.memory_space<vmem>>
      %dma_start3A_99 = tpu.memref_slice %arg3[%mul3A_91] : memref<320000xi32, #tpu.memory_space<hbm>> -> memref<10000xi32, #tpu.memory_space<hbm>>
      %dma_start3A_100 = arith.constant 10000 : i32
      %dma_start3A_101 = tpu.memref_slice %arg6[%dma_start3A_100] : memref<20000xi32, #tpu.memory_space<vmem>> -> memref<10000xi32, #tpu.memory_space<vmem>>
      %dma_start3A_102 = tpu.memref_slice %arg3[%mul3A_91] : memref<320000xi32, #tpu.memory_space<hbm>> -> memref<10000xi32, #tpu.memory_space<hbm>>
      tpu.enqueue_dma source(%dma_start3A_102 : memref<10000xi32, #tpu.memory_space<hbm>>) target(%dma_start3A_101 : memref<10000xi32, #tpu.memory_space<vmem>>) target_semaphore(%run_scoped3A : memref<!tpu.dma_semaphore, #tpu.memory_space<semaphore_mem>>)
      %dma_wait3A = arith.constant 10000 : i32
      %dma_wait3A_103 = tpu.memref_slice %arg6[%dma_wait3A] : memref<20000xi32, #tpu.memory_space<vmem>> -> memref<10000xi32, #tpu.memory_space<vmem>>
      %dma_wait3A_104 = tpu.memref_slice %arg3[%mul3A_91] : memref<320000xi32, #tpu.memory_space<hbm>> -> memref<10000xi32, #tpu.memory_space<hbm>>
      %dma_wait3A_105 = arith.constant 10000 : i32
      %dma_wait3A_106 = tpu.memref_slice %arg6[%dma_wait3A_105] : memref<20000xi32, #tpu.memory_space<vmem>> -> memref<10000xi32, #tpu.memory_space<vmem>>
      %dma_wait3A_107 = tpu.memref_slice %arg3[%mul3A_91] : memref<320000xi32, #tpu.memory_space<hbm>> -> memref<10000xi32, #tpu.memory_space<hbm>>
      tpu.wait_dma2 semaphore(%run_scoped3A : memref<!tpu.dma_semaphore, #tpu.memory_space<semaphore_mem>>) src(%dma_wait3A_107 : memref<10000xi32, #tpu.memory_space<hbm>>) dst(%dma_wait3A_106 : memref<10000xi32, #tpu.memory_space<vmem>>)
      tpu.yield
    }) : () -> ()
    "tpu.region"() ({
      %run_scoped3A = tpu.sem_alloc : memref<!tpu.dma_semaphore, #tpu.memory_space<semaphore_mem>>
      %dma_start3A = arith.constant 0 : i32
      %dma_start3A_98 = tpu.memref_slice %arg7[%dma_start3A] : memref<20000xf32, #tpu.memory_space<vmem>> -> memref<10000xf32, #tpu.memory_space<vmem>>
      %dma_start3A_99 = tpu.memref_slice %arg4[%mul3A_91] : memref<320000xf32, #tpu.memory_space<hbm>> -> memref<10000xf32, #tpu.memory_space<hbm>>
      %dma_start3A_100 = arith.constant 0 : i32
      %dma_start3A_101 = tpu.memref_slice %arg7[%dma_start3A_100] : memref<20000xf32, #tpu.memory_space<vmem>> -> memref<10000xf32, #tpu.memory_space<vmem>>
      %dma_start3A_102 = tpu.memref_slice %arg4[%mul3A_91] : memref<320000xf32, #tpu.memory_space<hbm>> -> memref<10000xf32, #tpu.memory_space<hbm>>
      tpu.enqueue_dma source(%dma_start3A_102 : memref<10000xf32, #tpu.memory_space<hbm>>) target(%dma_start3A_101 : memref<10000xf32, #tpu.memory_space<vmem>>) target_semaphore(%run_scoped3A : memref<!tpu.dma_semaphore, #tpu.memory_space<semaphore_mem>>)
      %dma_wait3A = arith.constant 0 : i32
      %dma_wait3A_103 = tpu.memref_slice %arg7[%dma_wait3A] : memref<20000xf32, #tpu.memory_space<vmem>> -> memref<10000xf32, #tpu.memory_space<vmem>>
      %dma_wait3A_104 = tpu.memref_slice %arg4[%mul3A_91] : memref<320000xf32, #tpu.memory_space<hbm>> -> memref<10000xf32, #tpu.memory_space<hbm>>
      %dma_wait3A_105 = arith.constant 0 : i32
      %dma_wait3A_106 = tpu.memref_slice %arg7[%dma_wait3A_105] : memref<20000xf32, #tpu.memory_space<vmem>> -> memref<10000xf32, #tpu.memory_space<vmem>>
      %dma_wait3A_107 = tpu.memref_slice %arg4[%mul3A_91] : memref<320000xf32, #tpu.memory_space<hbm>> -> memref<10000xf32, #tpu.memory_space<hbm>>
      tpu.wait_dma2 semaphore(%run_scoped3A : memref<!tpu.dma_semaphore, #tpu.memory_space<semaphore_mem>>) src(%dma_wait3A_107 : memref<10000xf32, #tpu.memory_space<hbm>>) dst(%dma_wait3A_106 : memref<10000xf32, #tpu.memory_space<vmem>>)
      tpu.yield
    }) : () -> ()
    %scan3A_92 = arith.constant 0 : i32
    %scan3A_93 = arith.constant 0 : i32
    %scan3A_94 = arith.constant 625 : i32
    %scan3A_95 = arith.addi %scan3A_93, %scan3A_94 : i32
    %scan3A_96 = arith.constant 1 : i32
    scf.for %scan3A_98 = %scan3A_93 to %scan3A_95 step %scan3A_96  : i32 {
      %mul3A_99 = arith.constant 16 : i32
      %mul3A_100 = arith.muli %scan3A_98, %mul3A_99 : i32
      %get3A = arith.index_cast %mul3A_100 : i32 to index
      %get3A_101 = tpu.vector_load %arg6[%get3A] {strides = array<i32>} : memref<20000xi32, #tpu.memory_space<vmem>>, vector<16xi32>,
      %mul3A_102 = arith.constant 16 : i32
      %mul3A_103 = arith.muli %scan3A_98, %mul3A_102 : i32
      %add3A_104 = arith.constant 10000 : i32
      %add3A_105 = arith.addi %add3A_104, %mul3A_103 : i32
      %get3A_106 = arith.index_cast %add3A_105 : i32 to index
      %get3A_107 = tpu.vector_load %arg6[%get3A_106] {strides = array<i32>} : memref<20000xi32, #tpu.memory_space<vmem>>, vector<16xi32>,
      %mul3A_108 = arith.constant 16 : i32
      %mul3A_109 = arith.muli %scan3A_98, %mul3A_108 : i32
      %get3A_110 = arith.index_cast %mul3A_109 : i32 to index
      %get3A_111 = tpu.vector_load %arg7[%get3A_110] {strides = array<i32>} : memref<20000xf32, #tpu.memory_space<vmem>>, vector<16xf32>,
      %gather3A = tpu.vector_load_idx %arg11[%get3A_101] : memref<10240xf32, #tpu.memory_space<vmem>>[vector<16xi32>], vector<16xf32>,
      %gather3A_112 = tpu.vector_load_idx %arg11[%get3A_107] : memref<10240xf32, #tpu.memory_space<vmem>>[vector<16xi32>], vector<16xf32>,
      %mul3A_113 = arith.mulf %gather3A, %gather3A_112 : vector<16xf32>
      %mul3A_114 = arith.mulf %mul3A_113, %get3A_111 : vector<16xf32>
      %mul3A_115 = arith.constant 16 : i32
      %mul3A_116 = arith.muli %scan3A_98, %mul3A_115 : i32
      %swap3A = arith.index_cast %mul3A_116 : i32 to index
      %swap3A_117 = tpu.vector_load %arg7[%swap3A] {strides = array<i32>} : memref<20000xf32, #tpu.memory_space<vmem>>, vector<16xf32>,
      tpu.vector_store %arg7[%swap3A], %mul3A_114 {strides = array<i32>} : memref<20000xf32, #tpu.memory_space<vmem>>, vector<16xf32>,
    }
    %scan3A_97 = arith.constant 625 : i32
    "tpu.region"() ({
      %run_scoped3A = tpu.sem_alloc : memref<!tpu.dma_semaphore, #tpu.memory_space<semaphore_mem>>
      %dma_start3A = arith.constant 0 : i32
      %dma_start3A_98 = tpu.memref_slice %arg7[%dma_start3A] : memref<20000xf32, #tpu.memory_space<vmem>> -> memref<10000xf32, #tpu.memory_space<vmem>>
      %dma_start3A_99 = tpu.memref_slice %arg5[%mul3A_91] : memref<320000xf32, #tpu.memory_space<hbm>> -> memref<10000xf32, #tpu.memory_space<hbm>>
      %dma_start3A_100 = tpu.memref_slice %arg5[%mul3A_91] : memref<320000xf32, #tpu.memory_space<hbm>> -> memref<10000xf32, #tpu.memory_space<hbm>>
      %dma_start3A_101 = arith.constant 0 : i32
      %dma_start3A_102 = tpu.memref_slice %arg7[%dma_start3A_101] : memref<20000xf32, #tpu.memory_space<vmem>> -> memref<10000xf32, #tpu.memory_space<vmem>>
      tpu.enqueue_dma source(%dma_start3A_102 : memref<10000xf32, #tpu.memory_space<vmem>>) target(%dma_start3A_100 : memref<10000xf32, #tpu.memory_space<hbm>>) target_semaphore(%run_scoped3A : memref<!tpu.dma_semaphore, #tpu.memory_space<semaphore_mem>>)
      %dma_wait3A = arith.constant 0 : i32
      %dma_wait3A_103 = tpu.memref_slice %arg7[%dma_wait3A] : memref<20000xf32, #tpu.memory_space<vmem>> -> memref<10000xf32, #tpu.memory_space<vmem>>
      %dma_wait3A_104 = tpu.memref_slice %arg5[%mul3A_91] : memref<320000xf32, #tpu.memory_space<hbm>> -> memref<10000xf32, #tpu.memory_space<hbm>>
      %dma_wait3A_105 = tpu.memref_slice %arg5[%mul3A_91] : memref<320000xf32, #tpu.memory_space<hbm>> -> memref<10000xf32, #tpu.memory_space<hbm>>
      %dma_wait3A_106 = arith.constant 0 : i32
      %dma_wait3A_107 = tpu.memref_slice %arg7[%dma_wait3A_106] : memref<20000xf32, #tpu.memory_space<vmem>> -> memref<10000xf32, #tpu.memory_space<vmem>>
      tpu.wait_dma2 semaphore(%run_scoped3A : memref<!tpu.dma_semaphore, #tpu.memory_space<semaphore_mem>>) src(%dma_wait3A_107 : memref<10000xf32, #tpu.memory_space<vmem>>) dst(%dma_wait3A_105 : memref<10000xf32, #tpu.memory_space<hbm>>)
      tpu.yield
    }) : () -> ()
    return
  }
}

module attributes {stable_mosaic.version = 14 : i64} {
  func.func @_comb_body(%arg0: i32, %arg1: memref<1000x128xf32, #tpu.memory_space<vmem>>, %arg2: memref<1000x128xf32, #tpu.memory_space<vmem>>, %arg3: memref<1x128xf32, #tpu.memory_space<vmem>>, %arg4: memref<1000x128xf32, #tpu.memory_space<vmem>>) attributes {dimension_semantics = [#tpu.dimension_semantics<arbitrary>], iteration_bounds = array<i64: 10>, scalar_prefetch = 0 : i64, scratch_operands = 0 : i64, tpu.core_type = #tpu.core_type<tc>, window_params = [{transform_indices = @transform_0, window_bounds = array<i64: 1000, 128>}, {transform_indices = @transform_1, window_bounds = array<i64: 1000, 128>}, {pipeline_mode = #tpu.pipeline_mode<synchronous>, transform_indices = @transform_2, window_bounds = array<i64: 1, 128>}, {transform_indices = @transform_3, window_bounds = array<i64: 1000, 128>}]} {
    %get3A = arith.constant 0 : index
    %get3A_0 = arith.constant 0 : index
    %get3A_1 = vector.load %arg1[%get3A, %get3A_0] : memref<1000x128xf32, #tpu.memory_space<vmem>>, vector<1000x128xf32>
    %get3A_2 = arith.constant 0 : index
    %get3A_3 = arith.constant 0 : index
    %get3A_4 = vector.load %arg2[%get3A_2, %get3A_3] : memref<1000x128xf32, #tpu.memory_space<vmem>>, vector<1000x128xf32>
    %add3A = arith.addf %get3A_1, %get3A_4 : vector<1000x128xf32>
    %get3A_5 = arith.constant 0 : index
    %get3A_6 = arith.constant 0 : index
    %get3A_7 = vector.load %arg3[%get3A_5, %get3A_6] : memref<1x128xf32, #tpu.memory_space<vmem>>, vector<1x128xf32>
    %add3A_8 = vector.broadcast %get3A_7 : vector<1x128xf32> to vector<1000x128xf32>
    %add3A_9 = arith.addf %add3A, %add3A_8 : vector<1000x128xf32>
    %swap3A = arith.constant 0 : index
    %swap3A_10 = arith.constant 0 : index
    %swap3A_11 = vector.load %arg4[%swap3A, %swap3A_10] : memref<1000x128xf32, #tpu.memory_space<vmem>>, vector<1000x128xf32>
    tpu.vector_store %arg4[%swap3A, %swap3A_10], %add3A_9 {strides = array<i32>} : memref<1000x128xf32, #tpu.memory_space<vmem>>, vector<1000x128xf32>,
    return
  }
  func.func @transform_0(%arg0: i32) -> (i32, i32) {
    %c0_i32 = arith.constant 0 : i32
    %c0_i32_0 = arith.constant 0 : i32
    return %arg0, %c0_i32 : i32, i32
  }
  func.func @transform_1(%arg0: i32) -> (i32, i32) {
    %c0_i32 = arith.constant 0 : i32
    %c0_i32_0 = arith.constant 0 : i32
    return %arg0, %c0_i32 : i32, i32
  }
  func.func @transform_2(%arg0: i32) -> (i32, i32) {
    %c0_i32 = arith.constant 0 : i32
    %c0_i32_0 = arith.constant 0 : i32
    %c0_i32_1 = arith.constant 0 : i32
    return %c0_i32, %c0_i32_0 : i32, i32
  }
  func.func @transform_3(%arg0: i32) -> (i32, i32) {
    %c0_i32 = arith.constant 0 : i32
    %c0_i32_0 = arith.constant 0 : i32
    return %arg0, %c0_i32 : i32, i32
  }
}

module attributes {stable_mosaic.version = 14 : i64} {
  func.func @_mm_body(%arg0: i32, %arg1: memref<1000x128xf32, #tpu.memory_space<vmem>>, %arg2: memref<128x128xf32, #tpu.memory_space<vmem>>, %arg3: memref<1000x128xf32, #tpu.memory_space<vmem>>) attributes {dimension_semantics = [#tpu.dimension_semantics<arbitrary>], iteration_bounds = array<i64: 10>, scalar_prefetch = 0 : i64, scratch_operands = 0 : i64, tpu.core_type = #tpu.core_type<tc>, window_params = [{transform_indices = @transform_0, window_bounds = array<i64: 1000, 128>}, {pipeline_mode = #tpu.pipeline_mode<synchronous>, transform_indices = @transform_1, window_bounds = array<i64: 128, 128>}, {transform_indices = @transform_2, window_bounds = array<i64: 1000, 128>}]} {
    %get3A = arith.constant 0 : index
    %get3A_0 = arith.constant 0 : index
    %get3A_1 = vector.load %arg1[%get3A, %get3A_0] : memref<1000x128xf32, #tpu.memory_space<vmem>>, vector<1000x128xf32>
    %get3A_2 = arith.constant 0 : index
    %get3A_3 = arith.constant 0 : index
    %get3A_4 = vector.load %arg2[%get3A_2, %get3A_3] : memref<128x128xf32, #tpu.memory_space<vmem>>, vector<128x128xf32>
    %dot_general3A = arith.constant dense<0.000000e+00> : vector<1000x128xf32>
    %dot_general3A_5 = tpu.matmul %get3A_1, %get3A_4, %dot_general3A {dimension_numbers = #tpu.dot_dimension_numbers<[1], [0], [0], [1], [0, 0, 1, 1], [], []>, precision = #tpu.contract_precision<fp32>, transpose_lhs_hint = false} : vector<1000x128xf32>, vector<128x128xf32>, vector<1000x128xf32> -> vector<1000x128xf32>
    %swap3A = arith.constant 0 : index
    %swap3A_6 = arith.constant 0 : index
    %swap3A_7 = vector.load %arg3[%swap3A, %swap3A_6] : memref<1000x128xf32, #tpu.memory_space<vmem>>, vector<1000x128xf32>
    tpu.vector_store %arg3[%swap3A, %swap3A_6], %dot_general3A_5 {strides = array<i32>} : memref<1000x128xf32, #tpu.memory_space<vmem>>, vector<1000x128xf32>,
    return
  }
  func.func @transform_0(%arg0: i32) -> (i32, i32) {
    %c0_i32 = arith.constant 0 : i32
    %c0_i32_0 = arith.constant 0 : i32
    return %arg0, %c0_i32 : i32, i32
  }
  func.func @transform_1(%arg0: i32) -> (i32, i32) {
    %c0_i32 = arith.constant 0 : i32
    %c0_i32_0 = arith.constant 0 : i32
    %c0_i32_1 = arith.constant 0 : i32
    return %c0_i32, %c0_i32_0 : i32, i32
  }
  func.func @transform_2(%arg0: i32) -> (i32, i32) {
    %c0_i32 = arith.constant 0 : i32
    %c0_i32_0 = arith.constant 0 : i32
    return %arg0, %c0_i32 : i32, i32
  }
}

</mosaic_0001>

<sc_bundles>
// kernel: kernel.6.cloned.1.call-start
scs
__scs_entry_jumppad:
0x0: {  	(pc) =	sbr.rel $0x88, $3  }
0x1: {  	(tag) =	ssettag $0x0;
	lr =	simm.s32 $0x1  }
0x2: {  	[smem:$0x3F9C] =	sst lr;
	_ =	strace $0xD0000000  }
0x3: {  	_ = 	snop  }
0x4: {  	_ = 	snop  }
0x5: {  	_ = 	snop  }
0x6: {  	_ = 	snop  }
0x7: {  	_ = 	snop  }
__scs_overlays_trampoline_lowered:
0x8: {  	[smem:$0x3FAB] =	sst s0  }
0x9: {  	[smem:$0x3FAC] =	sst s1  }
0xa: {  	[smem:$0x3FAD] =	sst s2  }
0xb: {  	[smem:$0x3FAE] =	sst s3  }
0xc: {  	[smem:$0x3FAF] =	sst s4  }
0xd: {  	[smem:$0x3FB0] =	sst s5  }
0xe: {  	[smem:$0x3FB1] =	sst s6  }
0xf: {  	[smem:$0x3FB2] =	sst s7  }
0x10: {  	[smem:$0x3FB3] =	sst s8  }
0x11: {  	[smem:$0x3FB4] =	sst s9;
	s0 =	simm.s32 @!p0 $0x0  }
0x12: {  	s1 =	sld [smem:$0x3F9A];
	s0 =	simm.s32 @p0 $0x1  }
0x13: {  	[smem:$0x3FB5] =	sst s0;
	s0 =	simm.s32 @!p1 $0x0  }
0x14: {  	s2 =	sld [smem:$0x3F99];
	s0 =	simm.s32 @p1 $0x1  }
0x15: {  	[smem:$0x3FB6] =	sst s0;
	s0 =	simm.s32 @!p2 $0x0  }
0x16: {  	s3 =	sld [smem:$0x3FDB];
	s0 =	simm.s32 @p2 $0x1  }
0x17: {  	s4 =	simm.s32 $0x1BF5;
	[smem:$0x3FB8] =	sst s0  }
0x18: {  	s0 =	sld [smem:$0x3F9B];
	_ =	swait.ge [sflag:s4], $0x0  }
0x19: {  	s7 =	sld [smem:$0x3F9C]  }
0x1a: {  	s8 =	sadd.s32 $0xFFFFE003, lr  }
0x1b: {  	s9 =	sadd.s32 $0xFFFFFEF7, lr;
	s5 =	simm.s32 $0xFFFFFFFF;
	p2 =	slt.u32 s8, $0xFFFFF086  }
0x1c: {  	p1 =	slt.u32 s9, $0xF7A;
	s5 =	simm.s32 @!p2 $0x0  }
0x1d: {  	s5 =	simm.s32 @p1 $0x1;
	p0 =	seq.s32 s7, s2  }
0x1e: {  	s7 =	smul.u32 @!p0 $0xF7A, s2;
	p2 =	seq.s32 @!p0 s5, $0x0  }
0x1f: {  	s9 =	smul.u32 $0xF7A, s1;
	s8 =	simm.s32 @!p0 $0x1BF5;
	p2 =	por !p2, p0  }
0x20: {  	[sflag:s8] =	ssyncset.s32 @!p0 $0xFFFFF086;
	s6 =	sadd.s32 @!p0 s3, s7;
	s7 =	simm.s32 @!p0 $0x108  }
0x21: {  	s3 =	sadd.s32 s3, s9;
	s6 =	sadd.s32 @!p0 $0x88, s6;
	s7 =	simm.s32 @p2 $0x1082  }
0x22: {  	[simem:s7], [sflag:s8] =	dma.local @!p0 [hbm:s6], $0xF7A  }
0x23: {  	s9 =	sor.u32 $0xD0000000, s2;
	s6 =	simm.s32 $0x108;
	_ =	swait.ge @!p0 [sflag:s8], $0x0  }
0x24: {  	s3 =	sadd.s32 $0x88, s3;
	s6 =	simm.s32 @!p1 $0x1082;
	[sflag:s4] =	ssyncset.s32 $0xFFFFF086  }
0x25: {  	[simem:s6], [sflag:s4] =	dma.local [hbm:s3], $0xF7A  }
0x26: {  	[smem:$0x3F9C] =	sst s1;
	(tag) =	ssettag s2;
	_ =	strace s9  }
0x27: {  	s1 =	sld [smem:$0x3FAC]  }
0x28: {  	s2 =	sld [smem:$0x3FAD]  }
0x29: {  	s4 =	sld [smem:$0x3FAF]  }
0x2a: {  	p0 =	seq.s32 s5, $0x0;
	s5 =	sld [smem:$0x3FB0]  }
0x2b: {  	s6 =	sld [smem:$0x3FB1]  }
0x2c: {  	s7 =	sld [smem:$0x3FB2]  }
0x2d: {  	s3 =	simm.s32 $0x108;
	s8 =	sld [smem:$0x3FB3]  }
0x2e: {  	s3 =	simm.s32 @!p0 $0x1082;
	s9 =	sld [smem:$0x3FB4]  }
0x2f: {  	lr =	sadd.s32 s0, s3;
	s0 =	sld [smem:$0x3FAB]  }
0x30: {  	s3 =	sld [smem:$0x3FAE]  }
0x31: {  	[smem:$0x3FB7] =	sst s10  }
0x32: {  	s10 =	sld [smem:$0x3FB5];
	_ =	sdelay $0x3  }
0x33: {  	p0 =	seq.s32 s10, $0x1;
	s10 =	sld [smem:$0x3FB7];
	_ =	sdelay $0x3  }
0x34: {  	[smem:$0x3FB7] =	sst s10  }
0x35: {  	s10 =	sld [smem:$0x3FB6];
	_ =	sdelay $0x3  }
0x36: {  	p1 =	seq.s32 s10, $0x1;
	s10 =	sld [smem:$0x3FB7];
	_ =	sdelay $0x3  }
0x37: {  	[smem:$0x3FB7] =	sst s10  }
0x38: {  	s10 =	sld [smem:$0x3FB8]  }
0x39: {  	_ = 	snop;
	(pc) =	sbr.ind lr, $3  }
0x3a: {  	_ = 	snop  }
0x3b: {  	_ = 	snop  }
0x3c: {  	p2 =	seq.s32 s10, $0x1;
	s10 =	sld [smem:$0x3FB7]  }
0x3d: {  	_ =	shalt  }
0x3e: {  	_ =	shalt  }
0x3f: {  	_ =	shalt  }
0x40: {  	_ =	shalt  }
0x41: {  	_ =	shalt  }
0x42: {  	_ =	shalt  }
0x43: {  	_ =	shalt  }
0x44: {  	_ =	shalt  }
0x45: {  	_ =	shalt  }
0x46: {  	_ =	shalt  }
0x47: {  	_ =	shalt  }
0x48: {  	_ =	shalt  }
0x49: {  	_ =	shalt  }
0x4a: {  	_ =	shalt  }
0x4b: {  	_ =	shalt  }
0x4c: {  	_ =	shalt  }
0x4d: {  	_ =	shalt  }
0x4e: {  	_ =	shalt  }
0x4f: {  	_ =	shalt  }
0x50: {  	_ =	shalt  }
0x51: {  	_ =	shalt  }
0x52: {  	_ =	shalt  }
0x53: {  	_ =	shalt  }
0x54: {  	_ =	shalt  }
0x55: {  	_ =	shalt  }
0x56: {  	_ =	shalt  }
0x57: {  	_ =	shalt  }
0x58: {  	_ =	shalt  }
0x59: {  	_ =	shalt  }
0x5a: {  	_ =	shalt  }
0x5b: {  	_ =	shalt  }
0x5c: {  	_ =	shalt  }
0x5d: {  	_ =	shalt  }
0x5e: {  	_ =	shalt  }
0x5f: {  	_ =	shalt  }
0x60: {  	_ =	shalt  }
0x61: {  	_ =	shalt  }
0x62: {  	_ =	shalt  }
0x63: {  	_ =	shalt  }
0x64: {  	_ =	shalt  }
0x65: {  	_ =	shalt  }
0x66: {  	_ =	shalt  }
0x67: {  	_ =	shalt  }
0x68: {  	_ =	shalt  }
0x69: {  	_ =	shalt  }
0x6a: {  	_ =	shalt  }
0x6b: {  	_ =	shalt  }
0x6c: {  	_ =	shalt  }
0x6d: {  	_ =	shalt  }
0x6e: {  	_ =	shalt  }
0x6f: {  	_ =	shalt  }
0x70: {  	_ =	shalt  }
0x71: {  	_ =	shalt  }
0x72: {  	_ =	shalt  }
0x73: {  	_ =	shalt  }
0x74: {  	_ =	shalt  }
0x75: {  	_ =	shalt  }
0x76: {  	_ =	shalt  }
0x77: {  	_ =	shalt  }
0x78: {  	_ =	shalt  }
0x79: {  	_ =	shalt  }
0x7a: {  	_ =	shalt  }
0x7b: {  	_ =	shalt  }
0x7c: {  	_ =	shalt  }
0x7d: {  	_ =	shalt  }
0x7e: {  	_ =	shalt  }
0x7f: {  	_ =	shalt  }
0x80: {  	_ =	shalt  }
0x81: {  	_ =	shalt  }
0x82: {  	_ =	shalt  }
0x83: {  	_ =	shalt  }
0x84: {  	_ =	shalt  }
0x85: {  	_ =	shalt  }
0x86: {  	_ =	shalt  }
0x87: {  	_ =	shalt  }
.Lfunc_end0:
.L_simem_size_0:
called_computation_lowered:
.L_overlay_start_0:
0x88: {  	s2 =	sld [smem:$0x3FD9]  }
0x89: {  	s3 =	sld [smem:$0x3FFE];
	_ =	sdelay $0x1  }
0x8a: {  	s1 =	srdreg.scid  }
0x8b: {  	s0 =	sand.u32 $0x1, s1  }
0x8c: {  	s17 =	sshll.u32 s0, $0xA;
	s2 =	sadd.s32 s3, s2  }
0x8d: {  	s2 =	sadd.s32 s2, s17  }
0x8e: {  	[smem:$0x3FC3] =	sst s2  }
0x8f: {  	_ = 	snop  }
0x90: {  	s2 =	sld [smem:$0x3FC7];
	(tm) =	ssettm $0x1  }
0x91: {  	s18 =	sld [smem:$0x3FFB];
	_ =	sdelay $0x3  }
0x92: {  	_ =	strace s18  }
0x93: {  	s3 =	sld [smem:$0x3FFC];
	_ =	sdelay $0x3  }
0x94: {  	_ =	strace s3  }
0x95: {  	s3 =	sld [smem:$0x3FFD];
	_ =	sdelay $0x3  }
0x96: {  	_ =	strace s3  }
0x97: {  	_ =	strace $0x8FFFFFFF  }
0x98: {  	s19 =	sld [smem:$0x3FDB];
	_ =	sdelay $0x1  }
0x99: {  	s4 =	simm.s32 $_scs_section_size  }
0x9a: {  	s5 =	simm.s32 $_size__tile_overlayer_lowered;
	s6 =	simm.s32 $_tile_overlayer_lowered  }
0x9b: {  	s22 =	simm.s32 $0x1BFF;
	s21 =	sshll.u32 s6, $0x1;
	s3 =	sadd.s32 s4, s19  }
0x9c: {  	s7 =	simm.s32 $0x0;
	s20 =	sshll.u32 s5, $0x1;
	s5 =	sadd.s32 s21, s3  }
0x9d: {  	[timem:s7], [sflag:s22] =	dma.local [hbm:s5], s20  }
0x9e: {  	_ =	swait.ge [sflag:s22], s20  }
0x9f: {  	s4 =	ssub.s32 $0x0, s20;
	[sflag:s22] =	ssyncset.done $0x0  }
0xa0: {  	[sflag:s22] =	ssyncadd.s32 s4;
	_ =	sdelay $0x1  }
0xa1: {  	s23 =	simm.s32 $0x1B8B  }
0xa2: {  	_ =	swait.ge [sflag:s23], $0x1  }
0xa3: {  	[sflag:s23] =	ssyncset.done $0x0  }
0xa4: {  	s25 =	simm.s32 $0x1B8E;
	s24 =	sld [smem:$0x3FFE];
	[sflag:s23] =	ssyncadd.s32 $0xFFFFFFFF  }
0xa5: {  	s26 =	simm.s32 $execute0_lowered;
	[smem:$0x3FD2] =	sst s25  }
0xa6: {  	s5 =	sshll.u32 s26, $0x1;
	_ =	strace $0x80000046;
	[dreg:$0x1] =	wrdreg $0xFFFFFFFF  }
0xa7: {  	s28 =	simm.s32 $_size_execute0_lowered;
	s3 =	sadd.s32 s3, s5;
	[dreg:$0x0] =	wrdreg $0x0  }
0xa8: {  	s5 =	sshll.u32 s28, $0x1;
	[dreg:$0x2] =	wrdreg s3  }
0xa9: {  	[dreg:$0x3] =	wrdreg s5  }
0xaa: {  	[dreg:$0x4] =	wrdreg $0xC0  }
0xab: {  	_ =	task [dreg:s7], $0x5FFFF  }
0xac: {  	[dreg:$0x1] =	wrdreg $0xFFFFFFFF  }
0xad: {  	[dreg:$0x0] =	wrdreg $0x60  }
0xae: {  	[dreg:$0x2] =	wrdreg s24  }
0xaf: {  	[dreg:$0x3] =	wrdreg s2  }
0xb0: {  	[dreg:$0x4] =	wrdreg $0x116C00  }
0xb1: {  	[dreg:$0x5] =	wrdreg $0x13EC00  }
0xb2: {  	[dreg:$0x6] =	wrdreg $0x9  }
0xb3: {  	_ =	task.clear_ibuf [dreg:s7], $0x7FFFF;
	_ =	strace $0x90000046  }
0xb4: {  	s29 =	simm.s32 $0x9;
	_ =	strace $0x80000048  }
0xb5: {  	_ =	swait.ge [sflag:s29], $0x1  }
0xb6: {  	[sflag:s29] =	ssyncadd.s32 $0xFFFFFFFF  }
0xb7: {  	_ =	strace $0x90000048  }
0xb8: {  	_ =	sfence  }
0xb9: {  	s30 =	sld [smem:$0x0];
	_ =	sdelay $0x2  }
0xba: {  	s31 =	sshll.u32 s1, $0xD;
	s1 =	sshrl.u32 s1, $0x2  }
0xbb: {  	s3 =	sand.u32 $0x4000, s31;
	s1 =	sadd.s32 s1, s30  }
0xbc: {  	s0 =	sor.u32 s3, s0;
	s1 =	sshll.u32 s1, $0x11  }
0xbd: {  	s0 =	sor.u32 s1, s0  }
0xbe: {  	s0 =	sadd.s32 $0x8F2B, s0  }
0xbf: {  	[sflag:s0] =	ssyncadd.remote.s32 $0x1  }
0xc0: {  	_ =	sfence.sel $0xFFFF  }
0xc1: {  	[dreg:$0x0] =	wrdreg $0xFFFFFFFF;
	(pc) =	sbr.abs _section_cstart, $3  }
0xc2: {  	[dreg:$0x1] =	wrdreg $0xFFFFFFFF  }
0xc3: {  	_ =	task.clear_ibuf [dreg:s7], $0x2FFFF;
	_ =	strace $0x9FFFFFFF  }
0xc4: {  	(tm) =	ssettm $0x7FFFFFFF  }
0xc5: {  	_ =	shalt  }
tec
execute0_lowered:
.L_overlay_start_1:
0x0: {  	(tag) =	ssettag $0x1  }
0x1: {  	s0 =	rddreg [dreg:$0x0]  }
0x2: {  	s2 =	rddreg [dreg:$0x1]  }
0x3: {  	s1 =	srdreg.scid;
	s3 =	rddreg [dreg:$0x2]  }
0x4: {  	s9 =	stileid.u32;
	s20 =	rddreg [dreg:$0x3]  }
0x5: {  	s5 =	simm.s32 $0x0;
	s30 =	simm.s32 $0x1;
	s31 =	simm.s32 $0x4E20  }
0x6: {  	s1 =	sand.u32 $0x1, s1;
	[smem:$0x7FF] =	sst s5;
	s22 =	smul.u32 $0x9C4, s9  }
0x7: {  	s6 =	smul.u32 $0xA000, s9;
	s7 =	sadd.s32 $0x1000, s0;
	s4 =	sshll.u32 s1, $0x4  }
0x8: {  	_ =	strace $0x80000047;
	s1 =	ssub.s32 $0x2, s1;
	s4 =	sor.u32 s9, s4  }
0x9: {  	s8 =	sshrl.u32 s1, $0x1;
	s9 =	smul.u32 $0x280, s9;
	s23 =	sadd.s32 s7, s22  }
0xa: {  	s5 =	sadd.s32 s2, s22;
	s24 =	sshrl.u32 s6, $0x2;
	[dreg:$0x5] =	wrdreg s23  }
0xb: {  	s4 =	smul.u32 $0x4E2, s4;
	s1 =	ssub.s32 s1, s8;
	[dreg:$0x6] =	wrdreg s5  }
0xc: {  	s6 =	sadd.s32 s9, s3;
	s3 =	sadd.s32 s24, s3;
	s20 =	sadd.s32 s9, s20  }
0xd: {  	s0 =	sadd.s32 s4, s0;
	[dreg:$0x7] =	wrdreg s3;
	s25 =	sadd.s32 $0x2800, s6  }
0xe: {  	s26 =	sadd.s32 $0x5000, s6;
	s10 =	sadd.s32 $0x7800, s6;
	s11 =	sadd.s32 $0xA000, s6  }
0xf: {  	s12 =	sadd.s32 $0xC800, s6;
	s13 =	sadd.s32 $0xF000, s6;
	s14 =	sadd.s32 $0x11800, s6  }
0x10: {  	s15 =	sadd.s32 $0x14000, s6;
	s16 =	sadd.s32 $0x16800, s6;
	s17 =	sadd.s32 $0x19000, s6  }
0x11: {  	s18 =	sadd.s32 $0x1B800, s6;
	s19 =	sadd.s32 $0x1E000, s6;
	s21 =	sadd.s32 s7, s4  }
0x12: {  	s22 =	sadd.s32 s2, s4;
	s28 =	sadd.s32 $0x23000, s6;
	s29 =	sadd.s32 $0x25800, s6  }
0x13: {  	s3 =	simm.s32 $0xEEC0;
	s2 =	simm.s32 $0x0;
	[dreg:$0x8] =	wrdreg s25  }
0x14: {  	[dreg:$0x9] =	wrdreg s26;
	s23 =	sadd.s32 $0xAE00, s0;
	s24 =	sadd.s32 $0x14C00, s0  }
0x15: {  	v0 =	vimm.f32 $0.0e+00;
	s25 =	smax.u32 s1, $0x1;
	s26 =	sadd.s32 $0x20800, s6;
	s1 =	simm.s32 $0x9C40  }
.LBB2_1:
0x16: {  	s0 =	simm.s32 $0x40;
	s4 =	simm.s32 $0x0  }
.LBB2_2:
0x17: {  	p0 =	sne.s32 s0, $0x9FC0;
	[tilespmem:s4+$0x9C40] =	vst v0;
	s4 =	smov.u32 s0;
	s0 =	sadd.s32 $0x40, s0  }
.Ltmp0:
0x18: {  	(pc) =	sbr.rel @p0 .LBB2_2-.Ltmp0, $2  }
0x19: {  	_ =	sdelay $0x2  }
0x1a: {  	s4 =	sshra.s32 s4, $0x2  }
0x1b: {  	[tilespmem:s4+$0x9C40] =	vst v0;
	s0 =	simm.s32 $0x0;
	s8 =	rddreg [dreg:$0x5]  }
0x1c: {  	[tilespmem:s0], [sflag:$0x1] =	stream.linear.gather [hbm4b:s8+s0], $0x4E20, $0x38;
	[tilespmem:$0x14140] =	vst v63  }
0x1d: {  	_ =	swait.ge [sflag:s30], $0x4E20  }
0x1e: {  	[sflag:s30] =	ssyncset.done $0x0  }
0x1f: {  	s9 =	rddreg [dreg:$0x6];
	[sflag:s30] =	ssyncadd.s32 $0xFFFFB1E0  }
0x20: {  	[tilespmem:s31], [sflag:$0x1] =	stream.linear.gather [hbm4b:s9+s0], $0x4E20, $0x38;
	[tilespmem:$0x14140] =	vst v63  }
0x21: {  	_ =	swait.ge [sflag:s30], $0x4E20  }
0x22: {  	[sflag:s30] =	ssyncset.done $0x0  }
0x23: {  	s4 =	simm.s32 $0x0;
	s0 =	simm.s32 $0x40;
	[sflag:s30] =	ssyncadd.s32 $0xFFFFB1E0  }
.LBB2_4:
0x24: {  	p0 =	sne.s32 s0, $0x13840;
	v1 =	vld [tilespmem:s4+$0x0];
	_ =	sdelay $0x2  }
0x25: {  	v2 =	vld [tilespmem:s4+$0x4E20]  }
.Ltmp1:
0x26: {  	(pc) =	sbr.rel @p0 .LBB2_4-.Ltmp1, $2  }
0x27: {  	_ =	sdelay $0x2  }
0x28: {  	s4 =	sshra.s32 s0, $0x2;
	s0 =	sadd.s32 $0x40, s0;
	[tilespmem:v1+s1+$0x0] =	vst.idx.add.f32.msk $0xffff, v2  }
0x29: {  	v1 =	vld [tilespmem:s4+$0x0];
	_ =	sdelay $0x2  }
0x2a: {  	v2 =	vld [tilespmem:s4+$0x4E20];
	_ =	sdelay $0x4  }
0x2b: {  	s0 =	rddreg [dreg:$0x7];
	[tilespmem:v1+s1+$0x0] =	vst.idx.add.f32.msk $0xffff, v2  }
0x2c: {  	[spmem:s0] =	stream.linear.scatter [tilespmem:s1], [sflag:$0x1], $0x2800, $0x38;
	[tilespmem:$0x14140] =	vst v63  }
0x2d: {  	_ =	swait.ge [sflag:s30], $0x2800  }
0x2e: {  	[sflag:s30] =	ssyncset.done $0x0  }
0x2f: {  	[sflag:s30] =	ssyncadd.s32 $0xFFFFD800  }
0x30: {  	s7 =	simm.s32 $0xC440;
	[bflag:$0x0] =	sbarrier.arrive $0xFFFF  }
0x31: {  	[tilespmem:s7], [sflag:$0x1] =	stream.linear.gather [spmem:s6], $0x280, $0x38;
	[tilespmem:$0x14140] =	vst v63  }
0x32: {  	_ =	swait.ge [sflag:s30], $0x280  }
0x33: {  	[sflag:s30] =	ssyncset.done $0x0  }
0x34: {  	s9 =	simm.s32 $0xC6C0;
	s8 =	rddreg [dreg:$0x8];
	[sflag:s30] =	ssyncadd.s32 $0xFFFFFD80  }
0x35: {  	[tilespmem:s9], [sflag:$0x1] =	stream.linear.gather [spmem:s8], $0x280, $0x38;
	[tilespmem:$0x14140] =	vst v63  }
0x36: {  	_ =	swait.ge [sflag:s30], $0x280  }
0x37: {  	[sflag:s30] =	ssyncset.done $0x0  }
0x38: {  	s5 =	simm.s32 $0xC940;
	s4 =	rddreg [dreg:$0x9];
	[sflag:s30] =	ssyncadd.s32 $0xFFFFFD80  }
0x39: {  	[tilespmem:s5], [sflag:$0x1] =	stream.linear.gather [spmem:s4], $0x280, $0x38;
	[tilespmem:$0x14140] =	vst v63  }
0x3a: {  	_ =	swait.ge [sflag:s30], $0x280  }
0x3b: {  	[sflag:s30] =	ssyncset.done $0x0  }
0x3c: {  	s7 =	simm.s32 $0xCBC0;
	[sflag:s30] =	ssyncadd.s32 $0xFFFFFD80  }
0x3d: {  	[tilespmem:s7], [sflag:$0x1] =	stream.linear.gather [spmem:s10], $0x280, $0x38;
	[tilespmem:$0x14140] =	vst v63  }
0x3e: {  	_ =	swait.ge [sflag:s30], $0x280  }
0x3f: {  	[sflag:s30] =	ssyncset.done $0x0  }
0x40: {  	s8 =	simm.s32 $0xCE40;
	[sflag:s30] =	ssyncadd.s32 $0xFFFFFD80  }
0x41: {  	[tilespmem:s8], [sflag:$0x1] =	stream.linear.gather [spmem:s11], $0x280, $0x38;
	[tilespmem:$0x14140] =	vst v63  }
0x42: {  	_ =	swait.ge [sflag:s30], $0x280  }
0x43: {  	[sflag:s30] =	ssyncset.done $0x0  }
0x44: {  	s9 =	simm.s32 $0xD0C0;
	[sflag:s30] =	ssyncadd.s32 $0xFFFFFD80  }
0x45: {  	[tilespmem:s9], [sflag:$0x1] =	stream.linear.gather [spmem:s12], $0x280, $0x38;
	[tilespmem:$0x14140] =	vst v63  }
0x46: {  	_ =	swait.ge [sflag:s30], $0x280  }
0x47: {  	[sflag:s30] =	ssyncset.done $0x0  }
0x48: {  	s4 =	simm.s32 $0xD340;
	[sflag:s30] =	ssyncadd.s32 $0xFFFFFD80  }
0x49: {  	[tilespmem:s4], [sflag:$0x1] =	stream.linear.gather [spmem:s13], $0x280, $0x38;
	[tilespmem:$0x14140] =	vst v63  }
0x4a: {  	_ =	swait.ge [sflag:s30], $0x280  }
0x4b: {  	[sflag:s30] =	ssyncset.done $0x0  }
0x4c: {  	s5 =	simm.s32 $0xD5C0;
	[sflag:s30] =	ssyncadd.s32 $0xFFFFFD80  }
0x4d: {  	[tilespmem:s5], [sflag:$0x1] =	stream.linear.gather [spmem:s14], $0x280, $0x38;
	[tilespmem:$0x14140] =	vst v63  }
0x4e: {  	_ =	swait.ge [sflag:s30], $0x280  }
0x4f: {  	[sflag:s30] =	ssyncset.done $0x0  }
0x50: {  	s7 =	simm.s32 $0xD840;
	[sflag:s30] =	ssyncadd.s32 $0xFFFFFD80  }
0x51: {  	[tilespmem:s7], [sflag:$0x1] =	stream.linear.gather [spmem:s15], $0x280, $0x38;
	[tilespmem:$0x14140] =	vst v63  }
0x52: {  	_ =	swait.ge [sflag:s30], $0x280  }
0x53: {  	[sflag:s30] =	ssyncset.done $0x0  }
0x54: {  	s8 =	simm.s32 $0xDAC0;
	[sflag:s30] =	ssyncadd.s32 $0xFFFFFD80  }
0x55: {  	[tilespmem:s8], [sflag:$0x1] =	stream.linear.gather [spmem:s16], $0x280, $0x38;
	[tilespmem:$0x14140] =	vst v63  }
0x56: {  	_ =	swait.ge [sflag:s30], $0x280  }
0x57: {  	[sflag:s30] =	ssyncset.done $0x0  }
0x58: {  	s9 =	simm.s32 $0xDD40;
	[sflag:s30] =	ssyncadd.s32 $0xFFFFFD80  }
0x59: {  	[tilespmem:s9], [sflag:$0x1] =	stream.linear.gather [spmem:s17], $0x280, $0x38;
	[tilespmem:$0x14140] =	vst v63  }
0x5a: {  	_ =	swait.ge [sflag:s30], $0x280  }
0x5b: {  	[sflag:s30] =	ssyncset.done $0x0  }
0x5c: {  	s4 =	simm.s32 $0xDFC0;
	[sflag:s30] =	ssyncadd.s32 $0xFFFFFD80  }
0x5d: {  	[tilespmem:s4], [sflag:$0x1] =	stream.linear.gather [spmem:s18], $0x280, $0x38;
	[tilespmem:$0x14140] =	vst v63  }
0x5e: {  	_ =	swait.ge [sflag:s30], $0x280  }
0x5f: {  	[sflag:s30] =	ssyncset.done $0x0  }
0x60: {  	s5 =	simm.s32 $0xE240;
	[sflag:s30] =	ssyncadd.s32 $0xFFFFFD80  }
0x61: {  	[tilespmem:s5], [sflag:$0x1] =	stream.linear.gather [spmem:s19], $0x280, $0x38;
	[tilespmem:$0x14140] =	vst v63  }
0x62: {  	_ =	swait.ge [sflag:s30], $0x280  }
0x63: {  	[sflag:s30] =	ssyncset.done $0x0  }
0x64: {  	s7 =	simm.s32 $0xE4C0;
	[sflag:s30] =	ssyncadd.s32 $0xFFFFFD80  }
0x65: {  	[tilespmem:s7], [sflag:$0x1] =	stream.linear.gather [spmem:s26], $0x280, $0x38;
	[tilespmem:$0x14140] =	vst v63  }
0x66: {  	_ =	swait.ge [sflag:s30], $0x280  }
0x67: {  	[sflag:s30] =	ssyncset.done $0x0  }
0x68: {  	s8 =	simm.s32 $0xE740;
	[sflag:s30] =	ssyncadd.s32 $0xFFFFFD80  }
0x69: {  	[tilespmem:s8], [sflag:$0x1] =	stream.linear.gather [spmem:s28], $0x280, $0x38;
	[tilespmem:$0x14140] =	vst v63  }
0x6a: {  	_ =	swait.ge [sflag:s30], $0x280  }
0x6b: {  	[sflag:s30] =	ssyncset.done $0x0  }
0x6c: {  	s9 =	simm.s32 $0xE9C0;
	[sflag:s30] =	ssyncadd.s32 $0xFFFFFD80  }
0x6d: {  	[tilespmem:s9], [sflag:$0x1] =	stream.linear.gather [spmem:s29], $0x280, $0x38;
	[tilespmem:$0x14140] =	vst v63  }
0x6e: {  	_ =	swait.ge [sflag:s30], $0x280  }
0x6f: {  	[sflag:s30] =	ssyncset.done $0x0  }
0x70: {  	s5 =	simm.s32 $0x0;
	[sflag:s30] =	ssyncadd.s32 $0xFFFFFD80  }
0x71: {  	v1 =	vld [tilespmem:s5+$0xC440]  }
0x72: {  	v2 =	vld [tilespmem:s5+$0xC6C0];
	_ =	sdelay $0x1  }
0x73: {  	v3 =	vld [tilespmem:s5+$0xC940];
	_ =	sdelay $0x1  }
0x74: {  	v4 =	vld [tilespmem:s5+$0xCBC0]  }
0x75: {  	v1 =	vadd.f32 v2, v1  }
0x76: {  	v2 =	vld [tilespmem:s5+$0xCE40]  }
0x77: {  	v1 =	vadd.f32 v3, v1  }
0x78: {  	v3 =	vld [tilespmem:s5+$0xD0C0]  }
0x79: {  	v1 =	vadd.f32 v4, v1  }
0x7a: {  	v4 =	vld [tilespmem:s5+$0xD340]  }
0x7b: {  	v1 =	vadd.f32 v2, v1  }
0x7c: {  	v2 =	vld [tilespmem:s5+$0xD5C0]  }
0x7d: {  	s0 =	simm.s32 $0x10;
	v5 =	vld [tilespmem:s5+$0xD840];
	v1 =	vadd.f32 v3, v1  }
0x7e: {  	v6 =	vld [tilespmem:s0+$0xC440]  }
0x7f: {  	v3 =	vld [tilespmem:s5+$0xDAC0];
	v1 =	vadd.f32 v4, v1  }
0x80: {  	v4 =	vld [tilespmem:s0+$0xC6C0]  }
0x81: {  	v7 =	vld [tilespmem:s0+$0xC940];
	v1 =	vadd.f32 v2, v1  }
0x82: {  	v2 =	vld [tilespmem:s5+$0xDD40]  }
0x83: {  	v8 =	vld [tilespmem:s0+$0xCBC0];
	v1 =	vadd.f32 v5, v1  }
0x84: {  	v5 =	vld [tilespmem:s5+$0xDFC0]  }
0x85: {  	v4 =	vadd.f32 v4, v6;
	v6 =	vld [tilespmem:s0+$0xCE40];
	v1 =	vadd.f32 v3, v1  }
0x86: {  	v3 =	vld [tilespmem:s5+$0xE240]  }
0x87: {  	v4 =	vadd.f32 v7, v4;
	v7 =	vld [tilespmem:s0+$0xD0C0];
	v1 =	vadd.f32 v2, v1  }
0x88: {  	v2 =	vld [tilespmem:s5+$0xE4C0]  }
0x89: {  	v4 =	vadd.f32 v8, v4;
	v8 =	vld [tilespmem:s0+$0xD340];
	v1 =	vadd.f32 v5, v1  }
0x8a: {  	v5 =	vld [tilespmem:s5+$0xE740]  }
0x8b: {  	v4 =	vadd.f32 v6, v4;
	v6 =	vld [tilespmem:s0+$0xD5C0];
	v1 =	vadd.f32 v3, v1  }
0x8c: {  	s4 =	simm.s32 $0x20;
	v3 =	vld [tilespmem:s5+$0xE9C0]  }
0x8d: {  	v9 =	vld [tilespmem:s4+$0xC440];
	v4 =	vadd.f32 v7, v4;
	v1 =	vadd.f32 v2, v1  }
0x8e: {  	v2 =	vld [tilespmem:s0+$0xD840]  }
0x8f: {  	v7 =	vld [tilespmem:s0+$0xDAC0];
	v4 =	vadd.f32 v8, v4;
	v1 =	vadd.f32 v5, v1  }
0x90: {  	v5 =	vld [tilespmem:s4+$0xC6C0]  }
0x91: {  	v4 =	vadd.f32 v6, v4;
	v6 =	vld [tilespmem:s0+$0xDD40];
	v1 =	vadd.f32 v3, v1  }
0x92: {  	v3 =	vld [tilespmem:s4+$0xC940]  }
0x93: {  	v11 =	vld [tilespmem:s4+$0xCBC0];
	v4 =	vadd.f32 v2, v4;
	v10 =	vmax.f32 v1, $9.999999960e-13  }
0x94: {  	v8 =	vld [tilespmem:s0+$0xDFC0];
	v2 =	vmul.f32 $5.000000000e-01, v10;
	v10 =	vshra.s32 v10, $0x1  }
0x95: {  	v5 =	vadd.f32 v5, v9;
	v4 =	vadd.f32 v7, v4;
	v7 =	vld [tilespmem:s0+$0xE240];
	v9 =	vsub.s32 $0x5F3759DF, v10  }
0x96: {  	v10 =	vld [tilespmem:s4+$0xCE40];
	v12 =	vmul.f32 v9, v2  }
0x97: {  	v13 =	vld [tilespmem:s4+$0xD0C0];
	v3 =	vadd.f32 v3, v5;
	v4 =	vadd.f32 v6, v4  }
0x98: {  	v6 =	vld [tilespmem:s0+$0xE4C0];
	v5 =	vmul.f32 v9, v12  }
0x99: {  	v63 =	vld [tilespmem:s0+$0xE740];
	v3 =	vadd.f32 v11, v3;
	v4 =	vadd.f32 v8, v4  }
0x9a: {  	v14 =	vld [tilespmem:s4+$0xD340];
	v8 =	vsub.f32 $1.500000000e+00, v5  }
0x9b: {  	v10 =	vadd.f32 v10, v3;
	v7 =	vadd.f32 v7, v4;
	v3 =	vld [tilespmem:s0+$0xE9C0]  }
0x9c: {  	v5 =	vld [tilespmem:s4+$0xD5C0];
	v8 =	vmul.f32 v9, v8  }
0x9d: {  	v4 =	vld [tilespmem:s4+$0xDAC0];
	v9 =	vadd.f32 v13, v10;
	v6 =	vadd.f32 v6, v7  }
0x9e: {  	s7 =	simm.s32 $0x30;
	v7 =	vld [tilespmem:s4+$0xD840];
	v11 =	vmul.f32 v8, v2  }
0x9f: {  	s8 =	simm.s32 $0x100;
	v10 =	vld [tilespmem:s7+$0xC440];
	v9 =	vadd.f32 v14, v9;
	v6 =	vadd.f32 v63, v6  }
.LBB2_6:
0xa0: {  	p0 =	sne.s32 s8, $0x9C0;
	v12 =	vld [tilespmem:s7+$0xC6C0];
	v11 =	vmul.f32 v11, v8;
	s9 =	smov.u32 s4;
	s4 =	smov.u32 s7  }
0xa1: {  	v5 =	vadd.f32 v5, v9;
	v9 =	vld [tilespmem:s9+$0xDD40];
	v6 =	vadd.f32 v3, v6  }
0xa2: {  	v3 =	vld [tilespmem:s4+$0xC940];
	v11 =	vsub.f32 $1.500000000e+00, v11  }
0xa3: {  	v5 =	vadd.f32 v7, v5;
	v7 =	vld [tilespmem:s9+$0xDFC0];
	v13 =	vmax.f32 v6, $9.999999960e-13  }
0xa4: {  	v14 =	vld [tilespmem:s4+$0xCBC0];
	v15 =	vmul.f32 $5.000000000e-01, v13;
	v13 =	vshra.s32 v13, $0x1;
	v11 =	vmul.f32 v11, v8  }
0xa5: {  	v8 =	vadd.f32 v12, v10;
	v4 =	vadd.f32 v4, v5;
	v5 =	vld [tilespmem:s9+$0xE240];
	v10 =	vsub.s32 $0x5F3759DF, v13  }
0xa6: {  	v12 =	vld [tilespmem:s4+$0xCE40];
	v13 =	vmul.f32 v10, v15;
	v16 =	vmul.f32 v11, v2;
	v2 =	vmov v15  }
0xa7: {  	v3 =	vadd.f32 v3, v8;
	v4 =	vadd.f32 v9, v4;
	v9 =	vld [tilespmem:s9+$0xE4C0]  }
0xa8: {  	v15 =	vld [tilespmem:s4+$0xD0C0];
	v8 =	vmul.f32 v10, v13;
	v13 =	vmul.f32 v16, v11  }
0xa9: {  	v3 =	vadd.f32 v14, v3;
	v4 =	vadd.f32 v7, v4;
	v14 =	vld [tilespmem:s9+$0xE740]  }
0xaa: {  	v16 =	vld [tilespmem:s4+$0xD340];
	v7 =	vsub.f32 $1.500000000e+00, v8;
	v13 =	vsub.f32 $1.500000000e+00, v13  }
.Ltmp2:
0xab: {  	v12 =	vadd.f32 v12, v3;
	v17 =	vadd.f32 v5, v4;
	v3 =	vld [tilespmem:s9+$0xE9C0];
	(pc) =	sbr.rel @p0 .LBB2_6-.Ltmp2, $4  }
0xac: {  	v5 =	vld [tilespmem:s4+$0xD5C0];
	v8 =	vmul.f32 v10, v7;
	v10 =	vmul.f32 v13, v11  }
0xad: {  	vm0 =	vgt.f32 v1, $0.0e+00;
	v1 =	vmovc v6;
	v12 =	vadd.f32 v15, v12;
	v4 =	vld [tilespmem:s4+$0xDAC0];
	v13 =	vadd.f32 v9, v17  }
0xae: {  	s7 =	sshra.s32 s8, $0x2;
	v7 =	vld [tilespmem:s4+$0xD840];
	v11 =	vmul.f32 v8, v2;
	v15 =	vnsel vm0, $0x0, v10  }
0xaf: {  	s8 =	sadd.s32 $0x40, s8;
	v10 =	vld [tilespmem:s7+$0xC440];
	v9 =	vadd.f32 v16, v12;
	v6 =	vadd.f32 v14, v13;
	[tilespmem:s5+$0xEC40] =	vst v15;
	s5 =	smov.u32 s0;
	s0 =	smov.u32 s9  }
0xb0: {  	v12 =	vld [tilespmem:s7+$0xC6C0];
	_ =	sdelay $0x1  }
0xb1: {  	v11 =	vmul.f32 v11, v8;
	v13 =	vld [tilespmem:s7+$0xC940];
	_ =	sdelay $0x1  }
0xb2: {  	v14 =	vld [tilespmem:s7+$0xCBC0];
	v11 =	vsub.f32 $1.500000000e+00, v11  }
0xb3: {  	v10 =	vadd.f32 v12, v10  }
0xb4: {  	v45 =	vld [tilespmem:s7+$0xCE40];
	v44 =	vmul.f32 v11, v8  }
0xb5: {  	v15 =	vld [tilespmem:s4+$0xDD40];
	v10 =	vadd.f32 v13, v10  }
0xb6: {  	v47 =	vld [tilespmem:s7+$0xD0C0];
	v2 =	vmul.f32 v44, v2  }
0xb7: {  	v46 =	vld [tilespmem:s4+$0xDFC0];
	v10 =	vadd.f32 v14, v10  }
0xb8: {  	v48 =	vld [tilespmem:s7+$0xD340];
	v2 =	vmul.f32 v2, v44  }
0xb9: {  	v16 =	vld [tilespmem:s4+$0xE240];
	v10 =	vadd.f32 v45, v10  }
0xba: {  	v49 =	vld [tilespmem:s7+$0xD5C0];
	v2 =	vsub.f32 $1.500000000e+00, v2  }
0xbb: {  	v17 =	vld [tilespmem:s4+$0xE4C0];
	v10 =	vadd.f32 v47, v10  }
0xbc: {  	v51 =	vld [tilespmem:s7+$0xD840];
	v2 =	vmul.f32 v2, v44  }
0xbd: {  	v50 =	vld [tilespmem:s4+$0xE740];
	vm0 =	vgt.f32 v1, $0.0e+00;
	v1 =	vadd.f32 v48, v10  }
0xbe: {  	v53 =	vld [tilespmem:s7+$0xDAC0];
	v5 =	vadd.f32 v5, v9;
	v2 =	vnsel vm0, $0x0, v2  }
0xbf: {  	v52 =	vld [tilespmem:s4+$0xE9C0];
	[tilespmem:s5+$0xEC40] =	vst v2;
	v1 =	vadd.f32 v49, v1  }
0xc0: {  	v2 =	vadd.f32 v7, v5;
	v5 =	vld [tilespmem:s7+$0xDD40]  }
0xc1: {  	v1 =	vadd.f32 v51, v1  }
0xc2: {  	v2 =	vadd.f32 v4, v2;
	v4 =	vld [tilespmem:s7+$0xDFC0]  }
0xc3: {  	v1 =	vadd.f32 v53, v1  }
0xc4: {  	v7 =	vld [tilespmem:s7+$0xE240];
	v2 =	vadd.f32 v15, v2  }
0xc5: {  	v1 =	vadd.f32 v5, v1  }
0xc6: {  	v2 =	vadd.f32 v46, v2;
	v5 =	vld [tilespmem:s7+$0xE4C0]  }
0xc7: {  	v1 =	vadd.f32 v4, v1  }
0xc8: {  	v2 =	vadd.f32 v16, v2;
	v4 =	vld [tilespmem:s7+$0xE740]  }
0xc9: {  	v1 =	vadd.f32 v7, v1  }
0xca: {  	v2 =	vadd.f32 v17, v2;
	v7 =	vld [tilespmem:s7+$0xE9C0]  }
0xcb: {  	v3 =	vadd.f32 v3, v6;
	v1 =	vadd.f32 v5, v1  }
0xcc: {  	v2 =	vadd.f32 v50, v2  }
0xcd: {  	v5 =	vmax.f32 v3, $9.999999960e-13;
	v1 =	vadd.f32 v4, v1  }
0xce: {  	v2 =	vadd.f32 v52, v2;
	v4 =	vmul.f32 $5.000000000e-01, v5;
	v5 =	vshra.s32 v5, $0x1  }
0xcf: {  	v5 =	vsub.s32 $0x5F3759DF, v5;
	v1 =	vadd.f32 v7, v1  }
0xd0: {  	v6 =	vmul.f32 v5, v4;
	v7 =	vmax.f32 v2, $9.999999960e-13  }
0xd1: {  	v54 =	vmul.f32 $5.000000000e-01, v7;
	v7 =	vshra.s32 v7, $0x1;
	v55 =	vmax.f32 v1, $9.999999960e-13  }
0xd2: {  	v7 =	vsub.s32 $0x5F3759DF, v7;
	v56 =	vmul.f32 $5.000000000e-01, v55;
	v9 =	vshra.s32 v55, $0x1  }
0xd3: {  	v57 =	vmul.f32 v7, v54;
	v9 =	vsub.s32 $0x5F3759DF, v9  }
0xd4: {  	v6 =	vmul.f32 v5, v6;
	v58 =	vmul.f32 v9, v56  }
0xd5: {  	v11 =	vmul.f32 v7, v57  }
0xd6: {  	v6 =	vsub.f32 $1.500000000e+00, v6;
	v12 =	vmul.f32 v9, v58  }
0xd7: {  	v11 =	vsub.f32 $1.500000000e+00, v11  }
0xd8: {  	v5 =	vmul.f32 v5, v6;
	v6 =	vsub.f32 $1.500000000e+00, v12  }
0xd9: {  	v7 =	vmul.f32 v7, v11  }
0xda: {  	v59 =	vmul.f32 v5, v4;
	v6 =	vmul.f32 v9, v6  }
0xdb: {  	v60 =	vmul.f32 v7, v54  }
0xdc: {  	v11 =	vmul.f32 v59, v5;
	v61 =	vmul.f32 v6, v56  }
0xdd: {  	v9 =	vmul.f32 v60, v7  }
0xde: {  	v11 =	vsub.f32 $1.500000000e+00, v11;
	v12 =	vmul.f32 v61, v6  }
0xdf: {  	v9 =	vsub.f32 $1.500000000e+00, v9  }
0xe0: {  	v5 =	vmul.f32 v11, v5;
	v62 =	vsub.f32 $1.500000000e+00, v12  }
0xe1: {  	v7 =	vmul.f32 v9, v7  }
0xe2: {  	v4 =	vmul.f32 v5, v4;
	v6 =	vmul.f32 v62, v6  }
0xe3: {  	v8 =	vmul.f32 v7, v54  }
0xe4: {  	v4 =	vmul.f32 v4, v5;
	v63 =	vmul.f32 v6, v56  }
0xe5: {  	v8 =	vmul.f32 v8, v7  }
0xe6: {  	v4 =	vsub.f32 $1.500000000e+00, v4;
	v9 =	vmul.f32 v63, v6  }
0xe7: {  	v8 =	vsub.f32 $1.500000000e+00, v8  }
0xe8: {  	v4 =	vmul.f32 v4, v5;
	v5 =	vsub.f32 $1.500000000e+00, v9  }
0xe9: {  	vm13 =	vgt.f32 v3, $0.0e+00;
	v3 =	vmul.f32 v8, v7  }
0xea: {  	vm14 =	vgt.f32 v2, $0.0e+00;
	v4 =	vnsel vm13, $0x0, v4;
	v2 =	vmul.f32 v5, v6  }
0xeb: {  	vm15 =	vgt.f32 v1, $0.0e+00;
	[tilespmem:s0+$0xEC40] =	vst v4;
	v3 =	vnsel vm14, $0x0, v3  }
0xec: {  	[tilespmem:s4+$0xEC40] =	vst v3;
	v1 =	vnsel vm15, $0x0, v2  }
0xed: {  	s5 =	simm.s32 $0xEC40;
	[tilespmem:s7+$0xEC40] =	vst v1  }
0xee: {  	[spmem:s20] =	stream.linear.scatter [tilespmem:s5], [sflag:$0x1], $0x280, $0x38;
	[tilespmem:$0x14140] =	vst v63  }
0xef: {  	_ =	swait.ge [sflag:s30], $0x280  }
0xf0: {  	[sflag:s30] =	ssyncset.done $0x0  }
0xf1: {  	[sflag:s30] =	ssyncadd.s32 $0xFFFFFD80  }
0xf2: {  	[bflag:$0x0] =	sbarrier.arrive $0xFFFF  }
0xf3: {  	s7 =	rddreg [dreg:$0x3]  }
0xf4: {  	[tilespmem:s3], [sflag:$0x1] =	stream.linear.gather [spmem:s7], $0x2800, $0x38;
	[tilespmem:$0x14140] =	vst v63  }
0xf5: {  	_ =	swait.ge [sflag:s30], $0x2800  }
0xf6: {  	[sflag:s30] =	ssyncset.done $0x0  }
0xf7: {  	s8 =	simm.s32 $0x0;
	[sflag:s30] =	ssyncadd.s32 $0xFFFFD800  }
0xf8: {  	[tilespmem:s8], [sflag:$0x1] =	stream.linear.gather [hbm4b:s23+s8], $0x2710, $0x38;
	[tilespmem:$0x14140] =	vst v63  }
0xf9: {  	_ =	swait.ge [sflag:s30], $0x2710  }
0xfa: {  	[sflag:s30] =	ssyncset.done $0x0  }
0xfb: {  	s9 =	simm.s32 $0x2710;
	[sflag:s30] =	ssyncadd.s32 $0xFFFFD8F0  }
0xfc: {  	[tilespmem:s9], [sflag:$0x1] =	stream.linear.gather [hbm4b:s21+s8], $0x2710, $0x38;
	[tilespmem:$0x14140] =	vst v63  }
0xfd: {  	_ =	swait.ge [sflag:s30], $0x2710  }
0xfe: {  	[sflag:s30] =	ssyncset.done $0x0  }
0xff: {  	[sflag:s30] =	ssyncadd.s32 $0xFFFFD8F0  }
0x100: {  	[tilespmem:s31], [sflag:$0x1] =	stream.linear.gather [hbm4b:s22+s8], $0x2710, $0x38;
	[tilespmem:$0x14140] =	vst v63  }
0x101: {  	_ =	swait.ge [sflag:s30], $0x2710  }
0x102: {  	[sflag:s30] =	ssyncset.done $0x0  }
0x103: {  	s0 =	simm.s32 $0x0;
	[sflag:s30] =	ssyncadd.s32 $0xFFFFD8F0  }
0x104: {  	v1 =	vld [tilespmem:s0+$0x0]  }
0x105: {  	v3 =	vld [tilespmem:s0+$0x2710];
	_ =	sdelay $0x6  }
0x106: {  	v2 =	vld.idx.msk [tilespmem:v1+s3+$0x0], $0xffff  }
0x107: {  	v3 =	vld.idx.msk [tilespmem:v3+s3+$0x0], $0xffff  }
0x108: {  	s4 =	simm.s32 $0x10;
	v4 =	vld [tilespmem:s0+$0x4E20]  }
0x109: {  	s5 =	simm.s32 $0x80;
	v1 =	vld [tilespmem:s4+$0x0]  }
.LBB2_8:
0x10a: {  	p0 =	sne.s32 s5, $0x9C00;
	v5 =	vld [tilespmem:s4+$0x2710];
	_ =	sdelay $0x1  }
0x10b: {  	v2 =	vmul.f32 v3, v2;
	_ =	sdelay $0x1  }
0x10c: {  	v2 =	vmul.f32 v2, v4;
	_ =	sdelay $0x1  }
0x10d: {  	[tilespmem:s0+$0x4E20] =	vst v2;
	s0 =	smov.u32 s4  }
.Ltmp3:
0x10e: {  	v2 =	vld.idx.msk [tilespmem:v1+s3+$0x0], $0xffff;
	(pc) =	sbr.rel @p0 .LBB2_8-.Ltmp3, $4  }
0x10f: {  	v3 =	vld.idx.msk [tilespmem:v5+s3+$0x0], $0xffff  }
0x110: {  	s4 =	sshra.s32 s5, $0x2  }
0x111: {  	v1 =	vld [tilespmem:s4+$0x0]  }
0x112: {  	s5 =	sadd.s32 $0x40, s5;
	v4 =	vld [tilespmem:s0+$0x4E20]  }
0x113: {  	v5 =	vld [tilespmem:s4+$0x2710];
	_ =	sdelay $0x1  }
0x114: {  	v2 =	vmul.f32 v3, v2;
	_ =	sdelay $0x1  }
0x115: {  	v2 =	vmul.f32 v2, v4;
	_ =	sdelay $0x1  }
0x116: {  	[tilespmem:s0+$0x4E20] =	vst v2  }
0x117: {  	v1 =	vld.idx.msk [tilespmem:v1+s3+$0x0], $0xffff  }
0x118: {  	v2 =	vld.idx.msk [tilespmem:v5+s3+$0x0], $0xffff;
	_ =	sdelay $0x1  }
0x119: {  	v3 =	vld [tilespmem:s4+$0x4E20];
	_ =	sdelay $0x2  }
0x11a: {  	v1 =	vmul.f32 v2, v1;
	_ =	sdelay $0x1  }
0x11b: {  	s2 =	sadd.s32 $0x1, s2;
	v1 =	vmul.f32 v1, v3  }
0x11c: {  	p0 =	sne.s32 s2, s25  }
.Ltmp4:
0x11d: {  	s9 =	simm.s32 $0x0;
	[tilespmem:s4+$0x4E20] =	vst v1;
	(pc) =	sbr.rel @p0 .LBB2_1-.Ltmp4, $4  }
0x11e: {  	[hbm4b:s24+s9] =	stream.linear.scatter [tilespmem:s31], [sflag:$0x1], $0x2710, $0x38;
	[tilespmem:$0x14140] =	vst v63  }
0x11f: {  	_ =	swait.ge [sflag:s30], $0x2710  }
0x120: {  	[sflag:s30] =	ssyncset.done $0x0  }
0x121: {  	[sflag:s30] =	ssyncadd.s32 $0xFFFFD8F0  }
0x122: {  	_ =	sfence.sel $0x180000  }
0x123: {  	[bflag:$0x0] =	sbarrier.arrive $0xFFFF  }
0x124: {  	_ =	strace $0x90000047  }
0x125: {  	s0 =	stileid.u32;
	[bflag:$0x2] =	sbarrier.arrive $0xFFFF  }
0x126: {  	p0 =	sne.s32 s0, $0x0;
	s0 =	rddreg [dreg:$0x4]  }
0x127: {  	s0 =	sadd.s32 @!p0 $0x100000, s0  }
0x128: {  	[sflag:s0] =	ssyncadd.tile.s32 @!p0 $0x1;
	_ =	shalt  }
.Lfunc_end2:
_tile_overlayer_lowered:
.L_overlay_start_2:
0x129: {  	(tag) =	ssettag $0x2  }
0x12a: {  	s0 =	rddreg [dreg:$0x0];
	s2 =	stileid.u32  }
0x12b: {  	s1 =	rddreg [dreg:$0x1];
	p0 =	sne.s32 s2, $0x0  }
0x12c: {  	s3 =	rddreg [dreg:$0x2];
	[bflag:$0x3] =	sbarrier.arrive $0xFFFF;
	s2 =	simm.s32 @!p0 $0x1C01  }
0x12d: {  	[timem:s3], [sflag:s2] =	dma.local @!p0 [hbm:s0], s1  }
0x12e: {  	s0 =	simm.s32 @!p0 $0x1  }
0x12f: {  	_ =	swait.ge @!p0 [sflag:s0], s1  }
0x130: {  	s1 =	ssub.s32 @!p0 $0x0, s1;
	[sflag:s0] =	ssyncset.done @!p0 $0x0  }
0x131: {  	[sflag:s0] =	ssyncadd.s32 @!p0 s1  }
0x132: {  	[bflag:$0x3] =	sbarrier.arrive $0xFFFF  }
0x133: {  	_ =	shalt  }

// kernel: kernel.9.cloned.1.call-start
scs
__scs_entry_jumppad:
0x0: {  	(pc) =	sbr.rel $0x88, $3  }
0x1: {  	(tag) =	ssettag $0x0;
	lr =	simm.s32 $0x1  }
0x2: {  	[smem:$0x3F9C] =	sst lr;
	_ =	strace $0xD0000000  }
0x3: {  	_ = 	snop  }
0x4: {  	_ = 	snop  }
0x5: {  	_ = 	snop  }
0x6: {  	_ = 	snop  }
0x7: {  	_ = 	snop  }
__scs_overlays_trampoline_lowered:
0x8: {  	[smem:$0x3FAB] =	sst s0  }
0x9: {  	[smem:$0x3FAC] =	sst s1  }
0xa: {  	[smem:$0x3FAD] =	sst s2  }
0xb: {  	[smem:$0x3FAE] =	sst s3  }
0xc: {  	[smem:$0x3FAF] =	sst s4  }
0xd: {  	[smem:$0x3FB0] =	sst s5  }
0xe: {  	[smem:$0x3FB1] =	sst s6  }
0xf: {  	[smem:$0x3FB2] =	sst s7  }
0x10: {  	[smem:$0x3FB3] =	sst s8  }
0x11: {  	[smem:$0x3FB4] =	sst s9;
	s0 =	simm.s32 @!p0 $0x0  }
0x12: {  	s1 =	sld [smem:$0x3F9A];
	s0 =	simm.s32 @p0 $0x1  }
0x13: {  	[smem:$0x3FB5] =	sst s0;
	s0 =	simm.s32 @!p1 $0x0  }
0x14: {  	s2 =	sld [smem:$0x3F99];
	s0 =	simm.s32 @p1 $0x1  }
0x15: {  	[smem:$0x3FB6] =	sst s0;
	s0 =	simm.s32 @!p2 $0x0  }
0x16: {  	s3 =	sld [smem:$0x3FDB];
	s0 =	simm.s32 @p2 $0x1  }
0x17: {  	s4 =	simm.s32 $0x1BF5;
	[smem:$0x3FB8] =	sst s0  }
0x18: {  	s0 =	sld [smem:$0x3F9B];
	_ =	swait.ge [sflag:s4], $0x0  }
0x19: {  	s7 =	sld [smem:$0x3F9C]  }
0x1a: {  	s8 =	sadd.s32 $0xFFFFE003, lr  }
0x1b: {  	s9 =	sadd.s32 $0xFFFFFEF7, lr;
	s5 =	simm.s32 $0xFFFFFFFF;
	p2 =	slt.u32 s8, $0xFFFFF086  }
0x1c: {  	p1 =	slt.u32 s9, $0xF7A;
	s5 =	simm.s32 @!p2 $0x0  }
0x1d: {  	s5 =	simm.s32 @p1 $0x1;
	p0 =	seq.s32 s7, s2  }
0x1e: {  	s7 =	smul.u32 @!p0 $0xF7A, s2;
	p2 =	seq.s32 @!p0 s5, $0x0  }
0x1f: {  	s9 =	smul.u32 $0xF7A, s1;
	s8 =	simm.s32 @!p0 $0x1BF5;
	p2 =	por !p2, p0  }
0x20: {  	[sflag:s8] =	ssyncset.s32 @!p0 $0xFFFFF086;
	s6 =	sadd.s32 @!p0 s3, s7;
	s7 =	simm.s32 @!p0 $0x108  }
0x21: {  	s3 =	sadd.s32 s3, s9;
	s6 =	sadd.s32 @!p0 $0x88, s6;
	s7 =	simm.s32 @p2 $0x1082  }
0x22: {  	[simem:s7], [sflag:s8] =	dma.local @!p0 [hbm:s6], $0xF7A  }
0x23: {  	s9 =	sor.u32 $0xD0000000, s2;
	s6 =	simm.s32 $0x108;
	_ =	swait.ge @!p0 [sflag:s8], $0x0  }
0x24: {  	s3 =	sadd.s32 $0x88, s3;
	s6 =	simm.s32 @!p1 $0x1082;
	[sflag:s4] =	ssyncset.s32 $0xFFFFF086  }
0x25: {  	[simem:s6], [sflag:s4] =	dma.local [hbm:s3], $0xF7A  }
0x26: {  	[smem:$0x3F9C] =	sst s1;
	(tag) =	ssettag s2;
	_ =	strace s9  }
0x27: {  	s1 =	sld [smem:$0x3FAC]  }
0x28: {  	s2 =	sld [smem:$0x3FAD]  }
0x29: {  	s4 =	sld [smem:$0x3FAF]  }
0x2a: {  	p0 =	seq.s32 s5, $0x0;
	s5 =	sld [smem:$0x3FB0]  }
0x2b: {  	s6 =	sld [smem:$0x3FB1]  }
0x2c: {  	s7 =	sld [smem:$0x3FB2]  }
0x2d: {  	s3 =	simm.s32 $0x108;
	s8 =	sld [smem:$0x3FB3]  }
0x2e: {  	s3 =	simm.s32 @!p0 $0x1082;
	s9 =	sld [smem:$0x3FB4]  }
0x2f: {  	lr =	sadd.s32 s0, s3;
	s0 =	sld [smem:$0x3FAB]  }
0x30: {  	s3 =	sld [smem:$0x3FAE]  }
0x31: {  	[smem:$0x3FB7] =	sst s10  }
0x32: {  	s10 =	sld [smem:$0x3FB5];
	_ =	sdelay $0x3  }
0x33: {  	p0 =	seq.s32 s10, $0x1;
	s10 =	sld [smem:$0x3FB7];
	_ =	sdelay $0x3  }
0x34: {  	[smem:$0x3FB7] =	sst s10  }
0x35: {  	s10 =	sld [smem:$0x3FB6];
	_ =	sdelay $0x3  }
0x36: {  	p1 =	seq.s32 s10, $0x1;
	s10 =	sld [smem:$0x3FB7];
	_ =	sdelay $0x3  }
0x37: {  	[smem:$0x3FB7] =	sst s10  }
0x38: {  	s10 =	sld [smem:$0x3FB8]  }
0x39: {  	_ = 	snop;
	(pc) =	sbr.ind lr, $3  }
0x3a: {  	_ = 	snop  }
0x3b: {  	_ = 	snop  }
0x3c: {  	p2 =	seq.s32 s10, $0x1;
	s10 =	sld [smem:$0x3FB7]  }
0x3d: {  	_ =	shalt  }
0x3e: {  	_ =	shalt  }
0x3f: {  	_ =	shalt  }
0x40: {  	_ =	shalt  }
0x41: {  	_ =	shalt  }
0x42: {  	_ =	shalt  }
0x43: {  	_ =	shalt  }
0x44: {  	_ =	shalt  }
0x45: {  	_ =	shalt  }
0x46: {  	_ =	shalt  }
0x47: {  	_ =	shalt  }
0x48: {  	_ =	shalt  }
0x49: {  	_ =	shalt  }
0x4a: {  	_ =	shalt  }
0x4b: {  	_ =	shalt  }
0x4c: {  	_ =	shalt  }
0x4d: {  	_ =	shalt  }
0x4e: {  	_ =	shalt  }
0x4f: {  	_ =	shalt  }
0x50: {  	_ =	shalt  }
0x51: {  	_ =	shalt  }
0x52: {  	_ =	shalt  }
0x53: {  	_ =	shalt  }
0x54: {  	_ =	shalt  }
0x55: {  	_ =	shalt  }
0x56: {  	_ =	shalt  }
0x57: {  	_ =	shalt  }
0x58: {  	_ =	shalt  }
0x59: {  	_ =	shalt  }
0x5a: {  	_ =	shalt  }
0x5b: {  	_ =	shalt  }
0x5c: {  	_ =	shalt  }
0x5d: {  	_ =	shalt  }
0x5e: {  	_ =	shalt  }
0x5f: {  	_ =	shalt  }
0x60: {  	_ =	shalt  }
0x61: {  	_ =	shalt  }
0x62: {  	_ =	shalt  }
0x63: {  	_ =	shalt  }
0x64: {  	_ =	shalt  }
0x65: {  	_ =	shalt  }
0x66: {  	_ =	shalt  }
0x67: {  	_ =	shalt  }
0x68: {  	_ =	shalt  }
0x69: {  	_ =	shalt  }
0x6a: {  	_ =	shalt  }
0x6b: {  	_ =	shalt  }
0x6c: {  	_ =	shalt  }
0x6d: {  	_ =	shalt  }
0x6e: {  	_ =	shalt  }
0x6f: {  	_ =	shalt  }
0x70: {  	_ =	shalt  }
0x71: {  	_ =	shalt  }
0x72: {  	_ =	shalt  }
0x73: {  	_ =	shalt  }
0x74: {  	_ =	shalt  }
0x75: {  	_ =	shalt  }
0x76: {  	_ =	shalt  }
0x77: {  	_ =	shalt  }
0x78: {  	_ =	shalt  }
0x79: {  	_ =	shalt  }
0x7a: {  	_ =	shalt  }
0x7b: {  	_ =	shalt  }
0x7c: {  	_ =	shalt  }
0x7d: {  	_ =	shalt  }
0x7e: {  	_ =	shalt  }
0x7f: {  	_ =	shalt  }
0x80: {  	_ =	shalt  }
0x81: {  	_ =	shalt  }
0x82: {  	_ =	shalt  }
0x83: {  	_ =	shalt  }
0x84: {  	_ =	shalt  }
0x85: {  	_ =	shalt  }
0x86: {  	_ =	shalt  }
0x87: {  	_ =	shalt  }
.Lfunc_end0:
.L_simem_size_0:
called_computation.1_lowered:
.L_overlay_start_0:
0x88: {  	s2 =	sld [smem:$0x3FD9]  }
0x89: {  	s3 =	sld [smem:$0x3FFE];
	_ =	sdelay $0x1  }
0x8a: {  	s1 =	srdreg.scid  }
0x8b: {  	s0 =	sand.u32 $0x1, s1  }
0x8c: {  	s17 =	sshll.u32 s0, $0xA;
	s2 =	sadd.s32 s3, s2  }
0x8d: {  	s2 =	sadd.s32 s2, s17  }
0x8e: {  	[smem:$0x3FC3] =	sst s2  }
0x8f: {  	_ = 	snop  }
0x90: {  	s2 =	sld [smem:$0x3FD0];
	(tm) =	ssettm $0x1  }
0x91: {  	s18 =	sld [smem:$0x3FFB];
	_ =	sdelay $0x3  }
0x92: {  	_ =	strace s18  }
0x93: {  	s3 =	sld [smem:$0x3FFC];
	_ =	sdelay $0x3  }
0x94: {  	_ =	strace s3  }
0x95: {  	s3 =	sld [smem:$0x3FFD];
	_ =	sdelay $0x3  }
0x96: {  	_ =	strace s3  }
0x97: {  	_ =	strace $0x8FFFFFFF  }
0x98: {  	s19 =	sld [smem:$0x3FDB];
	_ =	sdelay $0x1  }
0x99: {  	s4 =	simm.s32 $_scs_section_size  }
0x9a: {  	s5 =	simm.s32 $_size__tile_overlayer_lowered;
	s6 =	simm.s32 $_tile_overlayer_lowered  }
0x9b: {  	s22 =	simm.s32 $0x1BFF;
	s21 =	sshll.u32 s6, $0x1;
	s3 =	sadd.s32 s4, s19  }
0x9c: {  	s7 =	simm.s32 $0x0;
	s20 =	sshll.u32 s5, $0x1;
	s5 =	sadd.s32 s21, s3  }
0x9d: {  	[timem:s7], [sflag:s22] =	dma.local [hbm:s5], s20  }
0x9e: {  	_ =	swait.ge [sflag:s22], s20  }
0x9f: {  	s4 =	ssub.s32 $0x0, s20;
	[sflag:s22] =	ssyncset.done $0x0  }
0xa0: {  	[sflag:s22] =	ssyncadd.s32 s4;
	_ =	sdelay $0x1  }
0xa1: {  	s23 =	simm.s32 $0x1B8B  }
0xa2: {  	_ =	swait.ge [sflag:s23], $0x1  }
0xa3: {  	[sflag:s23] =	ssyncset.done $0x0  }
0xa4: {  	s25 =	simm.s32 $0x1B8E;
	s24 =	sld [smem:$0x3FFE];
	[sflag:s23] =	ssyncadd.s32 $0xFFFFFFFF  }
0xa5: {  	s26 =	simm.s32 $execute0_lowered;
	[smem:$0x3FD2] =	sst s25  }
0xa6: {  	s5 =	sshll.u32 s26, $0x1;
	_ =	strace $0x80000049;
	[dreg:$0x1] =	wrdreg $0xFFFFFFFF  }
0xa7: {  	s28 =	simm.s32 $_size_execute0_lowered;
	s3 =	sadd.s32 s3, s5;
	[dreg:$0x0] =	wrdreg $0x0  }
0xa8: {  	s5 =	sshll.u32 s28, $0x1;
	[dreg:$0x2] =	wrdreg s3  }
0xa9: {  	[dreg:$0x3] =	wrdreg s5  }
0xaa: {  	[dreg:$0x4] =	wrdreg $0xC0  }
0xab: {  	_ =	task [dreg:s7], $0x5FFFF  }
0xac: {  	[dreg:$0x1] =	wrdreg $0xFFFFFFFF  }
0xad: {  	[dreg:$0x0] =	wrdreg $0x60  }
0xae: {  	[dreg:$0x2] =	wrdreg s2  }
0xaf: {  	[dreg:$0x3] =	wrdreg s24  }
0xb0: {  	[dreg:$0x4] =	wrdreg $0xBE200  }
0xb1: {  	[dreg:$0x5] =	wrdreg $0x9  }
0xb2: {  	_ =	task.clear_ibuf [dreg:s7], $0x6FFFF;
	_ =	strace $0x90000049  }
0xb3: {  	s29 =	simm.s32 $0x9;
	_ =	strace $0x8000004B  }
0xb4: {  	_ =	swait.ge [sflag:s29], $0x1  }
0xb5: {  	[sflag:s29] =	ssyncadd.s32 $0xFFFFFFFF  }
0xb6: {  	_ =	strace $0x9000004B  }
0xb7: {  	_ =	sfence  }
0xb8: {  	s30 =	sld [smem:$0x0];
	_ =	sdelay $0x2  }
0xb9: {  	s31 =	sshll.u32 s1, $0xD;
	s1 =	sshrl.u32 s1, $0x2  }
0xba: {  	s3 =	sand.u32 $0x4000, s31;
	s1 =	sadd.s32 s1, s30  }
0xbb: {  	s0 =	sor.u32 s3, s0;
	s1 =	sshll.u32 s1, $0x11  }
0xbc: {  	s0 =	sor.u32 s1, s0  }
0xbd: {  	s0 =	sadd.s32 $0x8F2B, s0  }
0xbe: {  	[sflag:s0] =	ssyncadd.remote.s32 $0x1  }
0xbf: {  	_ =	sfence.sel $0xFFFF  }
0xc0: {  	[dreg:$0x0] =	wrdreg $0xFFFFFFFF;
	(pc) =	sbr.abs _section_cstart, $3  }
0xc1: {  	[dreg:$0x1] =	wrdreg $0xFFFFFFFF  }
0xc2: {  	_ =	task.clear_ibuf [dreg:s7], $0x2FFFF;
	_ =	strace $0x9FFFFFFF  }
0xc3: {  	(tm) =	ssettm $0x7FFFFFFF  }
tec
execute0_lowered:
.L_overlay_start_1:
0x0: {  	(tag) =	ssettag $0x1  }
0x1: {  	s1 =	rddreg [dreg:$0x0]  }
0x2: {  	s0 =	srdreg.scid;
	s5 =	rddreg [dreg:$0x1]  }
0x3: {  	s8 =	stileid.u32;
	s3 =	rddreg [dreg:$0x2];
	s4 =	simm.s32 $0x0  }
0x4: {  	s0 =	sand.u32 $0x1, s0;
	[smem:$0x7FF] =	sst s4;
	s7 =	smul.u32 $0x13C00, s8  }
0x5: {  	s2 =	sshll.u32 s0, $0x4;
	s6 =	smul.u32 $0x13C000, s0;
	s0 =	ssub.s32 $0x2, s0  }
0x6: {  	s2 =	sor.u32 s8, s2;
	s8 =	smul.u32 $0x4F000, s8;
	s9 =	sshrl.u32 s0, $0x1  }
0x7: {  	s2 =	smul.u32 $0x4E2, s2;
	s6 =	sadd.s32 s7, s6;
	s0 =	ssub.s32 s0, s9  }
0x8: {  	s6 =	sshrl.u32 s6, $0x3;
	s8 =	sshrl.u32 s8, $0x2;
	s0 =	smax.u32 s0, $0x1  }
0x9: {  	s2 =	sadd.s32 s2, s5;
	s6 =	sadd.s32 s6, s5;
	s5 =	sadd.s32 s8, s3  }
0xa: {  	_ =	strace $0x8000004A;
	[dreg:$0x9] =	wrdreg s0;
	s8 =	sadd.s32 $0x12400, s5  }
0xb: {  	s14 =	sadd.s32 $0xAE00, s2;
	[dreg:$0x4] =	wrdreg s8  }
0xc: {  	s15 =	sadd.s32 $0x1000, s2;
	[dreg:$0x5] =	wrdreg s14  }
0xd: {  	s2 =	sadd.s32 $0x14C00, s2;
	[dreg:$0x6] =	wrdreg s15  }
0xe: {  	s16 =	sadd.s32 $0x1EA00, s6;
	[dreg:$0x7] =	wrdreg s2  }
0xf: {  	s29 =	simm.s32 $0x4EC0;
	s18 =	sadd.s32 $0x1800, s5;
	[dreg:$0x8] =	wrdreg s16  }
0x10: {  	s30 =	simm.s32 $0x30;
	s19 =	sadd.s32 $0x3000, s5;
	[dreg:$0xa] =	wrdreg s18  }
0x11: {  	s31 =	simm.s32 $0x8E20;
	s20 =	sadd.s32 $0x4800, s5;
	[dreg:$0xb] =	wrdreg s19  }
0x12: {  	s28 =	simm.s32 $0xA620;
	s21 =	sadd.s32 $0x6000, s5;
	[dreg:$0xc] =	wrdreg s20  }
0x13: {  	s17 =	sadd.s32 s7, s3;
	s22 =	sadd.s32 $0x7800, s5;
	[dreg:$0xd] =	wrdreg s21  }
0x14: {  	s7 =	simm.s32 $0x3;
	s23 =	sadd.s32 $0x9000, s5;
	[dreg:$0xe] =	wrdreg s22  }
0x15: {  	s9 =	simm.s32 $0x6;
	s24 =	sadd.s32 $0xA800, s5;
	[dreg:$0xf] =	wrdreg s23  }
0x16: {  	s0 =	simm.s32 $0x2;
	s25 =	sadd.s32 $0xC000, s5;
	[dreg:$0x10] =	wrdreg s24  }
0x17: {  	s26 =	sadd.s32 $0xD800, s5;
	s6 =	simm.s32 $0x4;
	[dreg:$0x11] =	wrdreg s25  }
0x18: {  	[dreg:$0x12] =	wrdreg s26;
	s21 =	sadd.s32 $0xF000, s5;
	s22 =	sadd.s32 $0x10800, s5  }
0x19: {  	s23 =	sadd.s32 $0x12000, s5;
	s24 =	simm.s32 $0x7620;
	s25 =	sshrl.u32 s17, $0x3  }
0x1a: {  	v0 =	vimm.f32 $0.0e+00;
	v1 =	vimm.s32 $0x0;
	v2 =	vimm.s32 $0x2740;
	s26 =	simm.s32 $0x7;
	s2 =	simm.s32 $0x1;
	s8 =	simm.s32 $0x5  }
.LBB2_1:
0x1b: {  	s10 =	simm.s32 $0x0;
	s11 =	simm.s32 $0x200  }
.LBB2_2:
0x1c: {  	p0 =	sne.s32 s11, $0x5E00;
	[tilespmem:s10+$0x7690] =	vst v0  }
0x1d: {  	[tilespmem:s10+$0x7620] =	vst v0  }
0x1e: {  	[tilespmem:s10+$0x7630] =	vst v0  }
.Ltmp0:
0x1f: {  	[tilespmem:s10+$0x7640] =	vst v0;
	(pc) =	sbr.rel @p0 .LBB2_2-.Ltmp0, $4  }
0x20: {  	[tilespmem:s10+$0x7650] =	vst v0  }
0x21: {  	[tilespmem:s10+$0x7660] =	vst v0  }
0x22: {  	[tilespmem:s10+$0x7670] =	vst v0  }
0x23: {  	[tilespmem:s10+$0x7680] =	vst v0;
	s10 =	sshra.s32 s11, $0x2;
	s11 =	sadd.s32 $0x200, s11  }
0x24: {  	[tilespmem:s10+$0x7690] =	vst v0  }
0x25: {  	[tilespmem:s10+$0x7620] =	vst v0  }
0x26: {  	[tilespmem:s10+$0x7630] =	vst v0  }
0x27: {  	[tilespmem:s10+$0x7640] =	vst v0  }
0x28: {  	[tilespmem:s10+$0x7650] =	vst v0  }
0x29: {  	[tilespmem:s10+$0x7660] =	vst v0  }
0x2a: {  	[tilespmem:s10+$0x7670] =	vst v0  }
0x2b: {  	[tilespmem:s10+$0x7680] =	vst v0  }
0x2c: {  	[spmem:s5] =	stream.linear.scatter [tilespmem:s24], [sflag:$0x7], $0x1800, $0x38;
	[tilespmem:$0x1FA20] =	vst v63  }
0x2d: {  	_ =	swait.ge [sflag:s26], $0x1800  }
0x2e: {  	[sflag:s26] =	ssyncset.done $0x0  }
0x2f: {  	s19 =	rddreg [dreg:$0xa];
	[sflag:s26] =	ssyncadd.s32 $0xFFFFE800  }
0x30: {  	[spmem:s19] =	stream.linear.scatter [tilespmem:s24], [sflag:$0x7], $0x1800, $0x38;
	[tilespmem:$0x1FA20] =	vst v63  }
0x31: {  	_ =	swait.ge [sflag:s26], $0x1800  }
0x32: {  	[sflag:s26] =	ssyncset.done $0x0  }
0x33: {  	s20 =	rddreg [dreg:$0xb];
	[sflag:s26] =	ssyncadd.s32 $0xFFFFE800  }
0x34: {  	[spmem:s20] =	stream.linear.scatter [tilespmem:s24], [sflag:$0x7], $0x1800, $0x38;
	[tilespmem:$0x1FA20] =	vst v63  }
0x35: {  	_ =	swait.ge [sflag:s26], $0x1800  }
0x36: {  	[sflag:s26] =	ssyncset.done $0x0  }
0x37: {  	s11 =	rddreg [dreg:$0xc];
	[sflag:s26] =	ssyncadd.s32 $0xFFFFE800  }
0x38: {  	[spmem:s11] =	stream.linear.scatter [tilespmem:s24], [sflag:$0x7], $0x1800, $0x38;
	[tilespmem:$0x1FA20] =	vst v63  }
0x39: {  	_ =	swait.ge [sflag:s26], $0x1800  }
0x3a: {  	[sflag:s26] =	ssyncset.done $0x0  }
0x3b: {  	s12 =	rddreg [dreg:$0xd];
	[sflag:s26] =	ssyncadd.s32 $0xFFFFE800  }
0x3c: {  	[spmem:s12] =	stream.linear.scatter [tilespmem:s24], [sflag:$0x7], $0x1800, $0x38;
	[tilespmem:$0x1FA20] =	vst v63  }
0x3d: {  	_ =	swait.ge [sflag:s26], $0x1800  }
0x3e: {  	[sflag:s26] =	ssyncset.done $0x0  }
0x3f: {  	s13 =	rddreg [dreg:$0xe];
	[sflag:s26] =	ssyncadd.s32 $0xFFFFE800  }
0x40: {  	[spmem:s13] =	stream.linear.scatter [tilespmem:s24], [sflag:$0x7], $0x1800, $0x38;
	[tilespmem:$0x1FA20] =	vst v63  }
0x41: {  	_ =	swait.ge [sflag:s26], $0x1800  }
0x42: {  	[sflag:s26] =	ssyncset.done $0x0  }
0x43: {  	s14 =	rddreg [dreg:$0xf];
	[sflag:s26] =	ssyncadd.s32 $0xFFFFE800  }
0x44: {  	[spmem:s14] =	stream.linear.scatter [tilespmem:s24], [sflag:$0x7], $0x1800, $0x38;
	[tilespmem:$0x1FA20] =	vst v63  }
0x45: {  	_ =	swait.ge [sflag:s26], $0x1800  }
0x46: {  	[sflag:s26] =	ssyncset.done $0x0  }
0x47: {  	s15 =	rddreg [dreg:$0x10];
	[sflag:s26] =	ssyncadd.s32 $0xFFFFE800  }
0x48: {  	[spmem:s15] =	stream.linear.scatter [tilespmem:s24], [sflag:$0x7], $0x1800, $0x38;
	[tilespmem:$0x1FA20] =	vst v63  }
0x49: {  	_ =	swait.ge [sflag:s26], $0x1800  }
0x4a: {  	[sflag:s26] =	ssyncset.done $0x0  }
0x4b: {  	s16 =	rddreg [dreg:$0x11];
	[sflag:s26] =	ssyncadd.s32 $0xFFFFE800  }
0x4c: {  	[spmem:s16] =	stream.linear.scatter [tilespmem:s24], [sflag:$0x7], $0x1800, $0x38;
	[tilespmem:$0x1FA20] =	vst v63  }
0x4d: {  	_ =	swait.ge [sflag:s26], $0x1800  }
0x4e: {  	[sflag:s26] =	ssyncset.done $0x0  }
0x4f: {  	s17 =	rddreg [dreg:$0x12];
	[sflag:s26] =	ssyncadd.s32 $0xFFFFE800  }
0x50: {  	[spmem:s17] =	stream.linear.scatter [tilespmem:s24], [sflag:$0x7], $0x1800, $0x38;
	[tilespmem:$0x1FA20] =	vst v63  }
0x51: {  	_ =	swait.ge [sflag:s26], $0x1800  }
0x52: {  	[sflag:s26] =	ssyncset.done $0x0  }
0x53: {  	[sflag:s26] =	ssyncadd.s32 $0xFFFFE800  }
0x54: {  	[spmem:s21] =	stream.linear.scatter [tilespmem:s24], [sflag:$0x7], $0x1800, $0x38;
	[tilespmem:$0x1FA20] =	vst v63  }
0x55: {  	_ =	swait.ge [sflag:s26], $0x1800  }
0x56: {  	[sflag:s26] =	ssyncset.done $0x0  }
0x57: {  	[sflag:s26] =	ssyncadd.s32 $0xFFFFE800  }
0x58: {  	[spmem:s22] =	stream.linear.scatter [tilespmem:s24], [sflag:$0x7], $0x1800, $0x38;
	[tilespmem:$0x1FA20] =	vst v63  }
0x59: {  	_ =	swait.ge [sflag:s26], $0x1800  }
0x5a: {  	[sflag:s26] =	ssyncset.done $0x0  }
0x5b: {  	[sflag:s26] =	ssyncadd.s32 $0xFFFFE800  }
0x5c: {  	[spmem:s23] =	stream.linear.scatter [tilespmem:s24], [sflag:$0x7], $0x1800, $0x38;
	[tilespmem:$0x1FA20] =	vst v63  }
0x5d: {  	_ =	swait.ge [sflag:s26], $0x1800  }
0x5e: {  	[sflag:s26] =	ssyncset.done $0x0  }
0x5f: {  	s18 =	rddreg [dreg:$0x4];
	[sflag:s26] =	ssyncadd.s32 $0xFFFFE800  }
0x60: {  	[spmem:s18] =	stream.linear.scatter [tilespmem:s24], [sflag:$0x7], $0x1800, $0x38;
	[tilespmem:$0x1FA20] =	vst v63  }
0x61: {  	_ =	swait.ge [sflag:s26], $0x1800  }
0x62: {  	[sflag:s26] =	ssyncset.done $0x0  }
0x63: {  	s10 =	simm.s32 $0x0;
	s11 =	rddreg [dreg:$0x5];
	[sflag:s26] =	ssyncadd.s32 $0xFFFFE800  }
0x64: {  	[tilespmem:s10], [sflag:$0x7] =	stream.linear.gather [hbm4b:s11+s10], $0x2710, $0x38;
	[tilespmem:$0x1FA20] =	vst v63  }
0x65: {  	_ =	swait.ge [sflag:s26], $0x2710  }
0x66: {  	[sflag:s26] =	ssyncset.done $0x0  }
0x67: {  	s12 =	simm.s32 $0x2760;
	s19 =	rddreg [dreg:$0x6];
	[sflag:s26] =	ssyncadd.s32 $0xFFFFD8F0  }
0x68: {  	[tilespmem:s12], [sflag:$0x7] =	stream.linear.gather [hbm4b:s19+s10], $0x2710, $0x38;
	[tilespmem:$0x1FA20] =	vst v63  }
0x69: {  	_ =	swait.ge [sflag:s26], $0x2710  }
0x6a: {  	[sflag:s26] =	ssyncset.done $0x0  }
0x6b: {  	s20 =	rddreg [dreg:$0x7];
	[sflag:s26] =	ssyncadd.s32 $0xFFFFD8F0  }
0x6c: {  	[tilespmem:s29], [sflag:$0x7] =	stream.linear.gather [hbm4b:s20+s10], $0x2710, $0x38;
	[tilespmem:$0x1FA20] =	vst v63  }
0x6d: {  	_ =	swait.ge [sflag:s26], $0x2710  }
0x6e: {  	[sflag:s26] =	ssyncset.done $0x0  }
0x6f: {  	[sflag:s26] =	ssyncadd.s32 $0xFFFFD8F0  }
0x70: {  	[tilespmem:$0x2710] =	vst v1  }
0x71: {  	[tilespmem:$0x4E70] =	vst v2  }
0x72: {  	[tilespmem:$0x75D0] =	vst v0  }
0x73: {  	[tilespmem:$0x2720] =	vst v1  }
0x74: {  	[tilespmem:$0x4E80] =	vst v2  }
0x75: {  	[tilespmem:$0x75E0] =	vst v0  }
0x76: {  	[tilespmem:$0x2730] =	vst v1  }
0x77: {  	[tilespmem:$0x4E90] =	vst v2  }
0x78: {  	[tilespmem:$0x75F0] =	vst v0  }
0x79: {  	[tilespmem:$0x2740] =	vst v1  }
0x7a: {  	[tilespmem:$0x4EA0] =	vst v2  }
0x7b: {  	[tilespmem:$0x7600] =	vst v0  }
0x7c: {  	[tilespmem:$0x2750] =	vst v1  }
0x7d: {  	[tilespmem:$0x4EB0] =	vst v2  }
0x7e: {  	s13 =	simm.s32 $0x0;
	[tilespmem:$0x7610] =	vst v0  }
0x7f: {  	s11 =	simm.s32 $0x30;
	s12 =	simm.s32 $0x60;
	[bflag:$0x0] =	sbarrier.arrive $0xFFFF  }
0x80: {  	[tilespmem:s24], [sflag:$0x1] =	stream.indirect.gather [hbm4b:s1+s11], $0x80, s10, s11, $0xb8;
	[tilespmem:$0x1FA20] =	vst v63  }
.LBB2_4:
0x81: {  	s14 =	smul.u32 $0x3, s13  }
0x82: {  	p0 =	seq.s32 s13, $0x0  }
0x83: {  	s16 =	simm.s32 @!p0 $0x5;
	s15 =	smul.u32 $0xC0, s14  }
0x84: {  	_ =	swait.ge @!p0 [sflag:s16], $0x1800  }
0x85: {  	[sflag:s16] =	ssyncset.done @!p0 $0x0;
	s14 =	sadd.s32 $0xC0, s15  }
0x86: {  	[sflag:s16] =	ssyncadd.s32 @!p0 $0xFFFFE800;
	s14 =	sshra.s32 s14, $0x2  }
0x87: {  	[tilespmem:s31], [sflag:$0x2] =	stream.indirect.gather [hbm4b:s1+s30], $0x80, s14, s30, $0xb8;
	[tilespmem:$0x1FA20] =	vst v63  }
0x88: {  	s20 =	sadd.s32 $0x0, s10;
	_ =	swait.ge [sflag:s2], $0x1800  }
0x89: {  	v3 =	vmov s20;
	[sflag:s2] =	ssyncset.done $0x0  }
0x8a: {  	s17 =	simm.s32 $0x7660;
	[sflag:s2] =	ssyncadd.s32 $0xFFFFE800  }
0x8b: {  	v7 =	vld [tilespmem:s17+$0x30]  }
0x8c: {  	v10 =	vld [tilespmem:s17+$0x10]  }
0x8d: {  	v8 =	vld [tilespmem:s17+$0xFFFFFFC0]  }
0x8e: {  	v4 =	vld.idx.msk [tilespmem:v3+s29+$0x0], $0xffff  }
0x8f: {  	v12 =	vld [tilespmem:s17+$0xFFFFFFE0]  }
0x90: {  	v3 =	vld [tilespmem:s17+$0xFFFFFFF0]  }
0x91: {  	v5 =	vld [tilespmem:s17+$0x20]  }
0x92: {  	v6 =	vld [tilespmem:s17+$0xFFFFFFD0]  }
0x93: {  	v11 =	vmul.f32 v7, v4;
	v7 =	vld [tilespmem:s17+$0x0]  }
0x94: {  	v9 =	vmul.f32 v8, v4  }
0x95: {  	s18 =	simm.s32 $0x7660;
	s16 =	simm.s32 $0x1;
	v8 =	vmul.f32 v12, v4;
	v10 =	vmul.f32 v10, v4  }
.LBB2_5:
0x96: {  	p1 =	sne.s32 s16, $0x2F  }
0x97: {  	v6 =	vmul.f32 v6, v4;
	v5 =	vmul.f32 v5, v4;
	[tilespmem:s17+$0x30] =	vst v11;
	s18 =	sadd.s32 $0x80, s18;
	s19 =	smov.u32 s16;
	s16 =	sadd.s32 $0x1, s16  }
0x98: {  	[tilespmem:s17+$0xFFFFFFC0] =	vst v9;
	v9 =	vmul.f32 v3, v4;
	v4 =	vmul.f32 v7, v4  }
0x99: {  	s19 =	sadd.s32 s19, s10;
	[tilespmem:s17+$0x10] =	vst v10  }
0x9a: {  	v7 =	vmov s19;
	[tilespmem:s17+$0xFFFFFFE0] =	vst v8  }
0x9b: {  	v3 =	vld [tilespmem:s18+$0xFFFFFFF0];
	[tilespmem:s17+$0xFFFFFFF0] =	vst v9  }
0x9c: {  	v8 =	vld [tilespmem:s18+$0x30];
	[tilespmem:s17+$0x0] =	vst v4  }
0x9d: {  	v10 =	vld [tilespmem:s18+$0x10];
	[tilespmem:s17+$0x20] =	vst v5  }
0x9e: {  	v9 =	vld [tilespmem:s18+$0xFFFFFFC0];
	[tilespmem:s17+$0xFFFFFFD0] =	vst v6;
	s17 =	smov.u32 s18  }
0x9f: {  	v4 =	vld.idx.msk [tilespmem:v7+s29+$0x0], $0xffff  }
0xa0: {  	v12 =	vld [tilespmem:s18+$0xFFFFFFE0]  }
0xa1: {  	v5 =	vld [tilespmem:s18+$0x20]  }
.Ltmp1:
0xa2: {  	v6 =	vld [tilespmem:s18+$0xFFFFFFD0];
	(pc) =	sbr.rel @p1 .LBB2_5-.Ltmp1, $3  }
0xa3: {  	v7 =	vld [tilespmem:s18+$0x0];
	_ =	sdelay $0x1  }
0xa4: {  	v9 =	vmul.f32 v9, v4;
	v11 =	vmul.f32 v8, v4  }
0xa5: {  	v10 =	vmul.f32 v10, v4;
	v8 =	vmul.f32 v12, v4  }
0xa6: {  	[tilespmem:s17+$0x30] =	vst v11  }
0xa7: {  	[tilespmem:s17+$0xFFFFFFC0] =	vst v9  }
0xa8: {  	v3 =	vmul.f32 v3, v4;
	[tilespmem:s17+$0x10] =	vst v10  }
0xa9: {  	v5 =	vmul.f32 v5, v4;
	[tilespmem:s17+$0xFFFFFFE0] =	vst v8  }
0xaa: {  	s16 =	smul.u32 $0x240, s13;
	v7 =	vmul.f32 v7, v4;
	[tilespmem:s17+$0xFFFFFFF0] =	vst v3  }
0xab: {  	v3 =	vmul.f32 v6, v4;
	[tilespmem:s17+$0x20] =	vst v5  }
0xac: {  	s18 =	sshra.s32 s16, $0x2;
	[tilespmem:s17+$0x0] =	vst v7  }
0xad: {  	s19 =	sadd.s32 $0x2760, s18;
	[tilespmem:s17+$0xFFFFFFD0] =	vst v3;
	s17 =	simm.s32 @!p0 $0x6  }
0xae: {  	[spmem:s3] =	stream.indirect.scatter.add.f32 [tilespmem:s24], [sflag:$0x4], $0x80, s19, s30, $0xb8;
	[tilespmem:$0x1FA20] =	vst v63  }
0xaf: {  	_ =	swait.ge @!p0 [sflag:s17], $0x1800  }
0xb0: {  	s15 =	sadd.s32 $0x180, s15;
	[sflag:s17] =	ssyncset.done @!p0 $0x0  }
0xb1: {  	s15 =	sshra.s32 s15, $0x2;
	[sflag:s17] =	ssyncadd.s32 @!p0 $0xFFFFE800  }
0xb2: {  	[tilespmem:s28], [sflag:$0x3] =	stream.indirect.gather [hbm4b:s1+s30], $0x80, s15, s30, $0xb8;
	[tilespmem:$0x1FA20] =	vst v63  }
0xb3: {  	s20 =	sadd.s32 $0x0, s11;
	_ =	swait.ge [sflag:s0], $0x1800  }
0xb4: {  	v3 =	vmov s20;
	[sflag:s0] =	ssyncset.done $0x0  }
0xb5: {  	s17 =	simm.s32 $0x8E60;
	[sflag:s0] =	ssyncadd.s32 $0xFFFFE800  }
0xb6: {  	v7 =	vld [tilespmem:s17+$0x30]  }
0xb7: {  	v10 =	vld [tilespmem:s17+$0x10]  }
0xb8: {  	v8 =	vld [tilespmem:s17+$0xFFFFFFC0]  }
0xb9: {  	v4 =	vld.idx.msk [tilespmem:v3+s29+$0x0], $0xffff  }
0xba: {  	v12 =	vld [tilespmem:s17+$0xFFFFFFE0]  }
0xbb: {  	v3 =	vld [tilespmem:s17+$0xFFFFFFF0]  }
0xbc: {  	v5 =	vld [tilespmem:s17+$0x20]  }
0xbd: {  	v6 =	vld [tilespmem:s17+$0xFFFFFFD0]  }
0xbe: {  	v11 =	vmul.f32 v7, v4;
	v7 =	vld [tilespmem:s17+$0x0]  }
0xbf: {  	v9 =	vmul.f32 v8, v4  }
0xc0: {  	s18 =	simm.s32 $0x1;
	s19 =	simm.s32 $0x8E60;
	v8 =	vmul.f32 v12, v4;
	v10 =	vmul.f32 v10, v4  }
.LBB2_7:
0xc1: {  	p0 =	sne.s32 s18, $0x2F  }
0xc2: {  	v6 =	vmul.f32 v6, v4;
	v5 =	vmul.f32 v5, v4;
	[tilespmem:s17+$0x30] =	vst v11;
	s19 =	sadd.s32 $0x80, s19;
	s20 =	smov.u32 s18;
	s18 =	sadd.s32 $0x1, s18  }
0xc3: {  	[tilespmem:s17+$0xFFFFFFC0] =	vst v9;
	v9 =	vmul.f32 v3, v4;
	v4 =	vmul.f32 v7, v4  }
0xc4: {  	s20 =	sadd.s32 s20, s11;
	[tilespmem:s17+$0x10] =	vst v10  }
0xc5: {  	v7 =	vmov s20;
	[tilespmem:s17+$0xFFFFFFE0] =	vst v8  }
0xc6: {  	v3 =	vld [tilespmem:s19+$0xFFFFFFF0];
	[tilespmem:s17+$0xFFFFFFF0] =	vst v9  }
0xc7: {  	v8 =	vld [tilespmem:s19+$0x30];
	[tilespmem:s17+$0x0] =	vst v4  }
0xc8: {  	v10 =	vld [tilespmem:s19+$0x10];
	[tilespmem:s17+$0x20] =	vst v5  }
0xc9: {  	v9 =	vld [tilespmem:s19+$0xFFFFFFC0];
	[tilespmem:s17+$0xFFFFFFD0] =	vst v6;
	s17 =	smov.u32 s19  }
0xca: {  	v4 =	vld.idx.msk [tilespmem:v7+s29+$0x0], $0xffff  }
0xcb: {  	v12 =	vld [tilespmem:s19+$0xFFFFFFE0]  }
0xcc: {  	v5 =	vld [tilespmem:s19+$0x20]  }
.Ltmp2:
0xcd: {  	v6 =	vld [tilespmem:s19+$0xFFFFFFD0];
	(pc) =	sbr.rel @p0 .LBB2_7-.Ltmp2, $3  }
0xce: {  	v7 =	vld [tilespmem:s19+$0x0];
	_ =	sdelay $0x1  }
0xcf: {  	v9 =	vmul.f32 v9, v4;
	v11 =	vmul.f32 v8, v4  }
0xd0: {  	v10 =	vmul.f32 v10, v4;
	v8 =	vmul.f32 v12, v4  }
0xd1: {  	[tilespmem:s17+$0x30] =	vst v11  }
0xd2: {  	[tilespmem:s17+$0xFFFFFFC0] =	vst v9  }
0xd3: {  	v3 =	vmul.f32 v3, v4;
	[tilespmem:s17+$0x10] =	vst v10  }
0xd4: {  	v5 =	vmul.f32 v5, v4;
	[tilespmem:s17+$0xFFFFFFE0] =	vst v8  }
0xd5: {  	v7 =	vmul.f32 v7, v4;
	[tilespmem:s17+$0xFFFFFFF0] =	vst v3  }
0xd6: {  	v3 =	vmul.f32 v6, v4;
	[tilespmem:s17+$0x20] =	vst v5  }
0xd7: {  	[tilespmem:s17+$0x0] =	vst v7  }
0xd8: {  	s14 =	sadd.s32 $0x2760, s14;
	[tilespmem:s17+$0xFFFFFFD0] =	vst v3  }
0xd9: {  	[spmem:s3] =	stream.indirect.scatter.add.f32 [tilespmem:s31], [sflag:$0x5], $0x80, s14, s30, $0xb8;
	[tilespmem:$0x1FA20] =	vst v63  }
0xda: {  	p0 =	seq.s32 s13, $0x45;
	_ =	swait.ge [sflag:s6], $0x1800  }
0xdb: {  	s17 =	simm.s32 @!p0 $0x7620;
	s14 =	sshra.s32 @!p0 s16, $0x2;
	[sflag:s6] =	ssyncset.done $0x0  }
0xdc: {  	s16 =	simm.s32 @!p0 $0x30;
	s14 =	sadd.s32 @!p0 $0x90, s14;
	[sflag:s6] =	ssyncadd.s32 $0xFFFFE800  }
0xdd: {  	[tilespmem:s17], [sflag:$0x1] =	stream.indirect.gather @!p0 [hbm4b:s1+s16], $0x80, s14, s16, $0xb8;
	[tilespmem:$0x1FA20] =	vst v63  }
0xde: {  	s20 =	sadd.s32 $0x0, s12;
	_ =	swait.ge [sflag:s7], $0x1800  }
0xdf: {  	v3 =	vmov s20;
	[sflag:s7] =	ssyncset.done $0x0  }
0xe0: {  	s14 =	simm.s32 $0xA660;
	[sflag:s7] =	ssyncadd.s32 $0xFFFFE800  }
0xe1: {  	v7 =	vld [tilespmem:s14+$0x30]  }
0xe2: {  	v10 =	vld [tilespmem:s14+$0x10]  }
0xe3: {  	v8 =	vld [tilespmem:s14+$0xFFFFFFC0]  }
0xe4: {  	v4 =	vld.idx.msk [tilespmem:v3+s29+$0x0], $0xffff  }
0xe5: {  	v12 =	vld [tilespmem:s14+$0xFFFFFFE0]  }
0xe6: {  	v3 =	vld [tilespmem:s14+$0xFFFFFFF0]  }
0xe7: {  	v5 =	vld [tilespmem:s14+$0x20]  }
0xe8: {  	v6 =	vld [tilespmem:s14+$0xFFFFFFD0]  }
0xe9: {  	v11 =	vmul.f32 v7, v4;
	v7 =	vld [tilespmem:s14+$0x0]  }
0xea: {  	v9 =	vmul.f32 v8, v4  }
0xeb: {  	s16 =	simm.s32 $0x1;
	s17 =	simm.s32 $0xA660;
	v8 =	vmul.f32 v12, v4;
	v10 =	vmul.f32 v10, v4  }
.LBB2_9:
0xec: {  	p0 =	sne.s32 s16, $0x2F  }
0xed: {  	v6 =	vmul.f32 v6, v4;
	v5 =	vmul.f32 v5, v4;
	[tilespmem:s14+$0x30] =	vst v11;
	s17 =	sadd.s32 $0x80, s17;
	s18 =	smov.u32 s16;
	s16 =	sadd.s32 $0x1, s16  }
0xee: {  	[tilespmem:s14+$0xFFFFFFC0] =	vst v9;
	v9 =	vmul.f32 v3, v4;
	v4 =	vmul.f32 v7, v4  }
0xef: {  	s18 =	sadd.s32 s18, s12;
	[tilespmem:s14+$0x10] =	vst v10  }
0xf0: {  	v7 =	vmov s18;
	[tilespmem:s14+$0xFFFFFFE0] =	vst v8  }
0xf1: {  	v3 =	vld [tilespmem:s17+$0xFFFFFFF0];
	[tilespmem:s14+$0xFFFFFFF0] =	vst v9  }
0xf2: {  	v8 =	vld [tilespmem:s17+$0x30];
	[tilespmem:s14+$0x0] =	vst v4  }
0xf3: {  	v10 =	vld [tilespmem:s17+$0x10];
	[tilespmem:s14+$0x20] =	vst v5  }
0xf4: {  	v9 =	vld [tilespmem:s17+$0xFFFFFFC0];
	[tilespmem:s14+$0xFFFFFFD0] =	vst v6;
	s14 =	smov.u32 s17  }
0xf5: {  	v4 =	vld.idx.msk [tilespmem:v7+s29+$0x0], $0xffff  }
0xf6: {  	v12 =	vld [tilespmem:s17+$0xFFFFFFE0]  }
0xf7: {  	v5 =	vld [tilespmem:s17+$0x20]  }
.Ltmp3:
0xf8: {  	v6 =	vld [tilespmem:s17+$0xFFFFFFD0];
	(pc) =	sbr.rel @p0 .LBB2_9-.Ltmp3, $3  }
0xf9: {  	v7 =	vld [tilespmem:s17+$0x0];
	_ =	sdelay $0x1  }
0xfa: {  	v9 =	vmul.f32 v9, v4;
	v11 =	vmul.f32 v8, v4  }
0xfb: {  	v10 =	vmul.f32 v10, v4;
	v8 =	vmul.f32 v12, v4  }
0xfc: {  	[tilespmem:s14+$0x30] =	vst v11  }
0xfd: {  	[tilespmem:s14+$0xFFFFFFC0] =	vst v9  }
0xfe: {  	v3 =	vmul.f32 v3, v4;
	s13 =	sadd.s32 $0x1, s13;
	[tilespmem:s14+$0x10] =	vst v10  }
0xff: {  	v5 =	vmul.f32 v5, v4;
	[tilespmem:s14+$0xFFFFFFE0] =	vst v8;
	p0 =	sne.s32 s13, $0x46  }
.Ltmp4:
0x100: {  	v7 =	vmul.f32 v7, v4;
	[tilespmem:s14+$0xFFFFFFF0] =	vst v3;
	(pc) =	sbr.rel @p0 .LBB2_4-.Ltmp4, $4  }
0x101: {  	v3 =	vmul.f32 v6, v4;
	[tilespmem:s14+$0x20] =	vst v5  }
0x102: {  	s20 =	sadd.s32 $0x2760, s15;
	[tilespmem:s14+$0x0] =	vst v7  }
0x103: {  	s10 =	sadd.s32 $0x90, s10;
	s11 =	sadd.s32 $0x90, s11;
	s12 =	sadd.s32 $0x90, s12;
	[tilespmem:s14+$0xFFFFFFD0] =	vst v3  }
0x104: {  	[spmem:s3] =	stream.indirect.scatter.add.f32 [tilespmem:s28], [sflag:$0x6], $0x80, s20, s30, $0xb8;
	[tilespmem:$0x1FA20] =	vst v63  }
0x105: {  	_ =	swait.ge [sflag:s8], $0x1800  }
0x106: {  	[sflag:s8] =	ssyncset.done $0x0  }
0x107: {  	[sflag:s8] =	ssyncadd.s32 $0xFFFFE800  }
0x108: {  	_ =	swait.ge [sflag:s9], $0x1800  }
0x109: {  	[sflag:s9] =	ssyncset.done $0x0  }
0x10a: {  	s10 =	stileid.u32;
	[sflag:s9] =	ssyncadd.s32 $0xFFFFE800  }
0x10b: {  	s10 =	sshll.u32 s10, $0x6;
	[bflag:$0x0] =	sbarrier.arrive $0xFFFF  }
0x10c: {  	s10 =	sor.u32 $0x1C07, s10;
	s11 =	rddreg [dreg:$0x8]  }
0x10d: {  	[hbm:s11], [sflag:s10] =	dma.local [spmem:s25], $0x2780  }
0x10e: {  	_ =	swait.ge [sflag:s26], $0x2780  }
0x10f: {  	s4 =	sadd.s32 $0x1, s4;
	s20 =	rddreg [dreg:$0x9]  }
0x110: {  	p0 =	sne.s32 s4, s20  }
.Ltmp5:
0x111: {  	_ = 	snop;
	(pc) =	sbr.rel @p0 .LBB2_1-.Ltmp5, $3  }
0x112: {  	_ =	sdelay $0x1  }
0x113: {  	[sflag:s26] =	ssyncset.done $0x0  }
0x114: {  	[sflag:s26] =	ssyncadd.s32 $0xFFFFD880  }
0x115: {  	_ =	sfence.sel $0x180000  }
0x116: {  	[bflag:$0x0] =	sbarrier.arrive $0xFFFF  }
0x117: {  	_ =	strace $0x9000004A  }
0x118: {  	s0 =	stileid.u32;
	[bflag:$0x2] =	sbarrier.arrive $0xFFFF  }
0x119: {  	p0 =	sne.s32 s0, $0x0;
	s0 =	rddreg [dreg:$0x3]  }
0x11a: {  	s0 =	sadd.s32 @!p0 $0x100000, s0  }
0x11b: {  	[sflag:s0] =	ssyncadd.tile.s32 @!p0 $0x1;
	_ =	shalt  }
.Lfunc_end2:
_tile_overlayer_lowered:
.L_overlay_start_2:
0x11c: {  	(tag) =	ssettag $0x2  }
0x11d: {  	s0 =	rddreg [dreg:$0x0];
	s2 =	stileid.u32  }
0x11e: {  	s1 =	rddreg [dreg:$0x1];
	p0 =	sne.s32 s2, $0x0  }
0x11f: {  	s3 =	rddreg [dreg:$0x2];
	[bflag:$0x3] =	sbarrier.arrive $0xFFFF;
	s2 =	simm.s32 @!p0 $0x1C07  }
0x120: {  	[timem:s3], [sflag:s2] =	dma.local @!p0 [hbm:s0], s1  }
0x121: {  	s0 =	simm.s32 @!p0 $0x7  }
0x122: {  	_ =	swait.ge @!p0 [sflag:s0], s1  }
0x123: {  	s1 =	ssub.s32 @!p0 $0x0, s1;
	[sflag:s0] =	ssyncset.done @!p0 $0x0  }
0x124: {  	[sflag:s0] =	ssyncadd.s32 @!p0 s1  }
0x125: {  	[bflag:$0x3] =	sbarrier.arrive $0xFFFF  }
0x126: {  	_ =	shalt  }

</sc_bundles>
